<compile_context>
chip_gen: v7x
topology: tpu7x:2x2x1
jax: 0.10.2.dev20260603
libtpu: 0.0.44.dev20260713+nightly
codegen_flags: <defaults>
</compile_context>

<pallas_src>
import functools

import jax
import jax.numpy as jnp
import numpy as np
from jax import lax
from jax.experimental import pallas as pl
from jax.experimental.pallas import tpu as pltpu
from jax.experimental.pallas import tpu_sc as plsc

NC = 2
NS = 16
L = 16
NW = NC * NS
CB = 128
G = 8


def _sc_degree(dst_r, nr, gc0, gc1):
    chunks = dst_r.shape[1]
    per_tile = nr // NS
    mesh = plsc.VectorSubcoreMesh(core_axis_name="c", subcore_axis_name="s")

    @functools.partial(
        pl.kernel, mesh=mesh,
        out_type=jax.ShapeDtypeStruct((NC, nr), jnp.float32),
        scratch_types=[
            pltpu.VMEM((chunks, CB), jnp.int32),
            pltpu.VMEM((CB,), jnp.float32),
            pltpu.VMEM((per_tile,), jnp.float32),
            pltpu.VMEM_SHARED((nr,), jnp.float32),
        ],
    )
    def k(dst_hbm, deg_hbm, idx_v, ones_v, zbuf_v, acc_sh):
        cid = lax.axis_index("c")
        sid = lax.axis_index("s")
        wid = cid * NS + sid

        @pl.loop(0, CB // L)
        def _(i):
            ones_v[pl.ds(i * L, L)] = jnp.ones((L,), jnp.float32)

        @pl.loop(0, per_tile // L)
        def _(i):
            zbuf_v[pl.ds(i * L, L)] = jnp.zeros((L,), jnp.float32)

        pltpu.sync_copy(zbuf_v, acc_sh.at[pl.ds(sid * per_tile, per_tile)])
        plsc.subcore_barrier()

        pltpu.sync_copy(dst_hbm.at[wid], idx_v)
        chunks_c = jnp.where(cid == 0, gc0, gc1) * G

        @pl.loop(0, chunks_c)
        def _(j):
            pltpu.sync_copy(ones_v, acc_sh.at[idx_v.at[j]], add=True)

        plsc.subcore_barrier()
        pltpu.sync_copy(acc_sh.at[pl.ds(sid * per_tile, per_tile)],
                        deg_hbm.at[cid, pl.ds(sid * per_tile, per_tile)])

    return k(dst_r)


def _sc_scatter(hp, src_r, dst_r, nr, gc0, gc1):
    chunks = src_r.shape[1]
    d = hp.shape[1]
    rows_per_tile = nr // NS
    zrows = 64
    copies = rows_per_tile // zrows
    assert chunks % G == 0 and G % 2 == 0 and min(gc0, gc1) >= 2
    mesh = plsc.VectorSubcoreMesh(core_axis_name="c", subcore_axis_name="s")

    @functools.partial(
        pl.kernel, mesh=mesh,
        out_type=jax.ShapeDtypeStruct((NC, nr, d), jnp.float32),
        scratch_types=[
            pltpu.VMEM((2, G, CB), jnp.int32),
            pltpu.VMEM((2, G, CB), jnp.int32),
            pltpu.VMEM((2, CB, d), jnp.float32),
            pltpu.SemaphoreType.DMA((2,)),
            pltpu.SemaphoreType.DMA((2,)),
            pltpu.VMEM_SHARED((nr, d), jnp.float32),
        ],
    )
    def k(hp_hbm, src_hbm, dst_hbm, out_hbm,
          sidx_v, didx_v, rows_v, gsem, isem, acc_sh):
        cid = lax.axis_index("c")
        sid = lax.axis_index("s")
        wid = cid * NS + sid

        @pl.loop(0, zrows)
        def _(r):
            for c in range(d // L):
                rows_v[0, r, pl.ds(c * L, L)] = jnp.zeros((L,), jnp.float32)

        for kc in range(copies):
            pltpu.sync_copy(
                rows_v.at[0, pl.ds(0, zrows)],
                acc_sh.at[pl.ds((sid * copies + kc) * zrows, zrows)])
        plsc.subcore_barrier()

        pltpu.sync_copy(src_hbm.at[wid, pl.ds(0, G)], sidx_v.at[0])
        pltpu.sync_copy(dst_hbm.at[wid, pl.ds(0, G)], didx_v.at[0])
        for b in range(2):
            pltpu.async_copy(hp_hbm.at[sidx_v.at[0, b]], rows_v.at[b], gsem.at[b])
        pltpu.async_copy(src_hbm.at[wid, pl.ds(G, G)], sidx_v.at[1], isem.at[1])
        pltpu.async_copy(dst_hbm.at[wid, pl.ds(G, G)], didx_v.at[1], isem.at[1])

        groups_c = jnp.where(cid == 0, gc0, gc1)

        @pl.loop(0, groups_c)
        def _(g):
            gb = lax.rem(g, 2)
            nb = lax.rem(g + 1, 2)
            not_last = g < groups_c - 1

            @pl.when(jnp.logical_and(g >= 1, not_last))
            def _():
                pltpu.async_copy(src_hbm.at[wid, pl.ds((g + 1) * G, G)],
                                 sidx_v.at[nb], isem.at[nb])
                pltpu.async_copy(dst_hbm.at[wid, pl.ds((g + 1) * G, G)],
                                 didx_v.at[nb], isem.at[nb])

            for jp in range(G):
                b = jp % 2
                pltpu.make_async_copy(hp_hbm.at[sidx_v.at[gb, jp]],
                                      rows_v.at[b], gsem.at[b]).wait()
                pltpu.sync_copy(rows_v.at[b], acc_sh.at[didx_v.at[gb, jp]],
                                add=True)
                if jp < G - 2:
                    pltpu.async_copy(hp_hbm.at[sidx_v.at[gb, jp + 2]],
                                     rows_v.at[b], gsem.at[b])
                else:
                    if jp == G - 2:
                        @pl.when(not_last)
                        def _():
                            pltpu.make_async_copy(
                                src_hbm.at[wid, pl.ds(0, G)],
                                sidx_v.at[nb], isem.at[nb]).wait()
                            pltpu.make_async_copy(
                                dst_hbm.at[wid, pl.ds(0, G)],
                                didx_v.at[nb], isem.at[nb]).wait()

                    @pl.when(not_last)
                    def _():
                        pltpu.async_copy(hp_hbm.at[sidx_v.at[nb, jp + 2 - G]],
                                         rows_v.at[b], gsem.at[b])

        plsc.subcore_barrier()
        pltpu.sync_copy(acc_sh.at[pl.ds(sid * rows_per_tile, rows_per_tile)],
                        out_hbm.at[cid, pl.ds(sid * rows_per_tile, rows_per_tile)])

    return k(hp, src_r, dst_r)


def _tc_matmul(x, W, blk):
    n, d_in = x.shape
    d_out = W.shape[1]
    g = n // blk

    def body(x_ref, w_ref, h_ref):
        h_ref[...] = jnp.dot(x_ref[...], w_ref[...],
                             preferred_element_type=jnp.float32)

    return pl.pallas_call(
        body,
        grid=(g,),
        in_specs=[
            pl.BlockSpec((blk, d_in), lambda i: (i, 0)),
            pl.BlockSpec((d_in, d_out), lambda i: (0, 0)),
        ],
        out_specs=pl.BlockSpec((blk, d_out), lambda i: (i, 0)),
        out_shape=jax.ShapeDtypeStruct((n, d_out), jnp.float32),
    )(x, W)


def _tc_scale(h, deg0, deg1, blk):
    n, d_out = h.shape
    g = n // blk

    def body(h_ref, d0_ref, d1_ref, hp_ref, dinv_ref):
        deg = d0_ref[0, 0, :] + d1_ref[0, 0, :] + 1.0
        dinv = lax.rsqrt(deg)
        hp_ref[...] = h_ref[...] * dinv[:, None]
        dinv_ref[0, 0, :] = dinv

    return pl.pallas_call(
        body,
        grid=(g,),
        in_specs=[
            pl.BlockSpec((blk, d_out), lambda i: (i, 0)),
            pl.BlockSpec((1, 1, blk), lambda i: (i, 0, 0)),
            pl.BlockSpec((1, 1, blk), lambda i: (i, 0, 0)),
        ],
        out_specs=[
            pl.BlockSpec((blk, d_out), lambda i: (i, 0)),
            pl.BlockSpec((1, 1, blk), lambda i: (i, 0, 0)),
        ],
        out_shape=[
            jax.ShapeDtypeStruct((n, d_out), jnp.float32),
            jax.ShapeDtypeStruct((g, 1, blk), jnp.float32),
        ],
    )(h, deg0, deg1)


def _tc_combine(P, hp, dinv3, b2, a2, blk):
    n, d_out = hp.shape
    g = n // blk

    def body(p_ref, hp_ref, dinv_ref, b_ref, a_ref, o_ref):
        s = p_ref[0] + p_ref[1] + hp_ref[...]
        dinv = dinv_ref[0, 0, :]
        o = s * dinv[:, None] + b_ref[0, :][None, :]
        o_ref[...] = jnp.where(o >= 0, o, a_ref[0, :][None, :] * o)

    return pl.pallas_call(
        body,
        grid=(g,),
        in_specs=[
            pl.BlockSpec((NC, blk, d_out), lambda i: (0, i, 0)),
            pl.BlockSpec((blk, d_out), lambda i: (i, 0)),
            pl.BlockSpec((1, 1, blk), lambda i: (i, 0, 0)),
            pl.BlockSpec((1, d_out), lambda i: (0, 0)),
            pl.BlockSpec((1, d_out), lambda i: (0, 0)),
        ],
        out_specs=pl.BlockSpec((blk, d_out), lambda i: (i, 0)),
        out_shape=jax.ShapeDtypeStruct((n, d_out), jnp.float32),
    )(P, hp, dinv3, b2, a2)


def _lay(arr, padval, gc, gmax):
    cap = NS * gc * G * CB
    a = jnp.concatenate([arr, jnp.full((cap - arr.shape[0],), padval, jnp.int32)])
    a = a.reshape(NS, gc * G * CB)
    a = jnp.pad(a, ((0, 0), (0, (gmax - gc) * G * CB)), constant_values=padval)
    return a.reshape(NS, gmax * G, CB)


def kernel(x, edge_index, W, b, prelu_a):
    n, d_in = x.shape
    d_out = W.shape[1]
    e = edge_index.shape[1]

    gtot = 2 * (-(-e // (2 * NS * G * CB)))
    gc0 = gtot // 2
    gc1 = gtot - gc0
    gmax = max(gc0, gc1)
    chunks = gmax * G
    nr = 2048 * (-(-(n + 1) // 2048))

    src = edge_index[0].astype(jnp.int32)
    dst = edge_index[1].astype(jnp.int32)
    ep = NS * gtot * G * CB
    pad = ep - e
    pad_src = jnp.asarray(np.arange(pad) % n, dtype=jnp.int32)
    pad_dst = jnp.asarray(n + (np.arange(pad) % (nr - n)), dtype=jnp.int32)
    src = jnp.concatenate([src, pad_src])
    dst = jnp.concatenate([dst, pad_dst])
    ec0 = NS * gc0 * G * CB
    srcp = jnp.concatenate([_lay(src[:ec0], 0, gc0, gmax),
                            _lay(src[ec0:], 0, gc1, gmax)], axis=0)
    dstp = jnp.concatenate([_lay(dst[:ec0], n, gc0, gmax),
                            _lay(dst[ec0:], n, gc1, gmax)], axis=0)

    degp = _sc_degree(dstp, nr, gc0, gc1)

    blk = 1000
    assert n % blk == 0
    g = n // blk
    deg0 = degp[0, :n].reshape(g, 1, blk)
    deg1 = degp[1, :n].reshape(g, 1, blk)

    h = _tc_matmul(x, W, blk)
    hp, dinv3 = _tc_scale(h, deg0, deg1, blk)
    P = _sc_scatter(hp, srcp, dstp, nr, gc0, gc1)
    out = _tc_combine(P, hp, dinv3,
                      b.reshape(1, d_out), prelu_a.reshape(1, d_out), blk)
    return out

# --- scband reference (transcript-rebuilt; emitter-appended) ---
"""Pipeline reference for scband-encoder-ppi-62663572848808 (READ-ONLY COPY).

The authoritative reference and input builder live on the scoring server;
editing this copy changes nothing except your own understanding.
"""

import jax, jax.numpy as jnp
import numpy as np

N = 10000
E = 320000
D_IN = 128
D_OUT = 128


def setup_inputs(seed: int = 0) -> dict:
    key = jax.random.key(seed)
    k1, k2, k3 = jax.random.split(key, 3)
    x = jax.random.normal(k1, (N, D_IN), dtype=jnp.float32)
    edge_index = jax.random.randint(k2, (2, E), 0, N, dtype=jnp.int32)
    # GCNConv weight (glorot-ish) and bias
    W = jax.random.normal(k3, (D_IN, D_OUT), dtype=jnp.float32) * (1.0 / np.sqrt(D_IN))
    b = jnp.zeros((D_OUT,), dtype=jnp.float32)
    # PReLU per-channel weight, torch default init 0.25
    prelu_a = jnp.full((D_OUT,), 0.25, dtype=jnp.float32)
    return {"x": x, "edge_index": edge_index, "W": W, "b": b, "prelu_a": prelu_a}


def reference(x, edge_index, W, b, prelu_a):
    # --- GCNConv: add self-loops, symmetric normalization, linear transform, scatter-add ---
    src = edge_index[0]
    dst = edge_index[1]
    loop = jnp.arange(N, dtype=src.dtype)
    src = jnp.concatenate([src, loop], axis=0)
    dst = jnp.concatenate([dst, loop], axis=0)

    ones = jnp.ones(src.shape[0], dtype=x.dtype)
    deg = jax.ops.segment_sum(ones, dst, num_segments=N)
    deg_inv_sqrt = jnp.where(deg > 0, jax.lax.rsqrt(deg), 0.0)
    norm = deg_inv_sqrt[src] * deg_inv_sqrt[dst]

    h = x @ W  # [N, D_OUT]
    msg = jnp.take(h, src, axis=0) * norm[:, None]  # gather + scale
    out = jax.ops.segment_sum(msg, dst, num_segments=N)  # scatter-add
    out = out + b

    # --- PReLU (per-channel) ---
    out = jnp.where(out >= 0, out, prelu_a[None, :] * out)
    return out

if __name__ == "__main__":
    import jax
    _d = setup_inputs()
    print(jax.jit(kernel)(*tuple(_d.values())))

</pallas_src>

<mosaic_0001>
#map = affine_map<(d0, d1) -> (0, 0, 0)>
#map1 = affine_map<(d0, d1) -> (0, 0)>
module attributes {stable_mosaic.version = 14 : i64} {
  func.func @k(%arg0: i32, %arg1: i32, %arg2: memref<32x80x128xi32, #tpu.memory_space<hbm>>, %arg3: memref<2x10240xf32, #tpu.memory_space<hbm>>, %arg4: memref<80x128xi32, #tpu.memory_space<vmem>>, %arg5: memref<128xf32, #tpu.memory_space<vmem>>, %arg6: memref<640xf32, #tpu.memory_space<vmem>>, %arg7: memref<10240xf32, #tpu.memory_space<vmem_shared>>) attributes {dimension_semantics = [#tpu.dimension_semantics<core_parallel>, #tpu.dimension_semantics<subcore_parallel>], iteration_bounds = array<i64: 2, 16>, scalar_prefetch = 0 : i64, scratch_operands = 4 : i64, tpu.core_type = #tpu.core_type<sc_vector_subcore>, window_params = [{transform_indices = #map}, {transform_indices = #map1}]} {
    %mul3A = arith.constant 16 : i32
    %mul3A_0 = arith.muli %arg0, %mul3A : i32
    %add3A = arith.addi %mul3A_0, %arg1 : i32
    %scan3A = arith.constant 0 : i32
    %scan3A_1 = arith.constant 8 : i32
    %scan3A_2 = arith.addi %scan3A, %scan3A_1 : i32
    %scan3A_3 = arith.constant 1 : i32
    scf.for %scan3A_37 = %scan3A to %scan3A_2 step %scan3A_3  : i32 {
      %mul3A_38 = arith.constant 1 : i32
      %mul3A_39 = arith.muli %scan3A_37, %mul3A_38 : i32
      %add3A_40 = arith.constant 0 : i32
      %add3A_41 = arith.addi %add3A_40, %mul3A_39 : i32
      %broadcast_in_dim3A = arith.constant 1.000000e+00 : f32
      %broadcast_in_dim3A_42 = vector.broadcast %broadcast_in_dim3A : f32 to vector<16xf32>
      %mul3A_43 = arith.constant 16 : i32
      %mul3A_44 = arith.muli %add3A_41, %mul3A_43 : i32
      %swap3A = arith.index_cast %mul3A_44 : i32 to index
      %swap3A_45 = tpu.vector_load %arg5[%swap3A] {strides = array<i32>} : memref<128xf32, #tpu.memory_space<vmem>>, vector<16xf32>,
      %swap3A_46 = vector.shape_cast %swap3A_45 : vector<16xf32> to vector<16xf32>
      %swap3A_47 = vector.shape_cast %broadcast_in_dim3A_42 : vector<16xf32> to vector<16xf32>
      tpu.vector_store %arg5[%swap3A], %swap3A_47 {strides = array<i32>} : memref<128xf32, #tpu.memory_space<vmem>>, vector<16xf32>,
    }
    %scan3A_4 = arith.constant 8 : i32
    %scan3A_5 = arith.constant 0 : i32
    %scan3A_6 = arith.constant 40 : i32
    %scan3A_7 = arith.addi %scan3A_5, %scan3A_6 : i32
    %scan3A_8 = arith.constant 1 : i32
    scf.for %scan3A_37 = %scan3A_5 to %scan3A_7 step %scan3A_8  : i32 {
      %mul3A_38 = arith.constant 1 : i32
      %mul3A_39 = arith.muli %scan3A_37, %mul3A_38 : i32
      %add3A_40 = arith.constant 0 : i32
      %add3A_41 = arith.addi %add3A_40, %mul3A_39 : i32
      %broadcast_in_dim3A = arith.constant 0.000000e+00 : f32
      %broadcast_in_dim3A_42 = vector.broadcast %broadcast_in_dim3A : f32 to vector<16xf32>
      %mul3A_43 = arith.constant 16 : i32
      %mul3A_44 = arith.muli %add3A_41, %mul3A_43 : i32
      %swap3A = arith.index_cast %mul3A_44 : i32 to index
      %swap3A_45 = tpu.vector_load %arg6[%swap3A] {strides = array<i32>} : memref<640xf32, #tpu.memory_space<vmem>>, vector<16xf32>,
      %swap3A_46 = vector.shape_cast %swap3A_45 : vector<16xf32> to vector<16xf32>
      %swap3A_47 = vector.shape_cast %broadcast_in_dim3A_42 : vector<16xf32> to vector<16xf32>
      tpu.vector_store %arg6[%swap3A], %swap3A_47 {strides = array<i32>} : memref<640xf32, #tpu.memory_space<vmem>>, vector<16xf32>,
    }
    %scan3A_9 = arith.constant 40 : i32
    %mul3A_10 = arith.constant 640 : i32
    %mul3A_11 = arith.muli %arg1, %mul3A_10 : i32
    "tpu.region"() ({
      %run_scoped3A = tpu.sem_alloc : memref<!tpu.dma_semaphore, #tpu.memory_space<semaphore_mem>>
      %dma_start3A = tpu.memref_slice %arg7[%mul3A_11] : memref<10240xf32, #tpu.memory_space<vmem_shared>> -> memref<640xf32, #tpu.memory_space<vmem_shared>>
      %dma_start3A_37 = tpu.memref_slice %arg7[%mul3A_11] : memref<10240xf32, #tpu.memory_space<vmem_shared>> -> memref<640xf32, #tpu.memory_space<vmem_shared>>
      tpu.enqueue_dma source(%arg6 : memref<640xf32, #tpu.memory_space<vmem>>) target(%dma_start3A_37 : memref<640xf32, #tpu.memory_space<vmem_shared>>) target_semaphore(%run_scoped3A : memref<!tpu.dma_semaphore, #tpu.memory_space<semaphore_mem>>)
      %dma_wait3A = tpu.memref_slice %arg7[%mul3A_11] : memref<10240xf32, #tpu.memory_space<vmem_shared>> -> memref<640xf32, #tpu.memory_space<vmem_shared>>
      %dma_wait3A_38 = tpu.memref_slice %arg7[%mul3A_11] : memref<10240xf32, #tpu.memory_space<vmem_shared>> -> memref<640xf32, #tpu.memory_space<vmem_shared>>
      tpu.wait_dma2 semaphore(%run_scoped3A : memref<!tpu.dma_semaphore, #tpu.memory_space<semaphore_mem>>) src(%arg6 : memref<640xf32, #tpu.memory_space<vmem>>) dst(%dma_wait3A_38 : memref<640xf32, #tpu.memory_space<vmem_shared>>)
      tpu.yield
    }) : () -> ()
    %barrier3A = arith.constant 0 : index
    tpu.barrier barrier_id(%barrier3A)
    "tpu.region"() ({
      %run_scoped3A = tpu.sem_alloc : memref<!tpu.dma_semaphore, #tpu.memory_space<semaphore_mem>>
      %dma_start3A = arith.constant 0 : i32
      %dma_start3A_37 = arith.constant 0 : i32
      %dma_start3A_38 = tpu.memref_slice %arg2[%add3A, %dma_start3A, %dma_start3A_37] : memref<32x80x128xi32, #tpu.memory_space<hbm>> -> memref<1x80x128xi32, #tpu.memory_space<hbm>>
      %dma_start3A_39 = tpu.memref_squeeze %dma_start3A_38 : memref<1x80x128xi32, #tpu.memory_space<hbm>> -> memref<80x128xi32, #tpu.memory_space<hbm>>
      %dma_start3A_40 = arith.constant 0 : i32
      %dma_start3A_41 = arith.constant 0 : i32
      %dma_start3A_42 = tpu.memref_slice %arg2[%add3A, %dma_start3A_40, %dma_start3A_41] : memref<32x80x128xi32, #tpu.memory_space<hbm>> -> memref<1x80x128xi32, #tpu.memory_space<hbm>>
      %dma_start3A_43 = tpu.memref_squeeze %dma_start3A_42 : memref<1x80x128xi32, #tpu.memory_space<hbm>> -> memref<80x128xi32, #tpu.memory_space<hbm>>
      tpu.enqueue_dma source(%dma_start3A_43 : memref<80x128xi32, #tpu.memory_space<hbm>>) target(%arg4 : memref<80x128xi32, #tpu.memory_space<vmem>>) target_semaphore(%run_scoped3A : memref<!tpu.dma_semaphore, #tpu.memory_space<semaphore_mem>>)
      %dma_wait3A = arith.constant 0 : i32
      %dma_wait3A_44 = arith.constant 0 : i32
      %dma_wait3A_45 = tpu.memref_slice %arg2[%add3A, %dma_wait3A, %dma_wait3A_44] : memref<32x80x128xi32, #tpu.memory_space<hbm>> -> memref<1x80x128xi32, #tpu.memory_space<hbm>>
      %dma_wait3A_46 = tpu.memref_squeeze %dma_wait3A_45 : memref<1x80x128xi32, #tpu.memory_space<hbm>> -> memref<80x128xi32, #tpu.memory_space<hbm>>
      %dma_wait3A_47 = arith.constant 0 : i32
      %dma_wait3A_48 = arith.constant 0 : i32
      %dma_wait3A_49 = tpu.memref_slice %arg2[%add3A, %dma_wait3A_47, %dma_wait3A_48] : memref<32x80x128xi32, #tpu.memory_space<hbm>> -> memref<1x80x128xi32, #tpu.memory_space<hbm>>
      %dma_wait3A_50 = tpu.memref_squeeze %dma_wait3A_49 : memref<1x80x128xi32, #tpu.memory_space<hbm>> -> memref<80x128xi32, #tpu.memory_space<hbm>>
      tpu.wait_dma2 semaphore(%run_scoped3A : memref<!tpu.dma_semaphore, #tpu.memory_space<semaphore_mem>>) src(%dma_wait3A_50 : memref<80x128xi32, #tpu.memory_space<hbm>>) dst(%arg4 : memref<80x128xi32, #tpu.memory_space<vmem>>)
      tpu.yield
    }) : () -> ()
    %eq3A = arith.constant 0 : i32
    %eq3A_12 = arith.cmpi eq, %arg0, %eq3A : i32
    %jit3A = arith.constant 10 : i32
    %jit3A_13 = arith.constant 10 : i32
    %select_n3A = arith.select %eq3A_12, %jit3A, %jit3A_13 : i32
    %mul3A_14 = arith.constant 8 : i32
    %mul3A_15 = arith.muli %select_n3A, %mul3A_14 : i32
    %sub3A = arith.constant 0 : i32
    %sub3A_16 = arith.subi %mul3A_15, %sub3A : i32
    %sub3A_17 = arith.constant 1 : i32
    %sub3A_18 = arith.constant 1 : i32
    %sub3A_19 = arith.subi %sub3A_17, %sub3A_18 : i32
    %add3A_20 = arith.addi %sub3A_16, %sub3A_19 : i32
    %div3A = arith.constant 1 : i32
    %div3A_21 = arith.divsi %add3A_20, %div3A : i32
    %while3A = arith.constant 1 : i32
    %while3A_22 = arith.constant 0 : i32
    %while3A_23 = arith.constant 0 : i32
    %while3A_24 = arith.subi %div3A_21, %while3A_23 : i32
    %while3A_25 = arith.addi %while3A_23, %while3A_24 : i32
    %while3A_26 = arith.constant 1 : i32
    %while3A_27 = arith.divsi %while3A_24, %while3A_26 : i32
    %while3A_28 = arith.muli %while3A_27, %while3A_26 : i32
    %while3A_29 = arith.addi %while3A_23, %while3A_28 : i32
    %while3A_30 = arith.constant 1 : i32
    scf.for %while3A_37 = %while3A_23 to %while3A_29 step %while3A_30  : i32 {
      %mul3A_38 = arith.muli %while3A_37, %while3A : i32
      %add3A_39 = arith.addi %while3A_22, %mul3A_38 : i32
      "tpu.region"() ({
        %run_scoped3A = tpu.sem_alloc : memref<!tpu.dma_semaphore, #tpu.memory_space<semaphore_mem>>
        %dma_start3A = arith.constant 0 : i32
        %dma_start3A_40 = tpu.memref_slice %arg4[%add3A_39, %dma_start3A] : memref<80x128xi32, #tpu.memory_space<vmem>> -> memref<1x128xi32, #tpu.memory_space<vmem>>
        %dma_start3A_41 = tpu.memref_squeeze %dma_start3A_40 : memref<1x128xi32, #tpu.memory_space<vmem>> -> memref<128xi32, #tpu.memory_space<vmem>>
        %dma_start3A_42 = arith.constant 0 : i32
        %dma_start3A_43 = tpu.memref_slice %arg7[%dma_start3A_42] : memref<10240xf32, #tpu.memory_space<vmem_shared>> -> memref<10240xf32, #tpu.memory_space<vmem_shared>>
        tpu.enqueue_indirect_dma source(%arg5 : memref<128xf32, #tpu.memory_space<vmem>>) target(%dma_start3A_43 : memref<10240xf32, #tpu.memory_space<vmem_shared>>) offsets(%dma_start3A_41 : memref<128xi32, #tpu.memory_space<vmem>>) semaphore(%run_scoped3A : memref<!tpu.dma_semaphore, #tpu.memory_space<semaphore_mem>>) {add = true}
        %dma_wait3A = arith.constant 0 : i32
        %dma_wait3A_44 = tpu.memref_slice %arg4[%add3A_39, %dma_wait3A] : memref<80x128xi32, #tpu.memory_space<vmem>> -> memref<1x128xi32, #tpu.memory_space<vmem>>
        %dma_wait3A_45 = tpu.memref_squeeze %dma_wait3A_44 : memref<1x128xi32, #tpu.memory_space<vmem>> -> memref<128xi32, #tpu.memory_space<vmem>>
        %dma_wait3A_46 = arith.constant 0 : i32
        %dma_wait3A_47 = tpu.memref_slice %arg7[%dma_wait3A_46] : memref<10240xf32, #tpu.memory_space<vmem_shared>> -> memref<10240xf32, #tpu.memory_space<vmem_shared>>
        tpu.wait_indirect_dma semaphore(%run_scoped3A : memref<!tpu.dma_semaphore, #tpu.memory_space<semaphore_mem>>) src(%arg5 : memref<128xf32, #tpu.memory_space<vmem>>) dst(%dma_wait3A_47 : memref<10240xf32, #tpu.memory_space<vmem_shared>>)
        tpu.yield
      }) : () -> ()
    }
    %while3A_31 = arith.constant 1 : i32
    scf.for %while3A_37 = %while3A_29 to %while3A_25 step %while3A_31  : i32 {
      %mul3A_38 = arith.muli %while3A_37, %while3A : i32
      %add3A_39 = arith.addi %while3A_22, %mul3A_38 : i32
      "tpu.region"() ({
        %run_scoped3A = tpu.sem_alloc : memref<!tpu.dma_semaphore, #tpu.memory_space<semaphore_mem>>
        %dma_start3A = arith.constant 0 : i32
        %dma_start3A_40 = tpu.memref_slice %arg4[%add3A_39, %dma_start3A] : memref<80x128xi32, #tpu.memory_space<vmem>> -> memref<1x128xi32, #tpu.memory_space<vmem>>
        %dma_start3A_41 = tpu.memref_squeeze %dma_start3A_40 : memref<1x128xi32, #tpu.memory_space<vmem>> -> memref<128xi32, #tpu.memory_space<vmem>>
        %dma_start3A_42 = arith.constant 0 : i32
        %dma_start3A_43 = tpu.memref_slice %arg7[%dma_start3A_42] : memref<10240xf32, #tpu.memory_space<vmem_shared>> -> memref<10240xf32, #tpu.memory_space<vmem_shared>>
        tpu.enqueue_indirect_dma source(%arg5 : memref<128xf32, #tpu.memory_space<vmem>>) target(%dma_start3A_43 : memref<10240xf32, #tpu.memory_space<vmem_shared>>) offsets(%dma_start3A_41 : memref<128xi32, #tpu.memory_space<vmem>>) semaphore(%run_scoped3A : memref<!tpu.dma_semaphore, #tpu.memory_space<semaphore_mem>>) {add = true}
        %dma_wait3A = arith.constant 0 : i32
        %dma_wait3A_44 = tpu.memref_slice %arg4[%add3A_39, %dma_wait3A] : memref<80x128xi32, #tpu.memory_space<vmem>> -> memref<1x128xi32, #tpu.memory_space<vmem>>
        %dma_wait3A_45 = tpu.memref_squeeze %dma_wait3A_44 : memref<1x128xi32, #tpu.memory_space<vmem>> -> memref<128xi32, #tpu.memory_space<vmem>>
        %dma_wait3A_46 = arith.constant 0 : i32
        %dma_wait3A_47 = tpu.memref_slice %arg7[%dma_wait3A_46] : memref<10240xf32, #tpu.memory_space<vmem_shared>> -> memref<10240xf32, #tpu.memory_space<vmem_shared>>
        tpu.wait_indirect_dma semaphore(%run_scoped3A : memref<!tpu.dma_semaphore, #tpu.memory_space<semaphore_mem>>) src(%arg5 : memref<128xf32, #tpu.memory_space<vmem>>) dst(%dma_wait3A_47 : memref<10240xf32, #tpu.memory_space<vmem_shared>>)
        tpu.yield
      }) : () -> ()
    }
    %barrier3A_32 = arith.constant 0 : index
    tpu.barrier barrier_id(%barrier3A_32)
    %mul3A_33 = arith.constant 640 : i32
    %mul3A_34 = arith.muli %arg1, %mul3A_33 : i32
    %mul3A_35 = arith.constant 640 : i32
    %mul3A_36 = arith.muli %arg1, %mul3A_35 : i32
    "tpu.region"() ({
      %run_scoped3A = tpu.sem_alloc : memref<!tpu.dma_semaphore, #tpu.memory_space<semaphore_mem>>
      %dma_start3A = tpu.memref_slice %arg3[%arg0, %mul3A_36] : memref<2x10240xf32, #tpu.memory_space<hbm>> -> memref<1x640xf32, #tpu.memory_space<hbm>>
      %dma_start3A_37 = tpu.memref_squeeze %dma_start3A : memref<1x640xf32, #tpu.memory_space<hbm>> -> memref<640xf32, #tpu.memory_space<hbm>>
      %dma_start3A_38 = tpu.memref_slice %arg7[%mul3A_34] : memref<10240xf32, #tpu.memory_space<vmem_shared>> -> memref<640xf32, #tpu.memory_space<vmem_shared>>
      tpu.enqueue_dma source(%dma_start3A_38 : memref<640xf32, #tpu.memory_space<vmem_shared>>) target(%dma_start3A_37 : memref<640xf32, #tpu.memory_space<hbm>>) target_semaphore(%run_scoped3A : memref<!tpu.dma_semaphore, #tpu.memory_space<semaphore_mem>>)
      %dma_wait3A = tpu.memref_slice %arg3[%arg0, %mul3A_36] : memref<2x10240xf32, #tpu.memory_space<hbm>> -> memref<1x640xf32, #tpu.memory_space<hbm>>
      %dma_wait3A_39 = tpu.memref_squeeze %dma_wait3A : memref<1x640xf32, #tpu.memory_space<hbm>> -> memref<640xf32, #tpu.memory_space<hbm>>
      %dma_wait3A_40 = tpu.memref_slice %arg7[%mul3A_34] : memref<10240xf32, #tpu.memory_space<vmem_shared>> -> memref<640xf32, #tpu.memory_space<vmem_shared>>
      tpu.wait_dma2 semaphore(%run_scoped3A : memref<!tpu.dma_semaphore, #tpu.memory_space<semaphore_mem>>) src(%dma_wait3A_40 : memref<640xf32, #tpu.memory_space<vmem_shared>>) dst(%dma_wait3A_39 : memref<640xf32, #tpu.memory_space<hbm>>)
      tpu.yield
    }) : () -> ()
    return
  }
}

#map = affine_map<(d0, d1) -> (0, 0)>
#map1 = affine_map<(d0, d1) -> (0, 0, 0)>
module attributes {stable_mosaic.version = 14 : i64} {
  func.func @k(%arg0: i32, %arg1: i32, %arg2: memref<10000x128xf32, #tpu.memory_space<hbm>>, %arg3: memref<32x80x128xi32, #tpu.memory_space<hbm>>, %arg4: memref<32x80x128xi32, #tpu.memory_space<hbm>>, %arg5: memref<2x10240x128xf32, #tpu.memory_space<hbm>>, %arg6: memref<2x8x128xi32, #tpu.memory_space<vmem>>, %arg7: memref<2x8x128xi32, #tpu.memory_space<vmem>>, %arg8: memref<2x128x128xf32, #tpu.memory_space<vmem>>, %arg9: memref<2x!tpu.dma_semaphore, #tpu.memory_space<semaphore_mem>>, %arg10: memref<2x!tpu.dma_semaphore, #tpu.memory_space<semaphore_mem>>, %arg11: memref<10240x128xf32, #tpu.memory_space<vmem_shared>>) attributes {dimension_semantics = [#tpu.dimension_semantics<core_parallel>, #tpu.dimension_semantics<subcore_parallel>], iteration_bounds = array<i64: 2, 16>, scalar_prefetch = 0 : i64, scratch_operands = 6 : i64, tpu.core_type = #tpu.core_type<sc_vector_subcore>, window_params = [{transform_indices = #map}, {transform_indices = #map1}, {transform_indices = #map1}, {transform_indices = #map1}]} {
    %mul3A = arith.constant 16 : i32
    %mul3A_0 = arith.muli %arg0, %mul3A : i32
    %add3A = arith.addi %mul3A_0, %arg1 : i32
    %scan3A = arith.constant 0 : i32
    %scan3A_1 = arith.constant 64 : i32
    %scan3A_2 = arith.addi %scan3A, %scan3A_1 : i32
    %scan3A_3 = arith.constant 1 : i32
    scf.for %scan3A_170 = %scan3A to %scan3A_2 step %scan3A_3  : i32 {
      %mul3A_171 = arith.constant 1 : i32
      %mul3A_172 = arith.muli %scan3A_170, %mul3A_171 : i32
      %add3A_173 = arith.constant 0 : i32
      %add3A_174 = arith.addi %add3A_173, %mul3A_172 : i32
      %broadcast_in_dim3A = arith.constant 0.000000e+00 : f32
      %broadcast_in_dim3A_175 = vector.broadcast %broadcast_in_dim3A : f32 to vector<16xf32>
      %swap3A = arith.constant 0 : i32
      %swap3A_176 = arith.index_cast %swap3A : i32 to index
      %swap3A_177 = arith.index_cast %add3A_174 : i32 to index
      %swap3A_178 = arith.constant 0 : index
      %swap3A_179 = tpu.vector_load %arg8[%swap3A_176, %swap3A_177, %swap3A_178] {strides = array<i32>} : memref<2x128x128xf32, #tpu.memory_space<vmem>>, vector<1x1x16xf32>,
      %swap3A_180 = vector.shape_cast %swap3A_179 : vector<1x1x16xf32> to vector<16xf32>
      %swap3A_181 = vector.shape_cast %broadcast_in_dim3A_175 : vector<16xf32> to vector<1x1x16xf32>
      tpu.vector_store %arg8[%swap3A_176, %swap3A_177, %swap3A_178], %swap3A_181 {strides = array<i32>} : memref<2x128x128xf32, #tpu.memory_space<vmem>>, vector<1x1x16xf32>,
      %broadcast_in_dim3A_182 = arith.constant 0.000000e+00 : f32
      %broadcast_in_dim3A_183 = vector.broadcast %broadcast_in_dim3A_182 : f32 to vector<16xf32>
      %swap3A_184 = arith.constant 0 : i32
      %swap3A_185 = arith.index_cast %swap3A_184 : i32 to index
      %swap3A_186 = arith.index_cast %add3A_174 : i32 to index
      %swap3A_187 = arith.constant 16 : index
      %swap3A_188 = tpu.vector_load %arg8[%swap3A_185, %swap3A_186, %swap3A_187] {strides = array<i32>} : memref<2x128x128xf32, #tpu.memory_space<vmem>>, vector<1x1x16xf32>,
      %swap3A_189 = vector.shape_cast %swap3A_188 : vector<1x1x16xf32> to vector<16xf32>
      %swap3A_190 = vector.shape_cast %broadcast_in_dim3A_183 : vector<16xf32> to vector<1x1x16xf32>
      tpu.vector_store %arg8[%swap3A_185, %swap3A_186, %swap3A_187], %swap3A_190 {strides = array<i32>} : memref<2x128x128xf32, #tpu.memory_space<vmem>>, vector<1x1x16xf32>,
      %broadcast_in_dim3A_191 = arith.constant 0.000000e+00 : f32
      %broadcast_in_dim3A_192 = vector.broadcast %broadcast_in_dim3A_191 : f32 to vector<16xf32>
      %swap3A_193 = arith.constant 0 : i32
      %swap3A_194 = arith.index_cast %swap3A_193 : i32 to index
      %swap3A_195 = arith.index_cast %add3A_174 : i32 to index
      %swap3A_196 = arith.constant 32 : index
      %swap3A_197 = tpu.vector_load %arg8[%swap3A_194, %swap3A_195, %swap3A_196] {strides = array<i32>} : memref<2x128x128xf32, #tpu.memory_space<vmem>>, vector<1x1x16xf32>,
      %swap3A_198 = vector.shape_cast %swap3A_197 : vector<1x1x16xf32> to vector<16xf32>
      %swap3A_199 = vector.shape_cast %broadcast_in_dim3A_192 : vector<16xf32> to vector<1x1x16xf32>
      tpu.vector_store %arg8[%swap3A_194, %swap3A_195, %swap3A_196], %swap3A_199 {strides = array<i32>} : memref<2x128x128xf32, #tpu.memory_space<vmem>>, vector<1x1x16xf32>,
      %broadcast_in_dim3A_200 = arith.constant 0.000000e+00 : f32
      %broadcast_in_dim3A_201 = vector.broadcast %broadcast_in_dim3A_200 : f32 to vector<16xf32>
      %swap3A_202 = arith.constant 0 : i32
      %swap3A_203 = arith.index_cast %swap3A_202 : i32 to index
      %swap3A_204 = arith.index_cast %add3A_174 : i32 to index
      %swap3A_205 = arith.constant 48 : index
      %swap3A_206 = tpu.vector_load %arg8[%swap3A_203, %swap3A_204, %swap3A_205] {strides = array<i32>} : memref<2x128x128xf32, #tpu.memory_space<vmem>>, vector<1x1x16xf32>,
      %swap3A_207 = vector.shape_cast %swap3A_206 : vector<1x1x16xf32> to vector<16xf32>
      %swap3A_208 = vector.shape_cast %broadcast_in_dim3A_201 : vector<16xf32> to vector<1x1x16xf32>
      tpu.vector_store %arg8[%swap3A_203, %swap3A_204, %swap3A_205], %swap3A_208 {strides = array<i32>} : memref<2x128x128xf32, #tpu.memory_space<vmem>>, vector<1x1x16xf32>,
      %broadcast_in_dim3A_209 = arith.constant 0.000000e+00 : f32
      %broadcast_in_dim3A_210 = vector.broadcast %broadcast_in_dim3A_209 : f32 to vector<16xf32>
      %swap3A_211 = arith.constant 0 : i32
      %swap3A_212 = arith.index_cast %swap3A_211 : i32 to index
      %swap3A_213 = arith.index_cast %add3A_174 : i32 to index
      %swap3A_214 = arith.constant 64 : index
      %swap3A_215 = tpu.vector_load %arg8[%swap3A_212, %swap3A_213, %swap3A_214] {strides = array<i32>} : memref<2x128x128xf32, #tpu.memory_space<vmem>>, vector<1x1x16xf32>,
      %swap3A_216 = vector.shape_cast %swap3A_215 : vector<1x1x16xf32> to vector<16xf32>
      %swap3A_217 = vector.shape_cast %broadcast_in_dim3A_210 : vector<16xf32> to vector<1x1x16xf32>
      tpu.vector_store %arg8[%swap3A_212, %swap3A_213, %swap3A_214], %swap3A_217 {strides = array<i32>} : memref<2x128x128xf32, #tpu.memory_space<vmem>>, vector<1x1x16xf32>,
      %broadcast_in_dim3A_218 = arith.constant 0.000000e+00 : f32
      %broadcast_in_dim3A_219 = vector.broadcast %broadcast_in_dim3A_218 : f32 to vector<16xf32>
      %swap3A_220 = arith.constant 0 : i32
      %swap3A_221 = arith.index_cast %swap3A_220 : i32 to index
      %swap3A_222 = arith.index_cast %add3A_174 : i32 to index
      %swap3A_223 = arith.constant 80 : index
      %swap3A_224 = tpu.vector_load %arg8[%swap3A_221, %swap3A_222, %swap3A_223] {strides = array<i32>} : memref<2x128x128xf32, #tpu.memory_space<vmem>>, vector<1x1x16xf32>,
      %swap3A_225 = vector.shape_cast %swap3A_224 : vector<1x1x16xf32> to vector<16xf32>
      %swap3A_226 = vector.shape_cast %broadcast_in_dim3A_219 : vector<16xf32> to vector<1x1x16xf32>
      tpu.vector_store %arg8[%swap3A_221, %swap3A_222, %swap3A_223], %swap3A_226 {strides = array<i32>} : memref<2x128x128xf32, #tpu.memory_space<vmem>>, vector<1x1x16xf32>,
      %broadcast_in_dim3A_227 = arith.constant 0.000000e+00 : f32
      %broadcast_in_dim3A_228 = vector.broadcast %broadcast_in_dim3A_227 : f32 to vector<16xf32>
      %swap3A_229 = arith.constant 0 : i32
      %swap3A_230 = arith.index_cast %swap3A_229 : i32 to index
      %swap3A_231 = arith.index_cast %add3A_174 : i32 to index
      %swap3A_232 = arith.constant 96 : index
      %swap3A_233 = tpu.vector_load %arg8[%swap3A_230, %swap3A_231, %swap3A_232] {strides = array<i32>} : memref<2x128x128xf32, #tpu.memory_space<vmem>>, vector<1x1x16xf32>,
      %swap3A_234 = vector.shape_cast %swap3A_233 : vector<1x1x16xf32> to vector<16xf32>
      %swap3A_235 = vector.shape_cast %broadcast_in_dim3A_228 : vector<16xf32> to vector<1x1x16xf32>
      tpu.vector_store %arg8[%swap3A_230, %swap3A_231, %swap3A_232], %swap3A_235 {strides = array<i32>} : memref<2x128x128xf32, #tpu.memory_space<vmem>>, vector<1x1x16xf32>,
      %broadcast_in_dim3A_236 = arith.constant 0.000000e+00 : f32
      %broadcast_in_dim3A_237 = vector.broadcast %broadcast_in_dim3A_236 : f32 to vector<16xf32>
      %swap3A_238 = arith.constant 0 : i32
      %swap3A_239 = arith.index_cast %swap3A_238 : i32 to index
      %swap3A_240 = arith.index_cast %add3A_174 : i32 to index
      %swap3A_241 = arith.constant 112 : index
      %swap3A_242 = tpu.vector_load %arg8[%swap3A_239, %swap3A_240, %swap3A_241] {strides = array<i32>} : memref<2x128x128xf32, #tpu.memory_space<vmem>>, vector<1x1x16xf32>,
      %swap3A_243 = vector.shape_cast %swap3A_242 : vector<1x1x16xf32> to vector<16xf32>
      %swap3A_244 = vector.shape_cast %broadcast_in_dim3A_237 : vector<16xf32> to vector<1x1x16xf32>
      tpu.vector_store %arg8[%swap3A_239, %swap3A_240, %swap3A_241], %swap3A_244 {strides = array<i32>} : memref<2x128x128xf32, #tpu.memory_space<vmem>>, vector<1x1x16xf32>,
    }
    %scan3A_4 = arith.constant 64 : i32
    %mul3A_5 = arith.constant 10 : i32
    %mul3A_6 = arith.muli %arg1, %mul3A_5 : i32
    %add3A_7 = arith.constant 0 : i32
    %add3A_8 = arith.addi %mul3A_6, %add3A_7 : i32
    %mul3A_9 = arith.constant 64 : i32
    %mul3A_10 = arith.muli %add3A_8, %mul3A_9 : i32
    %run_scoped3A = arith.constant 0 : i32
    "tpu.region"() ({
      %run_scoped3A_170 = tpu.sem_alloc : memref<!tpu.dma_semaphore, #tpu.memory_space<semaphore_mem>>
      %dma_start3A_171 = arith.constant 0 : i32
      %dma_start3A_172 = arith.constant 0 : i32
      %dma_start3A_173 = tpu.memref_slice %arg8[%run_scoped3A, %dma_start3A_171, %dma_start3A_172] : memref<2x128x128xf32, #tpu.memory_space<vmem>> -> memref<1x64x128xf32, #tpu.memory_space<vmem>>
      %dma_start3A_174 = tpu.memref_squeeze %dma_start3A_173 : memref<1x64x128xf32, #tpu.memory_space<vmem>> -> memref<64x128xf32, #tpu.memory_space<vmem>>
      %dma_start3A_175 = arith.constant 0 : i32
      %dma_start3A_176 = tpu.memref_slice %arg11[%mul3A_10, %dma_start3A_175] : memref<10240x128xf32, #tpu.memory_space<vmem_shared>> -> memref<64x128xf32, #tpu.memory_space<vmem_shared>>
      %dma_start3A_177 = arith.constant 0 : i32
      %dma_start3A_178 = tpu.memref_slice %arg11[%mul3A_10, %dma_start3A_177] : memref<10240x128xf32, #tpu.memory_space<vmem_shared>> -> memref<64x128xf32, #tpu.memory_space<vmem_shared>>
      %dma_start3A_179 = arith.constant 0 : i32
      %dma_start3A_180 = arith.constant 0 : i32
      %dma_start3A_181 = tpu.memref_slice %arg8[%run_scoped3A, %dma_start3A_179, %dma_start3A_180] : memref<2x128x128xf32, #tpu.memory_space<vmem>> -> memref<1x64x128xf32, #tpu.memory_space<vmem>>
      %dma_start3A_182 = tpu.memref_squeeze %dma_start3A_181 : memref<1x64x128xf32, #tpu.memory_space<vmem>> -> memref<64x128xf32, #tpu.memory_space<vmem>>
      tpu.enqueue_dma source(%dma_start3A_182 : memref<64x128xf32, #tpu.memory_space<vmem>>) target(%dma_start3A_178 : memref<64x128xf32, #tpu.memory_space<vmem_shared>>) target_semaphore(%run_scoped3A_170 : memref<!tpu.dma_semaphore, #tpu.memory_space<semaphore_mem>>)
      %dma_wait3A = arith.constant 0 : i32
      %dma_wait3A_183 = arith.constant 0 : i32
      %dma_wait3A_184 = tpu.memref_slice %arg8[%run_scoped3A, %dma_wait3A, %dma_wait3A_183] : memref<2x128x128xf32, #tpu.memory_space<vmem>> -> memref<1x64x128xf32, #tpu.memory_space<vmem>>
      %dma_wait3A_185 = tpu.memref_squeeze %dma_wait3A_184 : memref<1x64x128xf32, #tpu.memory_space<vmem>> -> memref<64x128xf32, #tpu.memory_space<vmem>>
      %dma_wait3A_186 = arith.constant 0 : i32
      %dma_wait3A_187 = tpu.memref_slice %arg11[%mul3A_10, %dma_wait3A_186] : memref<10240x128xf32, #tpu.memory_space<vmem_shared>> -> memref<64x128xf32, #tpu.memory_space<vmem_shared>>
      %dma_wait3A_188 = arith.constant 0 : i32
      %dma_wait3A_189 = tpu.memref_slice %arg11[%mul3A_10, %dma_wait3A_188] : memref<10240x128xf32, #tpu.memory_space<vmem_shared>> -> memref<64x128xf32, #tpu.memory_space<vmem_shared>>
      %dma_wait3A_190 = arith.constant 0 : i32
      %dma_wait3A_191 = arith.constant 0 : i32
      %dma_wait3A_192 = tpu.memref_slice %arg8[%run_scoped3A, %dma_wait3A_190, %dma_wait3A_191] : memref<2x128x128xf32, #tpu.memory_space<vmem>> -> memref<1x64x128xf32, #tpu.memory_space<vmem>>
      %dma_wait3A_193 = tpu.memref_squeeze %dma_wait3A_192 : memref<1x64x128xf32, #tpu.memory_space<vmem>> -> memref<64x128xf32, #tpu.memory_space<vmem>>
      tpu.wait_dma2 semaphore(%run_scoped3A_170 : memref<!tpu.dma_semaphore, #tpu.memory_space<semaphore_mem>>) src(%dma_wait3A_193 : memref<64x128xf32, #tpu.memory_space<vmem>>) dst(%dma_wait3A_189 : memref<64x128xf32, #tpu.memory_space<vmem_shared>>)
      tpu.yield
    }) : () -> ()
    %mul3A_11 = arith.constant 10 : i32
    %mul3A_12 = arith.muli %arg1, %mul3A_11 : i32
    %add3A_13 = arith.constant 1 : i32
    %add3A_14 = arith.addi %mul3A_12, %add3A_13 : i32
    %mul3A_15 = arith.constant 64 : i32
    %mul3A_16 = arith.muli %add3A_14, %mul3A_15 : i32
    %run_scoped3A_17 = arith.constant 0 : i32
    "tpu.region"() ({
      %run_scoped3A_170 = tpu.sem_alloc : memref<!tpu.dma_semaphore, #tpu.memory_space<semaphore_mem>>
      %dma_start3A_171 = arith.constant 0 : i32
      %dma_start3A_172 = arith.constant 0 : i32
      %dma_start3A_173 = tpu.memref_slice %arg8[%run_scoped3A_17, %dma_start3A_171, %dma_start3A_172] : memref<2x128x128xf32, #tpu.memory_space<vmem>> -> memref<1x64x128xf32, #tpu.memory_space<vmem>>
      %dma_start3A_174 = tpu.memref_squeeze %dma_start3A_173 : memref<1x64x128xf32, #tpu.memory_space<vmem>> -> memref<64x128xf32, #tpu.memory_space<vmem>>
      %dma_start3A_175 = arith.constant 0 : i32
      %dma_start3A_176 = tpu.memref_slice %arg11[%mul3A_16, %dma_start3A_175] : memref<10240x128xf32, #tpu.memory_space<vmem_shared>> -> memref<64x128xf32, #tpu.memory_space<vmem_shared>>
      %dma_start3A_177 = arith.constant 0 : i32
      %dma_start3A_178 = tpu.memref_slice %arg11[%mul3A_16, %dma_start3A_177] : memref<10240x128xf32, #tpu.memory_space<vmem_shared>> -> memref<64x128xf32, #tpu.memory_space<vmem_shared>>
      %dma_start3A_179 = arith.constant 0 : i32
      %dma_start3A_180 = arith.constant 0 : i32
      %dma_start3A_181 = tpu.memref_slice %arg8[%run_scoped3A_17, %dma_start3A_179, %dma_start3A_180] : memref<2x128x128xf32, #tpu.memory_space<vmem>> -> memref<1x64x128xf32, #tpu.memory_space<vmem>>
      %dma_start3A_182 = tpu.memref_squeeze %dma_start3A_181 : memref<1x64x128xf32, #tpu.memory_space<vmem>> -> memref<64x128xf32, #tpu.memory_space<vmem>>
      tpu.enqueue_dma source(%dma_start3A_182 : memref<64x128xf32, #tpu.memory_space<vmem>>) target(%dma_start3A_178 : memref<64x128xf32, #tpu.memory_space<vmem_shared>>) target_semaphore(%run_scoped3A_170 : memref<!tpu.dma_semaphore, #tpu.memory_space<semaphore_mem>>)
      %dma_wait3A = arith.constant 0 : i32
      %dma_wait3A_183 = arith.constant 0 : i32
      %dma_wait3A_184 = tpu.memref_slice %arg8[%run_scoped3A_17, %dma_wait3A, %dma_wait3A_183] : memref<2x128x128xf32, #tpu.memory_space<vmem>> -> memref<1x64x128xf32, #tpu.memory_space<vmem>>
      %dma_wait3A_185 = tpu.memref_squeeze %dma_wait3A_184 : memref<1x64x128xf32, #tpu.memory_space<vmem>> -> memref<64x128xf32, #tpu.memory_space<vmem>>
      %dma_wait3A_186 = arith.constant 0 : i32
      %dma_wait3A_187 = tpu.memref_slice %arg11[%mul3A_16, %dma_wait3A_186] : memref<10240x128xf32, #tpu.memory_space<vmem_shared>> -> memref<64x128xf32, #tpu.memory_space<vmem_shared>>
      %dma_wait3A_188 = arith.constant 0 : i32
      %dma_wait3A_189 = tpu.memref_slice %arg11[%mul3A_16, %dma_wait3A_188] : memref<10240x128xf32, #tpu.memory_space<vmem_shared>> -> memref<64x128xf32, #tpu.memory_space<vmem_shared>>
      %dma_wait3A_190 = arith.constant 0 : i32
      %dma_wait3A_191 = arith.constant 0 : i32
      %dma_wait3A_192 = tpu.memref_slice %arg8[%run_scoped3A_17, %dma_wait3A_190, %dma_wait3A_191] : memref<2x128x128xf32, #tpu.memory_space<vmem>> -> memref<1x64x128xf32, #tpu.memory_space<vmem>>
      %dma_wait3A_193 = tpu.memref_squeeze %dma_wait3A_192 : memref<1x64x128xf32, #tpu.memory_space<vmem>> -> memref<64x128xf32, #tpu.memory_space<vmem>>
      tpu.wait_dma2 semaphore(%run_scoped3A_170 : memref<!tpu.dma_semaphore, #tpu.memory_space<semaphore_mem>>) src(%dma_wait3A_193 : memref<64x128xf32, #tpu.memory_space<vmem>>) dst(%dma_wait3A_189 : memref<64x128xf32, #tpu.memory_space<vmem_shared>>)
      tpu.yield
    }) : () -> ()
    %mul3A_18 = arith.constant 10 : i32
    %mul3A_19 = arith.muli %arg1, %mul3A_18 : i32
    %add3A_20 = arith.constant 2 : i32
    %add3A_21 = arith.addi %mul3A_19, %add3A_20 : i32
    %mul3A_22 = arith.constant 64 : i32
    %mul3A_23 = arith.muli %add3A_21, %mul3A_22 : i32
    %run_scoped3A_24 = arith.constant 0 : i32
    "tpu.region"() ({
      %run_scoped3A_170 = tpu.sem_alloc : memref<!tpu.dma_semaphore, #tpu.memory_space<semaphore_mem>>
      %dma_start3A_171 = arith.constant 0 : i32
      %dma_start3A_172 = arith.constant 0 : i32
      %dma_start3A_173 = tpu.memref_slice %arg8[%run_scoped3A_24, %dma_start3A_171, %dma_start3A_172] : memref<2x128x128xf32, #tpu.memory_space<vmem>> -> memref<1x64x128xf32, #tpu.memory_space<vmem>>
      %dma_start3A_174 = tpu.memref_squeeze %dma_start3A_173 : memref<1x64x128xf32, #tpu.memory_space<vmem>> -> memref<64x128xf32, #tpu.memory_space<vmem>>
      %dma_start3A_175 = arith.constant 0 : i32
      %dma_start3A_176 = tpu.memref_slice %arg11[%mul3A_23, %dma_start3A_175] : memref<10240x128xf32, #tpu.memory_space<vmem_shared>> -> memref<64x128xf32, #tpu.memory_space<vmem_shared>>
      %dma_start3A_177 = arith.constant 0 : i32
      %dma_start3A_178 = tpu.memref_slice %arg11[%mul3A_23, %dma_start3A_177] : memref<10240x128xf32, #tpu.memory_space<vmem_shared>> -> memref<64x128xf32, #tpu.memory_space<vmem_shared>>
      %dma_start3A_179 = arith.constant 0 : i32
      %dma_start3A_180 = arith.constant 0 : i32
      %dma_start3A_181 = tpu.memref_slice %arg8[%run_scoped3A_24, %dma_start3A_179, %dma_start3A_180] : memref<2x128x128xf32, #tpu.memory_space<vmem>> -> memref<1x64x128xf32, #tpu.memory_space<vmem>>
      %dma_start3A_182 = tpu.memref_squeeze %dma_start3A_181 : memref<1x64x128xf32, #tpu.memory_space<vmem>> -> memref<64x128xf32, #tpu.memory_space<vmem>>
      tpu.enqueue_dma source(%dma_start3A_182 : memref<64x128xf32, #tpu.memory_space<vmem>>) target(%dma_start3A_178 : memref<64x128xf32, #tpu.memory_space<vmem_shared>>) target_semaphore(%run_scoped3A_170 : memref<!tpu.dma_semaphore, #tpu.memory_space<semaphore_mem>>)
      %dma_wait3A = arith.constant 0 : i32
      %dma_wait3A_183 = arith.constant 0 : i32
      %dma_wait3A_184 = tpu.memref_slice %arg8[%run_scoped3A_24, %dma_wait3A, %dma_wait3A_183] : memref<2x128x128xf32, #tpu.memory_space<vmem>> -> memref<1x64x128xf32, #tpu.memory_space<vmem>>
      %dma_wait3A_185 = tpu.memref_squeeze %dma_wait3A_184 : memref<1x64x128xf32, #tpu.memory_space<vmem>> -> memref<64x128xf32, #tpu.memory_space<vmem>>
      %dma_wait3A_186 = arith.constant 0 : i32
      %dma_wait3A_187 = tpu.memref_slice %arg11[%mul3A_23, %dma_wait3A_186] : memref<10240x128xf32, #tpu.memory_space<vmem_shared>> -> memref<64x128xf32, #tpu.memory_space<vmem_shared>>
      %dma_wait3A_188 = arith.constant 0 : i32
      %dma_wait3A_189 = tpu.memref_slice %arg11[%mul3A_23, %dma_wait3A_188] : memref<10240x128xf32, #tpu.memory_space<vmem_shared>> -> memref<64x128xf32, #tpu.memory_space<vmem_shared>>
      %dma_wait3A_190 = arith.constant 0 : i32
      %dma_wait3A_191 = arith.constant 0 : i32
      %dma_wait3A_192 = tpu.memref_slice %arg8[%run_scoped3A_24, %dma_wait3A_190, %dma_wait3A_191] : memref<2x128x128xf32, #tpu.memory_space<vmem>> -> memref<1x64x128xf32, #tpu.memory_space<vmem>>
      %dma_wait3A_193 = tpu.memref_squeeze %dma_wait3A_192 : memref<1x64x128xf32, #tpu.memory_space<vmem>> -> memref<64x128xf32, #tpu.memory_space<vmem>>
      tpu.wait_dma2 semaphore(%run_scoped3A_170 : memref<!tpu.dma_semaphore, #tpu.memory_space<semaphore_mem>>) src(%dma_wait3A_193 : memref<64x128xf32, #tpu.memory_space<vmem>>) dst(%dma_wait3A_189 : memref<64x128xf32, #tpu.memory_space<vmem_shared>>)
      tpu.yield
    }) : () -> ()
    %mul3A_25 = arith.constant 10 : i32
    %mul3A_26 = arith.muli %arg1, %mul3A_25 : i32
    %add3A_27 = arith.constant 3 : i32
    %add3A_28 = arith.addi %mul3A_26, %add3A_27 : i32
    %mul3A_29 = arith.constant 64 : i32
    %mul3A_30 = arith.muli %add3A_28, %mul3A_29 : i32
    %run_scoped3A_31 = arith.constant 0 : i32
    "tpu.region"() ({
      %run_scoped3A_170 = tpu.sem_alloc : memref<!tpu.dma_semaphore, #tpu.memory_space<semaphore_mem>>
      %dma_start3A_171 = arith.constant 0 : i32
      %dma_start3A_172 = arith.constant 0 : i32
      %dma_start3A_173 = tpu.memref_slice %arg8[%run_scoped3A_31, %dma_start3A_171, %dma_start3A_172] : memref<2x128x128xf32, #tpu.memory_space<vmem>> -> memref<1x64x128xf32, #tpu.memory_space<vmem>>
      %dma_start3A_174 = tpu.memref_squeeze %dma_start3A_173 : memref<1x64x128xf32, #tpu.memory_space<vmem>> -> memref<64x128xf32, #tpu.memory_space<vmem>>
      %dma_start3A_175 = arith.constant 0 : i32
      %dma_start3A_176 = tpu.memref_slice %arg11[%mul3A_30, %dma_start3A_175] : memref<10240x128xf32, #tpu.memory_space<vmem_shared>> -> memref<64x128xf32, #tpu.memory_space<vmem_shared>>
      %dma_start3A_177 = arith.constant 0 : i32
      %dma_start3A_178 = tpu.memref_slice %arg11[%mul3A_30, %dma_start3A_177] : memref<10240x128xf32, #tpu.memory_space<vmem_shared>> -> memref<64x128xf32, #tpu.memory_space<vmem_shared>>
      %dma_start3A_179 = arith.constant 0 : i32
      %dma_start3A_180 = arith.constant 0 : i32
      %dma_start3A_181 = tpu.memref_slice %arg8[%run_scoped3A_31, %dma_start3A_179, %dma_start3A_180] : memref<2x128x128xf32, #tpu.memory_space<vmem>> -> memref<1x64x128xf32, #tpu.memory_space<vmem>>
      %dma_start3A_182 = tpu.memref_squeeze %dma_start3A_181 : memref<1x64x128xf32, #tpu.memory_space<vmem>> -> memref<64x128xf32, #tpu.memory_space<vmem>>
      tpu.enqueue_dma source(%dma_start3A_182 : memref<64x128xf32, #tpu.memory_space<vmem>>) target(%dma_start3A_178 : memref<64x128xf32, #tpu.memory_space<vmem_shared>>) target_semaphore(%run_scoped3A_170 : memref<!tpu.dma_semaphore, #tpu.memory_space<semaphore_mem>>)
      %dma_wait3A = arith.constant 0 : i32
      %dma_wait3A_183 = arith.constant 0 : i32
      %dma_wait3A_184 = tpu.memref_slice %arg8[%run_scoped3A_31, %dma_wait3A, %dma_wait3A_183] : memref<2x128x128xf32, #tpu.memory_space<vmem>> -> memref<1x64x128xf32, #tpu.memory_space<vmem>>
      %dma_wait3A_185 = tpu.memref_squeeze %dma_wait3A_184 : memref<1x64x128xf32, #tpu.memory_space<vmem>> -> memref<64x128xf32, #tpu.memory_space<vmem>>
      %dma_wait3A_186 = arith.constant 0 : i32
      %dma_wait3A_187 = tpu.memref_slice %arg11[%mul3A_30, %dma_wait3A_186] : memref<10240x128xf32, #tpu.memory_space<vmem_shared>> -> memref<64x128xf32, #tpu.memory_space<vmem_shared>>
      %dma_wait3A_188 = arith.constant 0 : i32
      %dma_wait3A_189 = tpu.memref_slice %arg11[%mul3A_30, %dma_wait3A_188] : memref<10240x128xf32, #tpu.memory_space<vmem_shared>> -> memref<64x128xf32, #tpu.memory_space<vmem_shared>>
      %dma_wait3A_190 = arith.constant 0 : i32
      %dma_wait3A_191 = arith.constant 0 : i32
      %dma_wait3A_192 = tpu.memref_slice %arg8[%run_scoped3A_31, %dma_wait3A_190, %dma_wait3A_191] : memref<2x128x128xf32, #tpu.memory_space<vmem>> -> memref<1x64x128xf32, #tpu.memory_space<vmem>>
      %dma_wait3A_193 = tpu.memref_squeeze %dma_wait3A_192 : memref<1x64x128xf32, #tpu.memory_space<vmem>> -> memref<64x128xf32, #tpu.memory_space<vmem>>
      tpu.wait_dma2 semaphore(%run_scoped3A_170 : memref<!tpu.dma_semaphore, #tpu.memory_space<semaphore_mem>>) src(%dma_wait3A_193 : memref<64x128xf32, #tpu.memory_space<vmem>>) dst(%dma_wait3A_189 : memref<64x128xf32, #tpu.memory_space<vmem_shared>>)
      tpu.yield
    }) : () -> ()
    %mul3A_32 = arith.constant 10 : i32
    %mul3A_33 = arith.muli %arg1, %mul3A_32 : i32
    %add3A_34 = arith.constant 4 : i32
    %add3A_35 = arith.addi %mul3A_33, %add3A_34 : i32
    %mul3A_36 = arith.constant 64 : i32
    %mul3A_37 = arith.muli %add3A_35, %mul3A_36 : i32
    %run_scoped3A_38 = arith.constant 0 : i32
    "tpu.region"() ({
      %run_scoped3A_170 = tpu.sem_alloc : memref<!tpu.dma_semaphore, #tpu.memory_space<semaphore_mem>>
      %dma_start3A_171 = arith.constant 0 : i32
      %dma_start3A_172 = arith.constant 0 : i32
      %dma_start3A_173 = tpu.memref_slice %arg8[%run_scoped3A_38, %dma_start3A_171, %dma_start3A_172] : memref<2x128x128xf32, #tpu.memory_space<vmem>> -> memref<1x64x128xf32, #tpu.memory_space<vmem>>
      %dma_start3A_174 = tpu.memref_squeeze %dma_start3A_173 : memref<1x64x128xf32, #tpu.memory_space<vmem>> -> memref<64x128xf32, #tpu.memory_space<vmem>>
      %dma_start3A_175 = arith.constant 0 : i32
      %dma_start3A_176 = tpu.memref_slice %arg11[%mul3A_37, %dma_start3A_175] : memref<10240x128xf32, #tpu.memory_space<vmem_shared>> -> memref<64x128xf32, #tpu.memory_space<vmem_shared>>
      %dma_start3A_177 = arith.constant 0 : i32
      %dma_start3A_178 = tpu.memref_slice %arg11[%mul3A_37, %dma_start3A_177] : memref<10240x128xf32, #tpu.memory_space<vmem_shared>> -> memref<64x128xf32, #tpu.memory_space<vmem_shared>>
      %dma_start3A_179 = arith.constant 0 : i32
      %dma_start3A_180 = arith.constant 0 : i32
      %dma_start3A_181 = tpu.memref_slice %arg8[%run_scoped3A_38, %dma_start3A_179, %dma_start3A_180] : memref<2x128x128xf32, #tpu.memory_space<vmem>> -> memref<1x64x128xf32, #tpu.memory_space<vmem>>
      %dma_start3A_182 = tpu.memref_squeeze %dma_start3A_181 : memref<1x64x128xf32, #tpu.memory_space<vmem>> -> memref<64x128xf32, #tpu.memory_space<vmem>>
      tpu.enqueue_dma source(%dma_start3A_182 : memref<64x128xf32, #tpu.memory_space<vmem>>) target(%dma_start3A_178 : memref<64x128xf32, #tpu.memory_space<vmem_shared>>) target_semaphore(%run_scoped3A_170 : memref<!tpu.dma_semaphore, #tpu.memory_space<semaphore_mem>>)
      %dma_wait3A = arith.constant 0 : i32
      %dma_wait3A_183 = arith.constant 0 : i32
      %dma_wait3A_184 = tpu.memref_slice %arg8[%run_scoped3A_38, %dma_wait3A, %dma_wait3A_183] : memref<2x128x128xf32, #tpu.memory_space<vmem>> -> memref<1x64x128xf32, #tpu.memory_space<vmem>>
      %dma_wait3A_185 = tpu.memref_squeeze %dma_wait3A_184 : memref<1x64x128xf32, #tpu.memory_space<vmem>> -> memref<64x128xf32, #tpu.memory_space<vmem>>
      %dma_wait3A_186 = arith.constant 0 : i32
      %dma_wait3A_187 = tpu.memref_slice %arg11[%mul3A_37, %dma_wait3A_186] : memref<10240x128xf32, #tpu.memory_space<vmem_shared>> -> memref<64x128xf32, #tpu.memory_space<vmem_shared>>
      %dma_wait3A_188 = arith.constant 0 : i32
      %dma_wait3A_189 = tpu.memref_slice %arg11[%mul3A_37, %dma_wait3A_188] : memref<10240x128xf32, #tpu.memory_space<vmem_shared>> -> memref<64x128xf32, #tpu.memory_space<vmem_shared>>
      %dma_wait3A_190 = arith.constant 0 : i32
      %dma_wait3A_191 = arith.constant 0 : i32
      %dma_wait3A_192 = tpu.memref_slice %arg8[%run_scoped3A_38, %dma_wait3A_190, %dma_wait3A_191] : memref<2x128x128xf32, #tpu.memory_space<vmem>> -> memref<1x64x128xf32, #tpu.memory_space<vmem>>
      %dma_wait3A_193 = tpu.memref_squeeze %dma_wait3A_192 : memref<1x64x128xf32, #tpu.memory_space<vmem>> -> memref<64x128xf32, #tpu.memory_space<vmem>>
      tpu.wait_dma2 semaphore(%run_scoped3A_170 : memref<!tpu.dma_semaphore, #tpu.memory_space<semaphore_mem>>) src(%dma_wait3A_193 : memref<64x128xf32, #tpu.memory_space<vmem>>) dst(%dma_wait3A_189 : memref<64x128xf32, #tpu.memory_space<vmem_shared>>)
      tpu.yield
    }) : () -> ()
    %mul3A_39 = arith.constant 10 : i32
    %mul3A_40 = arith.muli %arg1, %mul3A_39 : i32
    %add3A_41 = arith.constant 5 : i32
    %add3A_42 = arith.addi %mul3A_40, %add3A_41 : i32
    %mul3A_43 = arith.constant 64 : i32
    %mul3A_44 = arith.muli %add3A_42, %mul3A_43 : i32
    %run_scoped3A_45 = arith.constant 0 : i32
    "tpu.region"() ({
      %run_scoped3A_170 = tpu.sem_alloc : memref<!tpu.dma_semaphore, #tpu.memory_space<semaphore_mem>>
      %dma_start3A_171 = arith.constant 0 : i32
      %dma_start3A_172 = arith.constant 0 : i32
      %dma_start3A_173 = tpu.memref_slice %arg8[%run_scoped3A_45, %dma_start3A_171, %dma_start3A_172] : memref<2x128x128xf32, #tpu.memory_space<vmem>> -> memref<1x64x128xf32, #tpu.memory_space<vmem>>
      %dma_start3A_174 = tpu.memref_squeeze %dma_start3A_173 : memref<1x64x128xf32, #tpu.memory_space<vmem>> -> memref<64x128xf32, #tpu.memory_space<vmem>>
      %dma_start3A_175 = arith.constant 0 : i32
      %dma_start3A_176 = tpu.memref_slice %arg11[%mul3A_44, %dma_start3A_175] : memref<10240x128xf32, #tpu.memory_space<vmem_shared>> -> memref<64x128xf32, #tpu.memory_space<vmem_shared>>
      %dma_start3A_177 = arith.constant 0 : i32
      %dma_start3A_178 = tpu.memref_slice %arg11[%mul3A_44, %dma_start3A_177] : memref<10240x128xf32, #tpu.memory_space<vmem_shared>> -> memref<64x128xf32, #tpu.memory_space<vmem_shared>>
      %dma_start3A_179 = arith.constant 0 : i32
      %dma_start3A_180 = arith.constant 0 : i32
      %dma_start3A_181 = tpu.memref_slice %arg8[%run_scoped3A_45, %dma_start3A_179, %dma_start3A_180] : memref<2x128x128xf32, #tpu.memory_space<vmem>> -> memref<1x64x128xf32, #tpu.memory_space<vmem>>
      %dma_start3A_182 = tpu.memref_squeeze %dma_start3A_181 : memref<1x64x128xf32, #tpu.memory_space<vmem>> -> memref<64x128xf32, #tpu.memory_space<vmem>>
      tpu.enqueue_dma source(%dma_start3A_182 : memref<64x128xf32, #tpu.memory_space<vmem>>) target(%dma_start3A_178 : memref<64x128xf32, #tpu.memory_space<vmem_shared>>) target_semaphore(%run_scoped3A_170 : memref<!tpu.dma_semaphore, #tpu.memory_space<semaphore_mem>>)
      %dma_wait3A = arith.constant 0 : i32
      %dma_wait3A_183 = arith.constant 0 : i32
      %dma_wait3A_184 = tpu.memref_slice %arg8[%run_scoped3A_45, %dma_wait3A, %dma_wait3A_183] : memref<2x128x128xf32, #tpu.memory_space<vmem>> -> memref<1x64x128xf32, #tpu.memory_space<vmem>>
      %dma_wait3A_185 = tpu.memref_squeeze %dma_wait3A_184 : memref<1x64x128xf32, #tpu.memory_space<vmem>> -> memref<64x128xf32, #tpu.memory_space<vmem>>
      %dma_wait3A_186 = arith.constant 0 : i32
      %dma_wait3A_187 = tpu.memref_slice %arg11[%mul3A_44, %dma_wait3A_186] : memref<10240x128xf32, #tpu.memory_space<vmem_shared>> -> memref<64x128xf32, #tpu.memory_space<vmem_shared>>
      %dma_wait3A_188 = arith.constant 0 : i32
      %dma_wait3A_189 = tpu.memref_slice %arg11[%mul3A_44, %dma_wait3A_188] : memref<10240x128xf32, #tpu.memory_space<vmem_shared>> -> memref<64x128xf32, #tpu.memory_space<vmem_shared>>
      %dma_wait3A_190 = arith.constant 0 : i32
      %dma_wait3A_191 = arith.constant 0 : i32
      %dma_wait3A_192 = tpu.memref_slice %arg8[%run_scoped3A_45, %dma_wait3A_190, %dma_wait3A_191] : memref<2x128x128xf32, #tpu.memory_space<vmem>> -> memref<1x64x128xf32, #tpu.memory_space<vmem>>
      %dma_wait3A_193 = tpu.memref_squeeze %dma_wait3A_192 : memref<1x64x128xf32, #tpu.memory_space<vmem>> -> memref<64x128xf32, #tpu.memory_space<vmem>>
      tpu.wait_dma2 semaphore(%run_scoped3A_170 : memref<!tpu.dma_semaphore, #tpu.memory_space<semaphore_mem>>) src(%dma_wait3A_193 : memref<64x128xf32, #tpu.memory_space<vmem>>) dst(%dma_wait3A_189 : memref<64x128xf32, #tpu.memory_space<vmem_shared>>)
      tpu.yield
    }) : () -> ()
    %mul3A_46 = arith.constant 10 : i32
    %mul3A_47 = arith.muli %arg1, %mul3A_46 : i32
    %add3A_48 = arith.constant 6 : i32
    %add3A_49 = arith.addi %mul3A_47, %add3A_48 : i32
    %mul3A_50 = arith.constant 64 : i32
    %mul3A_51 = arith.muli %add3A_49, %mul3A_50 : i32
    %run_scoped3A_52 = arith.constant 0 : i32
    "tpu.region"() ({
      %run_scoped3A_170 = tpu.sem_alloc : memref<!tpu.dma_semaphore, #tpu.memory_space<semaphore_mem>>
      %dma_start3A_171 = arith.constant 0 : i32
      %dma_start3A_172 = arith.constant 0 : i32
      %dma_start3A_173 = tpu.memref_slice %arg8[%run_scoped3A_52, %dma_start3A_171, %dma_start3A_172] : memref<2x128x128xf32, #tpu.memory_space<vmem>> -> memref<1x64x128xf32, #tpu.memory_space<vmem>>
      %dma_start3A_174 = tpu.memref_squeeze %dma_start3A_173 : memref<1x64x128xf32, #tpu.memory_space<vmem>> -> memref<64x128xf32, #tpu.memory_space<vmem>>
      %dma_start3A_175 = arith.constant 0 : i32
      %dma_start3A_176 = tpu.memref_slice %arg11[%mul3A_51, %dma_start3A_175] : memref<10240x128xf32, #tpu.memory_space<vmem_shared>> -> memref<64x128xf32, #tpu.memory_space<vmem_shared>>
      %dma_start3A_177 = arith.constant 0 : i32
      %dma_start3A_178 = tpu.memref_slice %arg11[%mul3A_51, %dma_start3A_177] : memref<10240x128xf32, #tpu.memory_space<vmem_shared>> -> memref<64x128xf32, #tpu.memory_space<vmem_shared>>
      %dma_start3A_179 = arith.constant 0 : i32
      %dma_start3A_180 = arith.constant 0 : i32
      %dma_start3A_181 = tpu.memref_slice %arg8[%run_scoped3A_52, %dma_start3A_179, %dma_start3A_180] : memref<2x128x128xf32, #tpu.memory_space<vmem>> -> memref<1x64x128xf32, #tpu.memory_space<vmem>>
      %dma_start3A_182 = tpu.memref_squeeze %dma_start3A_181 : memref<1x64x128xf32, #tpu.memory_space<vmem>> -> memref<64x128xf32, #tpu.memory_space<vmem>>
      tpu.enqueue_dma source(%dma_start3A_182 : memref<64x128xf32, #tpu.memory_space<vmem>>) target(%dma_start3A_178 : memref<64x128xf32, #tpu.memory_space<vmem_shared>>) target_semaphore(%run_scoped3A_170 : memref<!tpu.dma_semaphore, #tpu.memory_space<semaphore_mem>>)
      %dma_wait3A = arith.constant 0 : i32
      %dma_wait3A_183 = arith.constant 0 : i32
      %dma_wait3A_184 = tpu.memref_slice %arg8[%run_scoped3A_52, %dma_wait3A, %dma_wait3A_183] : memref<2x128x128xf32, #tpu.memory_space<vmem>> -> memref<1x64x128xf32, #tpu.memory_space<vmem>>
      %dma_wait3A_185 = tpu.memref_squeeze %dma_wait3A_184 : memref<1x64x128xf32, #tpu.memory_space<vmem>> -> memref<64x128xf32, #tpu.memory_space<vmem>>
      %dma_wait3A_186 = arith.constant 0 : i32
      %dma_wait3A_187 = tpu.memref_slice %arg11[%mul3A_51, %dma_wait3A_186] : memref<10240x128xf32, #tpu.memory_space<vmem_shared>> -> memref<64x128xf32, #tpu.memory_space<vmem_shared>>
      %dma_wait3A_188 = arith.constant 0 : i32
      %dma_wait3A_189 = tpu.memref_slice %arg11[%mul3A_51, %dma_wait3A_188] : memref<10240x128xf32, #tpu.memory_space<vmem_shared>> -> memref<64x128xf32, #tpu.memory_space<vmem_shared>>
      %dma_wait3A_190 = arith.constant 0 : i32
      %dma_wait3A_191 = arith.constant 0 : i32
      %dma_wait3A_192 = tpu.memref_slice %arg8[%run_scoped3A_52, %dma_wait3A_190, %dma_wait3A_191] : memref<2x128x128xf32, #tpu.memory_space<vmem>> -> memref<1x64x128xf32, #tpu.memory_space<vmem>>
      %dma_wait3A_193 = tpu.memref_squeeze %dma_wait3A_192 : memref<1x64x128xf32, #tpu.memory_space<vmem>> -> memref<64x128xf32, #tpu.memory_space<vmem>>
      tpu.wait_dma2 semaphore(%run_scoped3A_170 : memref<!tpu.dma_semaphore, #tpu.memory_space<semaphore_mem>>) src(%dma_wait3A_193 : memref<64x128xf32, #tpu.memory_space<vmem>>) dst(%dma_wait3A_189 : memref<64x128xf32, #tpu.memory_space<vmem_shared>>)
      tpu.yield
    }) : () -> ()
    %mul3A_53 = arith.constant 10 : i32
    %mul3A_54 = arith.muli %arg1, %mul3A_53 : i32
    %add3A_55 = arith.constant 7 : i32
    %add3A_56 = arith.addi %mul3A_54, %add3A_55 : i32
    %mul3A_57 = arith.constant 64 : i32
    %mul3A_58 = arith.muli %add3A_56, %mul3A_57 : i32
    %run_scoped3A_59 = arith.constant 0 : i32
    "tpu.region"() ({
      %run_scoped3A_170 = tpu.sem_alloc : memref<!tpu.dma_semaphore, #tpu.memory_space<semaphore_mem>>
      %dma_start3A_171 = arith.constant 0 : i32
      %dma_start3A_172 = arith.constant 0 : i32
      %dma_start3A_173 = tpu.memref_slice %arg8[%run_scoped3A_59, %dma_start3A_171, %dma_start3A_172] : memref<2x128x128xf32, #tpu.memory_space<vmem>> -> memref<1x64x128xf32, #tpu.memory_space<vmem>>
      %dma_start3A_174 = tpu.memref_squeeze %dma_start3A_173 : memref<1x64x128xf32, #tpu.memory_space<vmem>> -> memref<64x128xf32, #tpu.memory_space<vmem>>
      %dma_start3A_175 = arith.constant 0 : i32
      %dma_start3A_176 = tpu.memref_slice %arg11[%mul3A_58, %dma_start3A_175] : memref<10240x128xf32, #tpu.memory_space<vmem_shared>> -> memref<64x128xf32, #tpu.memory_space<vmem_shared>>
      %dma_start3A_177 = arith.constant 0 : i32
      %dma_start3A_178 = tpu.memref_slice %arg11[%mul3A_58, %dma_start3A_177] : memref<10240x128xf32, #tpu.memory_space<vmem_shared>> -> memref<64x128xf32, #tpu.memory_space<vmem_shared>>
      %dma_start3A_179 = arith.constant 0 : i32
      %dma_start3A_180 = arith.constant 0 : i32
      %dma_start3A_181 = tpu.memref_slice %arg8[%run_scoped3A_59, %dma_start3A_179, %dma_start3A_180] : memref<2x128x128xf32, #tpu.memory_space<vmem>> -> memref<1x64x128xf32, #tpu.memory_space<vmem>>
      %dma_start3A_182 = tpu.memref_squeeze %dma_start3A_181 : memref<1x64x128xf32, #tpu.memory_space<vmem>> -> memref<64x128xf32, #tpu.memory_space<vmem>>
      tpu.enqueue_dma source(%dma_start3A_182 : memref<64x128xf32, #tpu.memory_space<vmem>>) target(%dma_start3A_178 : memref<64x128xf32, #tpu.memory_space<vmem_shared>>) target_semaphore(%run_scoped3A_170 : memref<!tpu.dma_semaphore, #tpu.memory_space<semaphore_mem>>)
      %dma_wait3A = arith.constant 0 : i32
      %dma_wait3A_183 = arith.constant 0 : i32
      %dma_wait3A_184 = tpu.memref_slice %arg8[%run_scoped3A_59, %dma_wait3A, %dma_wait3A_183] : memref<2x128x128xf32, #tpu.memory_space<vmem>> -> memref<1x64x128xf32, #tpu.memory_space<vmem>>
      %dma_wait3A_185 = tpu.memref_squeeze %dma_wait3A_184 : memref<1x64x128xf32, #tpu.memory_space<vmem>> -> memref<64x128xf32, #tpu.memory_space<vmem>>
      %dma_wait3A_186 = arith.constant 0 : i32
      %dma_wait3A_187 = tpu.memref_slice %arg11[%mul3A_58, %dma_wait3A_186] : memref<10240x128xf32, #tpu.memory_space<vmem_shared>> -> memref<64x128xf32, #tpu.memory_space<vmem_shared>>
      %dma_wait3A_188 = arith.constant 0 : i32
      %dma_wait3A_189 = tpu.memref_slice %arg11[%mul3A_58, %dma_wait3A_188] : memref<10240x128xf32, #tpu.memory_space<vmem_shared>> -> memref<64x128xf32, #tpu.memory_space<vmem_shared>>
      %dma_wait3A_190 = arith.constant 0 : i32
      %dma_wait3A_191 = arith.constant 0 : i32
      %dma_wait3A_192 = tpu.memref_slice %arg8[%run_scoped3A_59, %dma_wait3A_190, %dma_wait3A_191] : memref<2x128x128xf32, #tpu.memory_space<vmem>> -> memref<1x64x128xf32, #tpu.memory_space<vmem>>
      %dma_wait3A_193 = tpu.memref_squeeze %dma_wait3A_192 : memref<1x64x128xf32, #tpu.memory_space<vmem>> -> memref<64x128xf32, #tpu.memory_space<vmem>>
      tpu.wait_dma2 semaphore(%run_scoped3A_170 : memref<!tpu.dma_semaphore, #tpu.memory_space<semaphore_mem>>) src(%dma_wait3A_193 : memref<64x128xf32, #tpu.memory_space<vmem>>) dst(%dma_wait3A_189 : memref<64x128xf32, #tpu.memory_space<vmem_shared>>)
      tpu.yield
    }) : () -> ()
    %mul3A_60 = arith.constant 10 : i32
    %mul3A_61 = arith.muli %arg1, %mul3A_60 : i32
    %add3A_62 = arith.constant 8 : i32
    %add3A_63 = arith.addi %mul3A_61, %add3A_62 : i32
    %mul3A_64 = arith.constant 64 : i32
    %mul3A_65 = arith.muli %add3A_63, %mul3A_64 : i32
    %run_scoped3A_66 = arith.constant 0 : i32
    "tpu.region"() ({
      %run_scoped3A_170 = tpu.sem_alloc : memref<!tpu.dma_semaphore, #tpu.memory_space<semaphore_mem>>
      %dma_start3A_171 = arith.constant 0 : i32
      %dma_start3A_172 = arith.constant 0 : i32
      %dma_start3A_173 = tpu.memref_slice %arg8[%run_scoped3A_66, %dma_start3A_171, %dma_start3A_172] : memref<2x128x128xf32, #tpu.memory_space<vmem>> -> memref<1x64x128xf32, #tpu.memory_space<vmem>>
      %dma_start3A_174 = tpu.memref_squeeze %dma_start3A_173 : memref<1x64x128xf32, #tpu.memory_space<vmem>> -> memref<64x128xf32, #tpu.memory_space<vmem>>
      %dma_start3A_175 = arith.constant 0 : i32
      %dma_start3A_176 = tpu.memref_slice %arg11[%mul3A_65, %dma_start3A_175] : memref<10240x128xf32, #tpu.memory_space<vmem_shared>> -> memref<64x128xf32, #tpu.memory_space<vmem_shared>>
      %dma_start3A_177 = arith.constant 0 : i32
      %dma_start3A_178 = tpu.memref_slice %arg11[%mul3A_65, %dma_start3A_177] : memref<10240x128xf32, #tpu.memory_space<vmem_shared>> -> memref<64x128xf32, #tpu.memory_space<vmem_shared>>
      %dma_start3A_179 = arith.constant 0 : i32
      %dma_start3A_180 = arith.constant 0 : i32
      %dma_start3A_181 = tpu.memref_slice %arg8[%run_scoped3A_66, %dma_start3A_179, %dma_start3A_180] : memref<2x128x128xf32, #tpu.memory_space<vmem>> -> memref<1x64x128xf32, #tpu.memory_space<vmem>>
      %dma_start3A_182 = tpu.memref_squeeze %dma_start3A_181 : memref<1x64x128xf32, #tpu.memory_space<vmem>> -> memref<64x128xf32, #tpu.memory_space<vmem>>
      tpu.enqueue_dma source(%dma_start3A_182 : memref<64x128xf32, #tpu.memory_space<vmem>>) target(%dma_start3A_178 : memref<64x128xf32, #tpu.memory_space<vmem_shared>>) target_semaphore(%run_scoped3A_170 : memref<!tpu.dma_semaphore, #tpu.memory_space<semaphore_mem>>)
      %dma_wait3A = arith.constant 0 : i32
      %dma_wait3A_183 = arith.constant 0 : i32
      %dma_wait3A_184 = tpu.memref_slice %arg8[%run_scoped3A_66, %dma_wait3A, %dma_wait3A_183] : memref<2x128x128xf32, #tpu.memory_space<vmem>> -> memref<1x64x128xf32, #tpu.memory_space<vmem>>
      %dma_wait3A_185 = tpu.memref_squeeze %dma_wait3A_184 : memref<1x64x128xf32, #tpu.memory_space<vmem>> -> memref<64x128xf32, #tpu.memory_space<vmem>>
      %dma_wait3A_186 = arith.constant 0 : i32
      %dma_wait3A_187 = tpu.memref_slice %arg11[%mul3A_65, %dma_wait3A_186] : memref<10240x128xf32, #tpu.memory_space<vmem_shared>> -> memref<64x128xf32, #tpu.memory_space<vmem_shared>>
      %dma_wait3A_188 = arith.constant 0 : i32
      %dma_wait3A_189 = tpu.memref_slice %arg11[%mul3A_65, %dma_wait3A_188] : memref<10240x128xf32, #tpu.memory_space<vmem_shared>> -> memref<64x128xf32, #tpu.memory_space<vmem_shared>>
      %dma_wait3A_190 = arith.constant 0 : i32
      %dma_wait3A_191 = arith.constant 0 : i32
      %dma_wait3A_192 = tpu.memref_slice %arg8[%run_scoped3A_66, %dma_wait3A_190, %dma_wait3A_191] : memref<2x128x128xf32, #tpu.memory_space<vmem>> -> memref<1x64x128xf32, #tpu.memory_space<vmem>>
      %dma_wait3A_193 = tpu.memref_squeeze %dma_wait3A_192 : memref<1x64x128xf32, #tpu.memory_space<vmem>> -> memref<64x128xf32, #tpu.memory_space<vmem>>
      tpu.wait_dma2 semaphore(%run_scoped3A_170 : memref<!tpu.dma_semaphore, #tpu.memory_space<semaphore_mem>>) src(%dma_wait3A_193 : memref<64x128xf32, #tpu.memory_space<vmem>>) dst(%dma_wait3A_189 : memref<64x128xf32, #tpu.memory_space<vmem_shared>>)
      tpu.yield
    }) : () -> ()
    %mul3A_67 = arith.constant 10 : i32
    %mul3A_68 = arith.muli %arg1, %mul3A_67 : i32
    %add3A_69 = arith.constant 9 : i32
    %add3A_70 = arith.addi %mul3A_68, %add3A_69 : i32
    %mul3A_71 = arith.constant 64 : i32
    %mul3A_72 = arith.muli %add3A_70, %mul3A_71 : i32
    %run_scoped3A_73 = arith.constant 0 : i32
    "tpu.region"() ({
      %run_scoped3A_170 = tpu.sem_alloc : memref<!tpu.dma_semaphore, #tpu.memory_space<semaphore_mem>>
      %dma_start3A_171 = arith.constant 0 : i32
      %dma_start3A_172 = arith.constant 0 : i32
      %dma_start3A_173 = tpu.memref_slice %arg8[%run_scoped3A_73, %dma_start3A_171, %dma_start3A_172] : memref<2x128x128xf32, #tpu.memory_space<vmem>> -> memref<1x64x128xf32, #tpu.memory_space<vmem>>
      %dma_start3A_174 = tpu.memref_squeeze %dma_start3A_173 : memref<1x64x128xf32, #tpu.memory_space<vmem>> -> memref<64x128xf32, #tpu.memory_space<vmem>>
      %dma_start3A_175 = arith.constant 0 : i32
      %dma_start3A_176 = tpu.memref_slice %arg11[%mul3A_72, %dma_start3A_175] : memref<10240x128xf32, #tpu.memory_space<vmem_shared>> -> memref<64x128xf32, #tpu.memory_space<vmem_shared>>
      %dma_start3A_177 = arith.constant 0 : i32
      %dma_start3A_178 = tpu.memref_slice %arg11[%mul3A_72, %dma_start3A_177] : memref<10240x128xf32, #tpu.memory_space<vmem_shared>> -> memref<64x128xf32, #tpu.memory_space<vmem_shared>>
      %dma_start3A_179 = arith.constant 0 : i32
      %dma_start3A_180 = arith.constant 0 : i32
      %dma_start3A_181 = tpu.memref_slice %arg8[%run_scoped3A_73, %dma_start3A_179, %dma_start3A_180] : memref<2x128x128xf32, #tpu.memory_space<vmem>> -> memref<1x64x128xf32, #tpu.memory_space<vmem>>
      %dma_start3A_182 = tpu.memref_squeeze %dma_start3A_181 : memref<1x64x128xf32, #tpu.memory_space<vmem>> -> memref<64x128xf32, #tpu.memory_space<vmem>>
      tpu.enqueue_dma source(%dma_start3A_182 : memref<64x128xf32, #tpu.memory_space<vmem>>) target(%dma_start3A_178 : memref<64x128xf32, #tpu.memory_space<vmem_shared>>) target_semaphore(%run_scoped3A_170 : memref<!tpu.dma_semaphore, #tpu.memory_space<semaphore_mem>>)
      %dma_wait3A = arith.constant 0 : i32
      %dma_wait3A_183 = arith.constant 0 : i32
      %dma_wait3A_184 = tpu.memref_slice %arg8[%run_scoped3A_73, %dma_wait3A, %dma_wait3A_183] : memref<2x128x128xf32, #tpu.memory_space<vmem>> -> memref<1x64x128xf32, #tpu.memory_space<vmem>>
      %dma_wait3A_185 = tpu.memref_squeeze %dma_wait3A_184 : memref<1x64x128xf32, #tpu.memory_space<vmem>> -> memref<64x128xf32, #tpu.memory_space<vmem>>
      %dma_wait3A_186 = arith.constant 0 : i32
      %dma_wait3A_187 = tpu.memref_slice %arg11[%mul3A_72, %dma_wait3A_186] : memref<10240x128xf32, #tpu.memory_space<vmem_shared>> -> memref<64x128xf32, #tpu.memory_space<vmem_shared>>
      %dma_wait3A_188 = arith.constant 0 : i32
      %dma_wait3A_189 = tpu.memref_slice %arg11[%mul3A_72, %dma_wait3A_188] : memref<10240x128xf32, #tpu.memory_space<vmem_shared>> -> memref<64x128xf32, #tpu.memory_space<vmem_shared>>
      %dma_wait3A_190 = arith.constant 0 : i32
      %dma_wait3A_191 = arith.constant 0 : i32
      %dma_wait3A_192 = tpu.memref_slice %arg8[%run_scoped3A_73, %dma_wait3A_190, %dma_wait3A_191] : memref<2x128x128xf32, #tpu.memory_space<vmem>> -> memref<1x64x128xf32, #tpu.memory_space<vmem>>
      %dma_wait3A_193 = tpu.memref_squeeze %dma_wait3A_192 : memref<1x64x128xf32, #tpu.memory_space<vmem>> -> memref<64x128xf32, #tpu.memory_space<vmem>>
      tpu.wait_dma2 semaphore(%run_scoped3A_170 : memref<!tpu.dma_semaphore, #tpu.memory_space<semaphore_mem>>) src(%dma_wait3A_193 : memref<64x128xf32, #tpu.memory_space<vmem>>) dst(%dma_wait3A_189 : memref<64x128xf32, #tpu.memory_space<vmem_shared>>)
      tpu.yield
    }) : () -> ()
    %barrier3A = arith.constant 0 : index
    tpu.barrier barrier_id(%barrier3A)
    %run_scoped3A_74 = arith.constant 0 : i32
    "tpu.region"() ({
      %run_scoped3A_170 = tpu.sem_alloc : memref<!tpu.dma_semaphore, #tpu.memory_space<semaphore_mem>>
      %dma_start3A_171 = arith.constant 0 : i32
      %dma_start3A_172 = arith.constant 0 : i32
      %dma_start3A_173 = tpu.memref_slice %arg6[%run_scoped3A_74, %dma_start3A_171, %dma_start3A_172] : memref<2x8x128xi32, #tpu.memory_space<vmem>> -> memref<1x8x128xi32, #tpu.memory_space<vmem>>
      %dma_start3A_174 = tpu.memref_squeeze %dma_start3A_173 : memref<1x8x128xi32, #tpu.memory_space<vmem>> -> memref<8x128xi32, #tpu.memory_space<vmem>>
      %dma_start3A_175 = arith.constant 0 : i32
      %dma_start3A_176 = arith.constant 0 : i32
      %dma_start3A_177 = tpu.memref_slice %arg3[%add3A, %dma_start3A_175, %dma_start3A_176] : memref<32x80x128xi32, #tpu.memory_space<hbm>> -> memref<1x8x128xi32, #tpu.memory_space<hbm>>
      %dma_start3A_178 = tpu.memref_squeeze %dma_start3A_177 : memref<1x8x128xi32, #tpu.memory_space<hbm>> -> memref<8x128xi32, #tpu.memory_space<hbm>>
      %dma_start3A_179 = arith.constant 0 : i32
      %dma_start3A_180 = arith.constant 0 : i32
      %dma_start3A_181 = tpu.memref_slice %arg6[%run_scoped3A_74, %dma_start3A_179, %dma_start3A_180] : memref<2x8x128xi32, #tpu.memory_space<vmem>> -> memref<1x8x128xi32, #tpu.memory_space<vmem>>
      %dma_start3A_182 = tpu.memref_squeeze %dma_start3A_181 : memref<1x8x128xi32, #tpu.memory_space<vmem>> -> memref<8x128xi32, #tpu.memory_space<vmem>>
      %dma_start3A_183 = arith.constant 0 : i32
      %dma_start3A_184 = arith.constant 0 : i32
      %dma_start3A_185 = tpu.memref_slice %arg3[%add3A, %dma_start3A_183, %dma_start3A_184] : memref<32x80x128xi32, #tpu.memory_space<hbm>> -> memref<1x8x128xi32, #tpu.memory_space<hbm>>
      %dma_start3A_186 = tpu.memref_squeeze %dma_start3A_185 : memref<1x8x128xi32, #tpu.memory_space<hbm>> -> memref<8x128xi32, #tpu.memory_space<hbm>>
      tpu.enqueue_dma source(%dma_start3A_186 : memref<8x128xi32, #tpu.memory_space<hbm>>) target(%dma_start3A_182 : memref<8x128xi32, #tpu.memory_space<vmem>>) target_semaphore(%run_scoped3A_170 : memref<!tpu.dma_semaphore, #tpu.memory_space<semaphore_mem>>)
      %dma_wait3A = arith.constant 0 : i32
      %dma_wait3A_187 = arith.constant 0 : i32
      %dma_wait3A_188 = tpu.memref_slice %arg6[%run_scoped3A_74, %dma_wait3A, %dma_wait3A_187] : memref<2x8x128xi32, #tpu.memory_space<vmem>> -> memref<1x8x128xi32, #tpu.memory_space<vmem>>
      %dma_wait3A_189 = tpu.memref_squeeze %dma_wait3A_188 : memref<1x8x128xi32, #tpu.memory_space<vmem>> -> memref<8x128xi32, #tpu.memory_space<vmem>>
      %dma_wait3A_190 = arith.constant 0 : i32
      %dma_wait3A_191 = arith.constant 0 : i32
      %dma_wait3A_192 = tpu.memref_slice %arg3[%add3A, %dma_wait3A_190, %dma_wait3A_191] : memref<32x80x128xi32, #tpu.memory_space<hbm>> -> memref<1x8x128xi32, #tpu.memory_space<hbm>>
      %dma_wait3A_193 = tpu.memref_squeeze %dma_wait3A_192 : memref<1x8x128xi32, #tpu.memory_space<hbm>> -> memref<8x128xi32, #tpu.memory_space<hbm>>
      %dma_wait3A_194 = arith.constant 0 : i32
      %dma_wait3A_195 = arith.constant 0 : i32
      %dma_wait3A_196 = tpu.memref_slice %arg6[%run_scoped3A_74, %dma_wait3A_194, %dma_wait3A_195] : memref<2x8x128xi32, #tpu.memory_space<vmem>> -> memref<1x8x128xi32, #tpu.memory_space<vmem>>
      %dma_wait3A_197 = tpu.memref_squeeze %dma_wait3A_196 : memref<1x8x128xi32, #tpu.memory_space<vmem>> -> memref<8x128xi32, #tpu.memory_space<vmem>>
      %dma_wait3A_198 = arith.constant 0 : i32
      %dma_wait3A_199 = arith.constant 0 : i32
      %dma_wait3A_200 = tpu.memref_slice %arg3[%add3A, %dma_wait3A_198, %dma_wait3A_199] : memref<32x80x128xi32, #tpu.memory_space<hbm>> -> memref<1x8x128xi32, #tpu.memory_space<hbm>>
      %dma_wait3A_201 = tpu.memref_squeeze %dma_wait3A_200 : memref<1x8x128xi32, #tpu.memory_space<hbm>> -> memref<8x128xi32, #tpu.memory_space<hbm>>
      tpu.wait_dma2 semaphore(%run_scoped3A_170 : memref<!tpu.dma_semaphore, #tpu.memory_space<semaphore_mem>>) src(%dma_wait3A_201 : memref<8x128xi32, #tpu.memory_space<hbm>>) dst(%dma_wait3A_197 : memref<8x128xi32, #tpu.memory_space<vmem>>)
      tpu.yield
    }) : () -> ()
    %run_scoped3A_75 = arith.constant 0 : i32
    "tpu.region"() ({
      %run_scoped3A_170 = tpu.sem_alloc : memref<!tpu.dma_semaphore, #tpu.memory_space<semaphore_mem>>
      %dma_start3A_171 = arith.constant 0 : i32
      %dma_start3A_172 = arith.constant 0 : i32
      %dma_start3A_173 = tpu.memref_slice %arg7[%run_scoped3A_75, %dma_start3A_171, %dma_start3A_172] : memref<2x8x128xi32, #tpu.memory_space<vmem>> -> memref<1x8x128xi32, #tpu.memory_space<vmem>>
      %dma_start3A_174 = tpu.memref_squeeze %dma_start3A_173 : memref<1x8x128xi32, #tpu.memory_space<vmem>> -> memref<8x128xi32, #tpu.memory_space<vmem>>
      %dma_start3A_175 = arith.constant 0 : i32
      %dma_start3A_176 = arith.constant 0 : i32
      %dma_start3A_177 = tpu.memref_slice %arg4[%add3A, %dma_start3A_175, %dma_start3A_176] : memref<32x80x128xi32, #tpu.memory_space<hbm>> -> memref<1x8x128xi32, #tpu.memory_space<hbm>>
      %dma_start3A_178 = tpu.memref_squeeze %dma_start3A_177 : memref<1x8x128xi32, #tpu.memory_space<hbm>> -> memref<8x128xi32, #tpu.memory_space<hbm>>
      %dma_start3A_179 = arith.constant 0 : i32
      %dma_start3A_180 = arith.constant 0 : i32
      %dma_start3A_181 = tpu.memref_slice %arg7[%run_scoped3A_75, %dma_start3A_179, %dma_start3A_180] : memref<2x8x128xi32, #tpu.memory_space<vmem>> -> memref<1x8x128xi32, #tpu.memory_space<vmem>>
      %dma_start3A_182 = tpu.memref_squeeze %dma_start3A_181 : memref<1x8x128xi32, #tpu.memory_space<vmem>> -> memref<8x128xi32, #tpu.memory_space<vmem>>
      %dma_start3A_183 = arith.constant 0 : i32
      %dma_start3A_184 = arith.constant 0 : i32
      %dma_start3A_185 = tpu.memref_slice %arg4[%add3A, %dma_start3A_183, %dma_start3A_184] : memref<32x80x128xi32, #tpu.memory_space<hbm>> -> memref<1x8x128xi32, #tpu.memory_space<hbm>>
      %dma_start3A_186 = tpu.memref_squeeze %dma_start3A_185 : memref<1x8x128xi32, #tpu.memory_space<hbm>> -> memref<8x128xi32, #tpu.memory_space<hbm>>
      tpu.enqueue_dma source(%dma_start3A_186 : memref<8x128xi32, #tpu.memory_space<hbm>>) target(%dma_start3A_182 : memref<8x128xi32, #tpu.memory_space<vmem>>) target_semaphore(%run_scoped3A_170 : memref<!tpu.dma_semaphore, #tpu.memory_space<semaphore_mem>>)
      %dma_wait3A = arith.constant 0 : i32
      %dma_wait3A_187 = arith.constant 0 : i32
      %dma_wait3A_188 = tpu.memref_slice %arg7[%run_scoped3A_75, %dma_wait3A, %dma_wait3A_187] : memref<2x8x128xi32, #tpu.memory_space<vmem>> -> memref<1x8x128xi32, #tpu.memory_space<vmem>>
      %dma_wait3A_189 = tpu.memref_squeeze %dma_wait3A_188 : memref<1x8x128xi32, #tpu.memory_space<vmem>> -> memref<8x128xi32, #tpu.memory_space<vmem>>
      %dma_wait3A_190 = arith.constant 0 : i32
      %dma_wait3A_191 = arith.constant 0 : i32
      %dma_wait3A_192 = tpu.memref_slice %arg4[%add3A, %dma_wait3A_190, %dma_wait3A_191] : memref<32x80x128xi32, #tpu.memory_space<hbm>> -> memref<1x8x128xi32, #tpu.memory_space<hbm>>
      %dma_wait3A_193 = tpu.memref_squeeze %dma_wait3A_192 : memref<1x8x128xi32, #tpu.memory_space<hbm>> -> memref<8x128xi32, #tpu.memory_space<hbm>>
      %dma_wait3A_194 = arith.constant 0 : i32
      %dma_wait3A_195 = arith.constant 0 : i32
      %dma_wait3A_196 = tpu.memref_slice %arg7[%run_scoped3A_75, %dma_wait3A_194, %dma_wait3A_195] : memref<2x8x128xi32, #tpu.memory_space<vmem>> -> memref<1x8x128xi32, #tpu.memory_space<vmem>>
      %dma_wait3A_197 = tpu.memref_squeeze %dma_wait3A_196 : memref<1x8x128xi32, #tpu.memory_space<vmem>> -> memref<8x128xi32, #tpu.memory_space<vmem>>
      %dma_wait3A_198 = arith.constant 0 : i32
      %dma_wait3A_199 = arith.constant 0 : i32
      %dma_wait3A_200 = tpu.memref_slice %arg4[%add3A, %dma_wait3A_198, %dma_wait3A_199] : memref<32x80x128xi32, #tpu.memory_space<hbm>> -> memref<1x8x128xi32, #tpu.memory_space<hbm>>
      %dma_wait3A_201 = tpu.memref_squeeze %dma_wait3A_200 : memref<1x8x128xi32, #tpu.memory_space<hbm>> -> memref<8x128xi32, #tpu.memory_space<hbm>>
      tpu.wait_dma2 semaphore(%run_scoped3A_170 : memref<!tpu.dma_semaphore, #tpu.memory_space<semaphore_mem>>) src(%dma_wait3A_201 : memref<8x128xi32, #tpu.memory_space<hbm>>) dst(%dma_wait3A_197 : memref<8x128xi32, #tpu.memory_space<vmem>>)
      tpu.yield
    }) : () -> ()
    %dma_start3A = arith.constant 0 : i32
    %dma_start3A_76 = arith.constant 0 : i32
    %dma_start3A_77 = arith.constant 0 : i32
    %dma_start3A_78 = arith.constant 0 : i32
    %dma_start3A_79 = arith.constant 0 : i32
    %dma_start3A_80 = arith.constant 0 : i32
    %dma_start3A_81 = tpu.memref_slice %arg8[%dma_start3A_77, %dma_start3A_79, %dma_start3A_80] : memref<2x128x128xf32, #tpu.memory_space<vmem>> -> memref<1x128x128xf32, #tpu.memory_space<vmem>>
    %dma_start3A_82 = tpu.memref_squeeze %dma_start3A_81 : memref<1x128x128xf32, #tpu.memory_space<vmem>> -> memref<128x128xf32, #tpu.memory_space<vmem>>
    %dma_start3A_83 = arith.constant 0 : i32
    %dma_start3A_84 = tpu.memref_slice %arg6[%dma_start3A, %dma_start3A_76, %dma_start3A_83] : memref<2x8x128xi32, #tpu.memory_space<vmem>> -> memref<1x1x128xi32, #tpu.memory_space<vmem>>
    %dma_start3A_85 = tpu.memref_squeeze %dma_start3A_84 : memref<1x1x128xi32, #tpu.memory_space<vmem>> -> memref<128xi32, #tpu.memory_space<vmem>>
    %dma_start3A_86 = arith.constant 0 : i32
    %dma_start3A_87 = arith.constant 0 : i32
    %dma_start3A_88 = tpu.memref_slice %arg2[%dma_start3A_86, %dma_start3A_87] : memref<10000x128xf32, #tpu.memory_space<hbm>> -> memref<10000x128xf32, #tpu.memory_space<hbm>>
    %dma_start3A_89 = tpu.memref_slice %arg9[%dma_start3A_78] : memref<2x!tpu.dma_semaphore, #tpu.memory_space<semaphore_mem>> -> memref<1x!tpu.dma_semaphore, #tpu.memory_space<semaphore_mem>>
    %dma_start3A_90 = tpu.memref_squeeze %dma_start3A_89 : memref<1x!tpu.dma_semaphore, #tpu.memory_space<semaphore_mem>> -> memref<!tpu.dma_semaphore, #tpu.memory_space<semaphore_mem>>
    tpu.enqueue_indirect_dma source(%dma_start3A_88 : memref<10000x128xf32, #tpu.memory_space<hbm>>) target(%dma_start3A_82 : memref<128x128xf32, #tpu.memory_space<vmem>>) offsets(%dma_start3A_85 : memref<128xi32, #tpu.memory_space<vmem>>) semaphore(%dma_start3A_90 : memref<!tpu.dma_semaphore, #tpu.memory_space<semaphore_mem>>)
    %dma_start3A_91 = arith.constant 0 : i32
    %dma_start3A_92 = arith.constant 1 : i32
    %dma_start3A_93 = arith.constant 1 : i32
    %dma_start3A_94 = arith.constant 1 : i32
    %dma_start3A_95 = arith.constant 0 : i32
    %dma_start3A_96 = arith.constant 0 : i32
    %dma_start3A_97 = tpu.memref_slice %arg8[%dma_start3A_93, %dma_start3A_95, %dma_start3A_96] : memref<2x128x128xf32, #tpu.memory_space<vmem>> -> memref<1x128x128xf32, #tpu.memory_space<vmem>>
    %dma_start3A_98 = tpu.memref_squeeze %dma_start3A_97 : memref<1x128x128xf32, #tpu.memory_space<vmem>> -> memref<128x128xf32, #tpu.memory_space<vmem>>
    %dma_start3A_99 = arith.constant 0 : i32
    %dma_start3A_100 = tpu.memref_slice %arg6[%dma_start3A_91, %dma_start3A_92, %dma_start3A_99] : memref<2x8x128xi32, #tpu.memory_space<vmem>> -> memref<1x1x128xi32, #tpu.memory_space<vmem>>
    %dma_start3A_101 = tpu.memref_squeeze %dma_start3A_100 : memref<1x1x128xi32, #tpu.memory_space<vmem>> -> memref<128xi32, #tpu.memory_space<vmem>>
    %dma_start3A_102 = arith.constant 0 : i32
    %dma_start3A_103 = arith.constant 0 : i32
    %dma_start3A_104 = tpu.memref_slice %arg2[%dma_start3A_102, %dma_start3A_103] : memref<10000x128xf32, #tpu.memory_space<hbm>> -> memref<10000x128xf32, #tpu.memory_space<hbm>>
    %dma_start3A_105 = tpu.memref_slice %arg9[%dma_start3A_94] : memref<2x!tpu.dma_semaphore, #tpu.memory_space<semaphore_mem>> -> memref<1x!tpu.dma_semaphore, #tpu.memory_space<semaphore_mem>>
    %dma_start3A_106 = tpu.memref_squeeze %dma_start3A_105 : memref<1x!tpu.dma_semaphore, #tpu.memory_space<semaphore_mem>> -> memref<!tpu.dma_semaphore, #tpu.memory_space<semaphore_mem>>
    tpu.enqueue_indirect_dma source(%dma_start3A_104 : memref<10000x128xf32, #tpu.memory_space<hbm>>) target(%dma_start3A_98 : memref<128x128xf32, #tpu.memory_space<vmem>>) offsets(%dma_start3A_101 : memref<128xi32, #tpu.memory_space<vmem>>) semaphore(%dma_start3A_106 : memref<!tpu.dma_semaphore, #tpu.memory_space<semaphore_mem>>)
    %dma_start3A_107 = arith.constant 1 : i32
    %dma_start3A_108 = arith.constant 1 : i32
    %dma_start3A_109 = arith.constant 0 : i32
    %dma_start3A_110 = arith.constant 0 : i32
    %dma_start3A_111 = tpu.memref_slice %arg6[%dma_start3A_107, %dma_start3A_109, %dma_start3A_110] : memref<2x8x128xi32, #tpu.memory_space<vmem>> -> memref<1x8x128xi32, #tpu.memory_space<vmem>>
    %dma_start3A_112 = tpu.memref_squeeze %dma_start3A_111 : memref<1x8x128xi32, #tpu.memory_space<vmem>> -> memref<8x128xi32, #tpu.memory_space<vmem>>
    %dma_start3A_113 = arith.constant 8 : i32
    %dma_start3A_114 = arith.constant 0 : i32
    %dma_start3A_115 = tpu.memref_slice %arg3[%add3A, %dma_start3A_113, %dma_start3A_114] : memref<32x80x128xi32, #tpu.memory_space<hbm>> -> memref<1x8x128xi32, #tpu.memory_space<hbm>>
    %dma_start3A_116 = tpu.memref_squeeze %dma_start3A_115 : memref<1x8x128xi32, #tpu.memory_space<hbm>> -> memref<8x128xi32, #tpu.memory_space<hbm>>
    %dma_start3A_117 = tpu.memref_slice %arg10[%dma_start3A_108] : memref<2x!tpu.dma_semaphore, #tpu.memory_space<semaphore_mem>> -> memref<1x!tpu.dma_semaphore, #tpu.memory_space<semaphore_mem>>
    %dma_start3A_118 = tpu.memref_squeeze %dma_start3A_117 : memref<1x!tpu.dma_semaphore, #tpu.memory_space<semaphore_mem>> -> memref<!tpu.dma_semaphore, #tpu.memory_space<semaphore_mem>>
    %dma_start3A_119 = arith.constant 0 : i32
    %dma_start3A_120 = arith.constant 0 : i32
    %dma_start3A_121 = tpu.memref_slice %arg6[%dma_start3A_107, %dma_start3A_119, %dma_start3A_120] : memref<2x8x128xi32, #tpu.memory_space<vmem>> -> memref<1x8x128xi32, #tpu.memory_space<vmem>>
    %dma_start3A_122 = tpu.memref_squeeze %dma_start3A_121 : memref<1x8x128xi32, #tpu.memory_space<vmem>> -> memref<8x128xi32, #tpu.memory_space<vmem>>
    %dma_start3A_123 = arith.constant 8 : i32
    %dma_start3A_124 = arith.constant 0 : i32
    %dma_start3A_125 = tpu.memref_slice %arg3[%add3A, %dma_start3A_123, %dma_start3A_124] : memref<32x80x128xi32, #tpu.memory_space<hbm>> -> memref<1x8x128xi32, #tpu.memory_space<hbm>>
    %dma_start3A_126 = tpu.memref_squeeze %dma_start3A_125 : memref<1x8x128xi32, #tpu.memory_space<hbm>> -> memref<8x128xi32, #tpu.memory_space<hbm>>
    tpu.enqueue_dma source(%dma_start3A_126 : memref<8x128xi32, #tpu.memory_space<hbm>>) target(%dma_start3A_122 : memref<8x128xi32, #tpu.memory_space<vmem>>) target_semaphore(%dma_start3A_118 : memref<!tpu.dma_semaphore, #tpu.memory_space<semaphore_mem>>)
    %dma_start3A_127 = arith.constant 1 : i32
    %dma_start3A_128 = arith.constant 1 : i32
    %dma_start3A_129 = arith.constant 0 : i32
    %dma_start3A_130 = arith.constant 0 : i32
    %dma_start3A_131 = tpu.memref_slice %arg7[%dma_start3A_127, %dma_start3A_129, %dma_start3A_130] : memref<2x8x128xi32, #tpu.memory_space<vmem>> -> memref<1x8x128xi32, #tpu.memory_space<vmem>>
    %dma_start3A_132 = tpu.memref_squeeze %dma_start3A_131 : memref<1x8x128xi32, #tpu.memory_space<vmem>> -> memref<8x128xi32, #tpu.memory_space<vmem>>
    %dma_start3A_133 = arith.constant 8 : i32
    %dma_start3A_134 = arith.constant 0 : i32
    %dma_start3A_135 = tpu.memref_slice %arg4[%add3A, %dma_start3A_133, %dma_start3A_134] : memref<32x80x128xi32, #tpu.memory_space<hbm>> -> memref<1x8x128xi32, #tpu.memory_space<hbm>>
    %dma_start3A_136 = tpu.memref_squeeze %dma_start3A_135 : memref<1x8x128xi32, #tpu.memory_space<hbm>> -> memref<8x128xi32, #tpu.memory_space<hbm>>
    %dma_start3A_137 = tpu.memref_slice %arg10[%dma_start3A_128] : memref<2x!tpu.dma_semaphore, #tpu.memory_space<semaphore_mem>> -> memref<1x!tpu.dma_semaphore, #tpu.memory_space<semaphore_mem>>
    %dma_start3A_138 = tpu.memref_squeeze %dma_start3A_137 : memref<1x!tpu.dma_semaphore, #tpu.memory_space<semaphore_mem>> -> memref<!tpu.dma_semaphore, #tpu.memory_space<semaphore_mem>>
    %dma_start3A_139 = arith.constant 0 : i32
    %dma_start3A_140 = arith.constant 0 : i32
    %dma_start3A_141 = tpu.memref_slice %arg7[%dma_start3A_127, %dma_start3A_139, %dma_start3A_140] : memref<2x8x128xi32, #tpu.memory_space<vmem>> -> memref<1x8x128xi32, #tpu.memory_space<vmem>>
    %dma_start3A_142 = tpu.memref_squeeze %dma_start3A_141 : memref<1x8x128xi32, #tpu.memory_space<vmem>> -> memref<8x128xi32, #tpu.memory_space<vmem>>
    %dma_start3A_143 = arith.constant 8 : i32
    %dma_start3A_144 = arith.constant 0 : i32
    %dma_start3A_145 = tpu.memref_slice %arg4[%add3A, %dma_start3A_143, %dma_start3A_144] : memref<32x80x128xi32, #tpu.memory_space<hbm>> -> memref<1x8x128xi32, #tpu.memory_space<hbm>>
    %dma_start3A_146 = tpu.memref_squeeze %dma_start3A_145 : memref<1x8x128xi32, #tpu.memory_space<hbm>> -> memref<8x128xi32, #tpu.memory_space<hbm>>
    tpu.enqueue_dma source(%dma_start3A_146 : memref<8x128xi32, #tpu.memory_space<hbm>>) target(%dma_start3A_142 : memref<8x128xi32, #tpu.memory_space<vmem>>) target_semaphore(%dma_start3A_138 : memref<!tpu.dma_semaphore, #tpu.memory_space<semaphore_mem>>)
    %eq3A = arith.constant 0 : i32
    %eq3A_147 = arith.cmpi eq, %arg0, %eq3A : i32
    %jit3A = arith.constant 10 : i32
    %jit3A_148 = arith.constant 10 : i32
    %select_n3A = arith.select %eq3A_147, %jit3A, %jit3A_148 : i32
    %sub3A = arith.constant 0 : i32
    %sub3A_149 = arith.subi %select_n3A, %sub3A : i32
    %sub3A_150 = arith.constant 1 : i32
    %sub3A_151 = arith.constant 1 : i32
    %sub3A_152 = arith.subi %sub3A_150, %sub3A_151 : i32
    %add3A_153 = arith.addi %sub3A_149, %sub3A_152 : i32
    %div3A = arith.constant 1 : i32
    %div3A_154 = arith.divsi %add3A_153, %div3A : i32
    %while3A = arith.constant 1 : i32
    %while3A_155 = arith.constant 0 : i32
    %while3A_156 = arith.constant 0 : i32
    %while3A_157 = arith.subi %div3A_154, %while3A_156 : i32
    %while3A_158 = arith.addi %while3A_156, %while3A_157 : i32
    %while3A_159 = arith.constant 1 : i32
    %while3A_160 = arith.divsi %while3A_157, %while3A_159 : i32
    %while3A_161 = arith.muli %while3A_160, %while3A_159 : i32
    %while3A_162 = arith.addi %while3A_156, %while3A_161 : i32
    %while3A_163 = arith.constant 1 : i32
    scf.for %while3A_170 = %while3A_156 to %while3A_162 step %while3A_163  : i32 {
      %mul3A_171 = arith.muli %while3A_170, %while3A : i32
      %add3A_172 = arith.addi %while3A_155, %mul3A_171 : i32
      %rem3A = arith.constant 2 : i32
      %rem3A_173 = arith.remsi %add3A_172, %rem3A : i32
      %add3A_174 = arith.constant 1 : i32
      %add3A_175 = arith.addi %add3A_172, %add3A_174 : i32
      %rem3A_176 = arith.constant 2 : i32
      %rem3A_177 = arith.remsi %add3A_175, %rem3A_176 : i32
      %sub3A_178 = arith.constant 1 : i32
      %sub3A_179 = arith.subi %select_n3A, %sub3A_178 : i32
      %lt3A = arith.cmpi slt, %add3A_172, %sub3A_179 : i32
      %ge3A = arith.constant 1 : i32
      %ge3A_180 = arith.cmpi sge, %add3A_172, %ge3A : i32
      %and3A = arith.andi %ge3A_180, %lt3A : i1
      %convert_element_type3A = arith.extui %and3A : i1 to i32
      %cond3A = arith.constant 0 : i32
      %cond3A_181 = arith.cmpi ne, %convert_element_type3A, %cond3A : i32
      scf.if %cond3A_181 {
        %add3A_416 = arith.constant 1 : i32
        %add3A_417 = arith.addi %add3A_172, %add3A_416 : i32
        %mul3A_418 = arith.constant 8 : i32
        %mul3A_419 = arith.muli %add3A_417, %mul3A_418 : i32
        %dma_start3A_420 = arith.constant 0 : i32
        %dma_start3A_421 = arith.constant 0 : i32
        %dma_start3A_422 = tpu.memref_slice %arg6[%rem3A_177, %dma_start3A_420, %dma_start3A_421] : memref<2x8x128xi32, #tpu.memory_space<vmem>> -> memref<1x8x128xi32, #tpu.memory_space<vmem>>
        %dma_start3A_423 = tpu.memref_squeeze %dma_start3A_422 : memref<1x8x128xi32, #tpu.memory_space<vmem>> -> memref<8x128xi32, #tpu.memory_space<vmem>>
        %dma_start3A_424 = arith.constant 0 : i32
        %dma_start3A_425 = tpu.memref_slice %arg3[%add3A, %mul3A_419, %dma_start3A_424] : memref<32x80x128xi32, #tpu.memory_space<hbm>> -> memref<1x8x128xi32, #tpu.memory_space<hbm>>
        %dma_start3A_426 = tpu.memref_squeeze %dma_start3A_425 : memref<1x8x128xi32, #tpu.memory_space<hbm>> -> memref<8x128xi32, #tpu.memory_space<hbm>>
        %dma_start3A_427 = tpu.memref_slice %arg10[%rem3A_177] : memref<2x!tpu.dma_semaphore, #tpu.memory_space<semaphore_mem>> -> memref<1x!tpu.dma_semaphore, #tpu.memory_space<semaphore_mem>>
        %dma_start3A_428 = tpu.memref_squeeze %dma_start3A_427 : memref<1x!tpu.dma_semaphore, #tpu.memory_space<semaphore_mem>> -> memref<!tpu.dma_semaphore, #tpu.memory_space<semaphore_mem>>
        %dma_start3A_429 = arith.constant 0 : i32
        %dma_start3A_430 = arith.constant 0 : i32
        %dma_start3A_431 = tpu.memref_slice %arg6[%rem3A_177, %dma_start3A_429, %dma_start3A_430] : memref<2x8x128xi32, #tpu.memory_space<vmem>> -> memref<1x8x128xi32, #tpu.memory_space<vmem>>
        %dma_start3A_432 = tpu.memref_squeeze %dma_start3A_431 : memref<1x8x128xi32, #tpu.memory_space<vmem>> -> memref<8x128xi32, #tpu.memory_space<vmem>>
        %dma_start3A_433 = arith.constant 0 : i32
        %dma_start3A_434 = tpu.memref_slice %arg3[%add3A, %mul3A_419, %dma_start3A_433] : memref<32x80x128xi32, #tpu.memory_space<hbm>> -> memref<1x8x128xi32, #tpu.memory_space<hbm>>
        %dma_start3A_435 = tpu.memref_squeeze %dma_start3A_434 : memref<1x8x128xi32, #tpu.memory_space<hbm>> -> memref<8x128xi32, #tpu.memory_space<hbm>>
        tpu.enqueue_dma source(%dma_start3A_435 : memref<8x128xi32, #tpu.memory_space<hbm>>) target(%dma_start3A_432 : memref<8x128xi32, #tpu.memory_space<vmem>>) target_semaphore(%dma_start3A_428 : memref<!tpu.dma_semaphore, #tpu.memory_space<semaphore_mem>>)
        %add3A_436 = arith.constant 1 : i32
        %add3A_437 = arith.addi %add3A_172, %add3A_436 : i32
        %mul3A_438 = arith.constant 8 : i32
        %mul3A_439 = arith.muli %add3A_437, %mul3A_438 : i32
        %dma_start3A_440 = arith.constant 0 : i32
        %dma_start3A_441 = arith.constant 0 : i32
        %dma_start3A_442 = tpu.memref_slice %arg7[%rem3A_177, %dma_start3A_440, %dma_start3A_441] : memref<2x8x128xi32, #tpu.memory_space<vmem>> -> memref<1x8x128xi32, #tpu.memory_space<vmem>>
        %dma_start3A_443 = tpu.memref_squeeze %dma_start3A_442 : memref<1x8x128xi32, #tpu.memory_space<vmem>> -> memref<8x128xi32, #tpu.memory_space<vmem>>
        %dma_start3A_444 = arith.constant 0 : i32
        %dma_start3A_445 = tpu.memref_slice %arg4[%add3A, %mul3A_439, %dma_start3A_444] : memref<32x80x128xi32, #tpu.memory_space<hbm>> -> memref<1x8x128xi32, #tpu.memory_space<hbm>>
        %dma_start3A_446 = tpu.memref_squeeze %dma_start3A_445 : memref<1x8x128xi32, #tpu.memory_space<hbm>> -> memref<8x128xi32, #tpu.memory_space<hbm>>
        %dma_start3A_447 = tpu.memref_slice %arg10[%rem3A_177] : memref<2x!tpu.dma_semaphore, #tpu.memory_space<semaphore_mem>> -> memref<1x!tpu.dma_semaphore, #tpu.memory_space<semaphore_mem>>
        %dma_start3A_448 = tpu.memref_squeeze %dma_start3A_447 : memref<1x!tpu.dma_semaphore, #tpu.memory_space<semaphore_mem>> -> memref<!tpu.dma_semaphore, #tpu.memory_space<semaphore_mem>>
        %dma_start3A_449 = arith.constant 0 : i32
        %dma_start3A_450 = arith.constant 0 : i32
        %dma_start3A_451 = tpu.memref_slice %arg7[%rem3A_177, %dma_start3A_449, %dma_start3A_450] : memref<2x8x128xi32, #tpu.memory_space<vmem>> -> memref<1x8x128xi32, #tpu.memory_space<vmem>>
        %dma_start3A_452 = tpu.memref_squeeze %dma_start3A_451 : memref<1x8x128xi32, #tpu.memory_space<vmem>> -> memref<8x128xi32, #tpu.memory_space<vmem>>
        %dma_start3A_453 = arith.constant 0 : i32
        %dma_start3A_454 = tpu.memref_slice %arg4[%add3A, %mul3A_439, %dma_start3A_453] : memref<32x80x128xi32, #tpu.memory_space<hbm>> -> memref<1x8x128xi32, #tpu.memory_space<hbm>>
        %dma_start3A_455 = tpu.memref_squeeze %dma_start3A_454 : memref<1x8x128xi32, #tpu.memory_space<hbm>> -> memref<8x128xi32, #tpu.memory_space<hbm>>
        tpu.enqueue_dma source(%dma_start3A_455 : memref<8x128xi32, #tpu.memory_space<hbm>>) target(%dma_start3A_452 : memref<8x128xi32, #tpu.memory_space<vmem>>) target_semaphore(%dma_start3A_448 : memref<!tpu.dma_semaphore, #tpu.memory_space<semaphore_mem>>)
      } else {
      }
      %dma_wait3A = arith.constant 0 : i32
      %dma_wait3A_182 = arith.constant 0 : i32
      %dma_wait3A_183 = arith.constant 0 : i32
      %dma_wait3A_184 = arith.constant 0 : i32
      %dma_wait3A_185 = arith.constant 0 : i32
      %dma_wait3A_186 = tpu.memref_slice %arg8[%dma_wait3A_182, %dma_wait3A_184, %dma_wait3A_185] : memref<2x128x128xf32, #tpu.memory_space<vmem>> -> memref<1x128x128xf32, #tpu.memory_space<vmem>>
      %dma_wait3A_187 = tpu.memref_squeeze %dma_wait3A_186 : memref<1x128x128xf32, #tpu.memory_space<vmem>> -> memref<128x128xf32, #tpu.memory_space<vmem>>
      %dma_wait3A_188 = arith.constant 0 : i32
      %dma_wait3A_189 = tpu.memref_slice %arg6[%rem3A_173, %dma_wait3A, %dma_wait3A_188] : memref<2x8x128xi32, #tpu.memory_space<vmem>> -> memref<1x1x128xi32, #tpu.memory_space<vmem>>
      %dma_wait3A_190 = tpu.memref_squeeze %dma_wait3A_189 : memref<1x1x128xi32, #tpu.memory_space<vmem>> -> memref<128xi32, #tpu.memory_space<vmem>>
      %dma_wait3A_191 = arith.constant 0 : i32
      %dma_wait3A_192 = arith.constant 0 : i32
      %dma_wait3A_193 = tpu.memref_slice %arg2[%dma_wait3A_191, %dma_wait3A_192] : memref<10000x128xf32, #tpu.memory_space<hbm>> -> memref<10000x128xf32, #tpu.memory_space<hbm>>
      %dma_wait3A_194 = tpu.memref_slice %arg9[%dma_wait3A_183] : memref<2x!tpu.dma_semaphore, #tpu.memory_space<semaphore_mem>> -> memref<1x!tpu.dma_semaphore, #tpu.memory_space<semaphore_mem>>
      %dma_wait3A_195 = tpu.memref_squeeze %dma_wait3A_194 : memref<1x!tpu.dma_semaphore, #tpu.memory_space<semaphore_mem>> -> memref<!tpu.dma_semaphore, #tpu.memory_space<semaphore_mem>>
      tpu.wait_indirect_dma semaphore(%dma_wait3A_195 : memref<!tpu.dma_semaphore, #tpu.memory_space<semaphore_mem>>) src(%dma_wait3A_193 : memref<10000x128xf32, #tpu.memory_space<hbm>>) dst(%dma_wait3A_187 : memref<128x128xf32, #tpu.memory_space<vmem>>)
      %run_scoped3A_196 = arith.constant 0 : i32
      %run_scoped3A_197 = arith.constant 0 : i32
      "tpu.region"() ({
        %run_scoped3A_416 = tpu.sem_alloc : memref<!tpu.dma_semaphore, #tpu.memory_space<semaphore_mem>>
        %dma_start3A_417 = arith.constant 0 : i32
        %dma_start3A_418 = arith.constant 0 : i32
        %dma_start3A_419 = tpu.memref_slice %arg8[%run_scoped3A_196, %dma_start3A_417, %dma_start3A_418] : memref<2x128x128xf32, #tpu.memory_space<vmem>> -> memref<1x128x128xf32, #tpu.memory_space<vmem>>
        %dma_start3A_420 = tpu.memref_squeeze %dma_start3A_419 : memref<1x128x128xf32, #tpu.memory_space<vmem>> -> memref<128x128xf32, #tpu.memory_space<vmem>>
        %dma_start3A_421 = arith.constant 0 : i32
        %dma_start3A_422 = tpu.memref_slice %arg7[%rem3A_173, %run_scoped3A_197, %dma_start3A_421] : memref<2x8x128xi32, #tpu.memory_space<vmem>> -> memref<1x1x128xi32, #tpu.memory_space<vmem>>
        %dma_start3A_423 = tpu.memref_squeeze %dma_start3A_422 : memref<1x1x128xi32, #tpu.memory_space<vmem>> -> memref<128xi32, #tpu.memory_space<vmem>>
        %dma_start3A_424 = arith.constant 0 : i32
        %dma_start3A_425 = arith.constant 0 : i32
        %dma_start3A_426 = tpu.memref_slice %arg11[%dma_start3A_424, %dma_start3A_425] : memref<10240x128xf32, #tpu.memory_space<vmem_shared>> -> memref<10240x128xf32, #tpu.memory_space<vmem_shared>>
        tpu.enqueue_indirect_dma source(%dma_start3A_420 : memref<128x128xf32, #tpu.memory_space<vmem>>) target(%dma_start3A_426 : memref<10240x128xf32, #tpu.memory_space<vmem_shared>>) offsets(%dma_start3A_423 : memref<128xi32, #tpu.memory_space<vmem>>) semaphore(%run_scoped3A_416 : memref<!tpu.dma_semaphore, #tpu.memory_space<semaphore_mem>>) {add = true}
        %dma_wait3A_427 = arith.constant 0 : i32
        %dma_wait3A_428 = arith.constant 0 : i32
        %dma_wait3A_429 = tpu.memref_slice %arg8[%run_scoped3A_196, %dma_wait3A_427, %dma_wait3A_428] : memref<2x128x128xf32, #tpu.memory_space<vmem>> -> memref<1x128x128xf32, #tpu.memory_space<vmem>>
        %dma_wait3A_430 = tpu.memref_squeeze %dma_wait3A_429 : memref<1x128x128xf32, #tpu.memory_space<vmem>> -> memref<128x128xf32, #tpu.memory_space<vmem>>
        %dma_wait3A_431 = arith.constant 0 : i32
        %dma_wait3A_432 = tpu.memref_slice %arg7[%rem3A_173, %run_scoped3A_197, %dma_wait3A_431] : memref<2x8x128xi32, #tpu.memory_space<vmem>> -> memref<1x1x128xi32, #tpu.memory_space<vmem>>
        %dma_wait3A_433 = tpu.memref_squeeze %dma_wait3A_432 : memref<1x1x128xi32, #tpu.memory_space<vmem>> -> memref<128xi32, #tpu.memory_space<vmem>>
        %dma_wait3A_434 = arith.constant 0 : i32
        %dma_wait3A_435 = arith.constant 0 : i32
        %dma_wait3A_436 = tpu.memref_slice %arg11[%dma_wait3A_434, %dma_wait3A_435] : memref<10240x128xf32, #tpu.memory_space<vmem_shared>> -> memref<10240x128xf32, #tpu.memory_space<vmem_shared>>
        tpu.wait_indirect_dma semaphore(%run_scoped3A_416 : memref<!tpu.dma_semaphore, #tpu.memory_space<semaphore_mem>>) src(%dma_wait3A_430 : memref<128x128xf32, #tpu.memory_space<vmem>>) dst(%dma_wait3A_436 : memref<10240x128xf32, #tpu.memory_space<vmem_shared>>)
        tpu.yield
      }) : () -> ()
      %dma_start3A_198 = arith.constant 2 : i32
      %dma_start3A_199 = arith.constant 0 : i32
      %dma_start3A_200 = arith.constant 0 : i32
      %dma_start3A_201 = arith.constant 0 : i32
      %dma_start3A_202 = arith.constant 0 : i32
      %dma_start3A_203 = tpu.memref_slice %arg8[%dma_start3A_199, %dma_start3A_201, %dma_start3A_202] : memref<2x128x128xf32, #tpu.memory_space<vmem>> -> memref<1x128x128xf32, #tpu.memory_space<vmem>>
      %dma_start3A_204 = tpu.memref_squeeze %dma_start3A_203 : memref<1x128x128xf32, #tpu.memory_space<vmem>> -> memref<128x128xf32, #tpu.memory_space<vmem>>
      %dma_start3A_205 = arith.constant 0 : i32
      %dma_start3A_206 = tpu.memref_slice %arg6[%rem3A_173, %dma_start3A_198, %dma_start3A_205] : memref<2x8x128xi32, #tpu.memory_space<vmem>> -> memref<1x1x128xi32, #tpu.memory_space<vmem>>
      %dma_start3A_207 = tpu.memref_squeeze %dma_start3A_206 : memref<1x1x128xi32, #tpu.memory_space<vmem>> -> memref<128xi32, #tpu.memory_space<vmem>>
      %dma_start3A_208 = arith.constant 0 : i32
      %dma_start3A_209 = arith.constant 0 : i32
      %dma_start3A_210 = tpu.memref_slice %arg2[%dma_start3A_208, %dma_start3A_209] : memref<10000x128xf32, #tpu.memory_space<hbm>> -> memref<10000x128xf32, #tpu.memory_space<hbm>>
      %dma_start3A_211 = tpu.memref_slice %arg9[%dma_start3A_200] : memref<2x!tpu.dma_semaphore, #tpu.memory_space<semaphore_mem>> -> memref<1x!tpu.dma_semaphore, #tpu.memory_space<semaphore_mem>>
      %dma_start3A_212 = tpu.memref_squeeze %dma_start3A_211 : memref<1x!tpu.dma_semaphore, #tpu.memory_space<semaphore_mem>> -> memref<!tpu.dma_semaphore, #tpu.memory_space<semaphore_mem>>
      tpu.enqueue_indirect_dma source(%dma_start3A_210 : memref<10000x128xf32, #tpu.memory_space<hbm>>) target(%dma_start3A_204 : memref<128x128xf32, #tpu.memory_space<vmem>>) offsets(%dma_start3A_207 : memref<128xi32, #tpu.memory_space<vmem>>) semaphore(%dma_start3A_212 : memref<!tpu.dma_semaphore, #tpu.memory_space<semaphore_mem>>)
      %dma_wait3A_213 = arith.constant 1 : i32
      %dma_wait3A_214 = arith.constant 1 : i32
      %dma_wait3A_215 = arith.constant 1 : i32
      %dma_wait3A_216 = arith.constant 0 : i32
      %dma_wait3A_217 = arith.constant 0 : i32
      %dma_wait3A_218 = tpu.memref_slice %arg8[%dma_wait3A_214, %dma_wait3A_216, %dma_wait3A_217] : memref<2x128x128xf32, #tpu.memory_space<vmem>> -> memref<1x128x128xf32, #tpu.memory_space<vmem>>
      %dma_wait3A_219 = tpu.memref_squeeze %dma_wait3A_218 : memref<1x128x128xf32, #tpu.memory_space<vmem>> -> memref<128x128xf32, #tpu.memory_space<vmem>>
      %dma_wait3A_220 = arith.constant 0 : i32
      %dma_wait3A_221 = tpu.memref_slice %arg6[%rem3A_173, %dma_wait3A_213, %dma_wait3A_220] : memref<2x8x128xi32, #tpu.memory_space<vmem>> -> memref<1x1x128xi32, #tpu.memory_space<vmem>>
      %dma_wait3A_222 = tpu.memref_squeeze %dma_wait3A_221 : memref<1x1x128xi32, #tpu.memory_space<vmem>> -> memref<128xi32, #tpu.memory_space<vmem>>
      %dma_wait3A_223 = arith.constant 0 : i32
      %dma_wait3A_224 = arith.constant 0 : i32
      %dma_wait3A_225 = tpu.memref_slice %arg2[%dma_wait3A_223, %dma_wait3A_224] : memref<10000x128xf32, #tpu.memory_space<hbm>> -> memref<10000x128xf32, #tpu.memory_space<hbm>>
      %dma_wait3A_226 = tpu.memref_slice %arg9[%dma_wait3A_215] : memref<2x!tpu.dma_semaphore, #tpu.memory_space<semaphore_mem>> -> memref<1x!tpu.dma_semaphore, #tpu.memory_space<semaphore_mem>>
      %dma_wait3A_227 = tpu.memref_squeeze %dma_wait3A_226 : memref<1x!tpu.dma_semaphore, #tpu.memory_space<semaphore_mem>> -> memref<!tpu.dma_semaphore, #tpu.memory_space<semaphore_mem>>
      tpu.wait_indirect_dma semaphore(%dma_wait3A_227 : memref<!tpu.dma_semaphore, #tpu.memory_space<semaphore_mem>>) src(%dma_wait3A_225 : memref<10000x128xf32, #tpu.memory_space<hbm>>) dst(%dma_wait3A_219 : memref<128x128xf32, #tpu.memory_space<vmem>>)
      %run_scoped3A_228 = arith.constant 1 : i32
      %run_scoped3A_229 = arith.constant 1 : i32
      "tpu.region"() ({
        %run_scoped3A_416 = tpu.sem_alloc : memref<!tpu.dma_semaphore, #tpu.memory_space<semaphore_mem>>
        %dma_start3A_417 = arith.constant 0 : i32
        %dma_start3A_418 = arith.constant 0 : i32
        %dma_start3A_419 = tpu.memref_slice %arg8[%run_scoped3A_228, %dma_start3A_417, %dma_start3A_418] : memref<2x128x128xf32, #tpu.memory_space<vmem>> -> memref<1x128x128xf32, #tpu.memory_space<vmem>>
        %dma_start3A_420 = tpu.memref_squeeze %dma_start3A_419 : memref<1x128x128xf32, #tpu.memory_space<vmem>> -> memref<128x128xf32, #tpu.memory_space<vmem>>
        %dma_start3A_421 = arith.constant 0 : i32
        %dma_start3A_422 = tpu.memref_slice %arg7[%rem3A_173, %run_scoped3A_229, %dma_start3A_421] : memref<2x8x128xi32, #tpu.memory_space<vmem>> -> memref<1x1x128xi32, #tpu.memory_space<vmem>>
        %dma_start3A_423 = tpu.memref_squeeze %dma_start3A_422 : memref<1x1x128xi32, #tpu.memory_space<vmem>> -> memref<128xi32, #tpu.memory_space<vmem>>
        %dma_start3A_424 = arith.constant 0 : i32
        %dma_start3A_425 = arith.constant 0 : i32
        %dma_start3A_426 = tpu.memref_slice %arg11[%dma_start3A_424, %dma_start3A_425] : memref<10240x128xf32, #tpu.memory_space<vmem_shared>> -> memref<10240x128xf32, #tpu.memory_space<vmem_shared>>
        tpu.enqueue_indirect_dma source(%dma_start3A_420 : memref<128x128xf32, #tpu.memory_space<vmem>>) target(%dma_start3A_426 : memref<10240x128xf32, #tpu.memory_space<vmem_shared>>) offsets(%dma_start3A_423 : memref<128xi32, #tpu.memory_space<vmem>>) semaphore(%run_scoped3A_416 : memref<!tpu.dma_semaphore, #tpu.memory_space<semaphore_mem>>) {add = true}
        %dma_wait3A_427 = arith.constant 0 : i32
        %dma_wait3A_428 = arith.constant 0 : i32
        %dma_wait3A_429 = tpu.memref_slice %arg8[%run_scoped3A_228, %dma_wait3A_427, %dma_wait3A_428] : memref<2x128x128xf32, #tpu.memory_space<vmem>> -> memref<1x128x128xf32, #tpu.memory_space<vmem>>
        %dma_wait3A_430 = tpu.memref_squeeze %dma_wait3A_429 : memref<1x128x128xf32, #tpu.memory_space<vmem>> -> memref<128x128xf32, #tpu.memory_space<vmem>>
        %dma_wait3A_431 = arith.constant 0 : i32
        %dma_wait3A_432 = tpu.memref_slice %arg7[%rem3A_173, %run_scoped3A_229, %dma_wait3A_431] : memref<2x8x128xi32, #tpu.memory_space<vmem>> -> memref<1x1x128xi32, #tpu.memory_space<vmem>>
        %dma_wait3A_433 = tpu.memref_squeeze %dma_wait3A_432 : memref<1x1x128xi32, #tpu.memory_space<vmem>> -> memref<128xi32, #tpu.memory_space<vmem>>
        %dma_wait3A_434 = arith.constant 0 : i32
        %dma_wait3A_435 = arith.constant 0 : i32
        %dma_wait3A_436 = tpu.memref_slice %arg11[%dma_wait3A_434, %dma_wait3A_435] : memref<10240x128xf32, #tpu.memory_space<vmem_shared>> -> memref<10240x128xf32, #tpu.memory_space<vmem_shared>>
        tpu.wait_indirect_dma semaphore(%run_scoped3A_416 : memref<!tpu.dma_semaphore, #tpu.memory_space<semaphore_mem>>) src(%dma_wait3A_430 : memref<128x128xf32, #tpu.memory_space<vmem>>) dst(%dma_wait3A_436 : memref<10240x128xf32, #tpu.memory_space<vmem_shared>>)
        tpu.yield
      }) : () -> ()
      %dma_start3A_230 = arith.constant 3 : i32
      %dma_start3A_231 = arith.constant 1 : i32
      %dma_start3A_232 = arith.constant 1 : i32
      %dma_start3A_233 = arith.constant 0 : i32
      %dma_start3A_234 = arith.constant 0 : i32
      %dma_start3A_235 = tpu.memref_slice %arg8[%dma_start3A_231, %dma_start3A_233, %dma_start3A_234] : memref<2x128x128xf32, #tpu.memory_space<vmem>> -> memref<1x128x128xf32, #tpu.memory_space<vmem>>
      %dma_start3A_236 = tpu.memref_squeeze %dma_start3A_235 : memref<1x128x128xf32, #tpu.memory_space<vmem>> -> memref<128x128xf32, #tpu.memory_space<vmem>>
      %dma_start3A_237 = arith.constant 0 : i32
      %dma_start3A_238 = tpu.memref_slice %arg6[%rem3A_173, %dma_start3A_230, %dma_start3A_237] : memref<2x8x128xi32, #tpu.memory_space<vmem>> -> memref<1x1x128xi32, #tpu.memory_space<vmem>>
      %dma_start3A_239 = tpu.memref_squeeze %dma_start3A_238 : memref<1x1x128xi32, #tpu.memory_space<vmem>> -> memref<128xi32, #tpu.memory_space<vmem>>
      %dma_start3A_240 = arith.constant 0 : i32
      %dma_start3A_241 = arith.constant 0 : i32
      %dma_start3A_242 = tpu.memref_slice %arg2[%dma_start3A_240, %dma_start3A_241] : memref<10000x128xf32, #tpu.memory_space<hbm>> -> memref<10000x128xf32, #tpu.memory_space<hbm>>
      %dma_start3A_243 = tpu.memref_slice %arg9[%dma_start3A_232] : memref<2x!tpu.dma_semaphore, #tpu.memory_space<semaphore_mem>> -> memref<1x!tpu.dma_semaphore, #tpu.memory_space<semaphore_mem>>
      %dma_start3A_244 = tpu.memref_squeeze %dma_start3A_243 : memref<1x!tpu.dma_semaphore, #tpu.memory_space<semaphore_mem>> -> memref<!tpu.dma_semaphore, #tpu.memory_space<semaphore_mem>>
      tpu.enqueue_indirect_dma source(%dma_start3A_242 : memref<10000x128xf32, #tpu.memory_space<hbm>>) target(%dma_start3A_236 : memref<128x128xf32, #tpu.memory_space<vmem>>) offsets(%dma_start3A_239 : memref<128xi32, #tpu.memory_space<vmem>>) semaphore(%dma_start3A_244 : memref<!tpu.dma_semaphore, #tpu.memory_space<semaphore_mem>>)
      %dma_wait3A_245 = arith.constant 2 : i32
      %dma_wait3A_246 = arith.constant 0 : i32
      %dma_wait3A_247 = arith.constant 0 : i32
      %dma_wait3A_248 = arith.constant 0 : i32
      %dma_wait3A_249 = arith.constant 0 : i32
      %dma_wait3A_250 = tpu.memref_slice %arg8[%dma_wait3A_246, %dma_wait3A_248, %dma_wait3A_249] : memref<2x128x128xf32, #tpu.memory_space<vmem>> -> memref<1x128x128xf32, #tpu.memory_space<vmem>>
      %dma_wait3A_251 = tpu.memref_squeeze %dma_wait3A_250 : memref<1x128x128xf32, #tpu.memory_space<vmem>> -> memref<128x128xf32, #tpu.memory_space<vmem>>
      %dma_wait3A_252 = arith.constant 0 : i32
      %dma_wait3A_253 = tpu.memref_slice %arg6[%rem3A_173, %dma_wait3A_245, %dma_wait3A_252] : memref<2x8x128xi32, #tpu.memory_space<vmem>> -> memref<1x1x128xi32, #tpu.memory_space<vmem>>
      %dma_wait3A_254 = tpu.memref_squeeze %dma_wait3A_253 : memref<1x1x128xi32, #tpu.memory_space<vmem>> -> memref<128xi32, #tpu.memory_space<vmem>>
      %dma_wait3A_255 = arith.constant 0 : i32
      %dma_wait3A_256 = arith.constant 0 : i32
      %dma_wait3A_257 = tpu.memref_slice %arg2[%dma_wait3A_255, %dma_wait3A_256] : memref<10000x128xf32, #tpu.memory_space<hbm>> -> memref<10000x128xf32, #tpu.memory_space<hbm>>
      %dma_wait3A_258 = tpu.memref_slice %arg9[%dma_wait3A_247] : memref<2x!tpu.dma_semaphore, #tpu.memory_space<semaphore_mem>> -> memref<1x!tpu.dma_semaphore, #tpu.memory_space<semaphore_mem>>
      %dma_wait3A_259 = tpu.memref_squeeze %dma_wait3A_258 : memref<1x!tpu.dma_semaphore, #tpu.memory_space<semaphore_mem>> -> memref<!tpu.dma_semaphore, #tpu.memory_space<semaphore_mem>>
      tpu.wait_indirect_dma semaphore(%dma_wait3A_259 : memref<!tpu.dma_semaphore, #tpu.memory_space<semaphore_mem>>) src(%dma_wait3A_257 : memref<10000x128xf32, #tpu.memory_space<hbm>>) dst(%dma_wait3A_251 : memref<128x128xf32, #tpu.memory_space<vmem>>)
      %run_scoped3A_260 = arith.constant 0 : i32
      %run_scoped3A_261 = arith.constant 2 : i32
      "tpu.region"() ({
        %run_scoped3A_416 = tpu.sem_alloc : memref<!tpu.dma_semaphore, #tpu.memory_space<semaphore_mem>>
        %dma_start3A_417 = arith.constant 0 : i32
        %dma_start3A_418 = arith.constant 0 : i32
        %dma_start3A_419 = tpu.memref_slice %arg8[%run_scoped3A_260, %dma_start3A_417, %dma_start3A_418] : memref<2x128x128xf32, #tpu.memory_space<vmem>> -> memref<1x128x128xf32, #tpu.memory_space<vmem>>
        %dma_start3A_420 = tpu.memref_squeeze %dma_start3A_419 : memref<1x128x128xf32, #tpu.memory_space<vmem>> -> memref<128x128xf32, #tpu.memory_space<vmem>>
        %dma_start3A_421 = arith.constant 0 : i32
        %dma_start3A_422 = tpu.memref_slice %arg7[%rem3A_173, %run_scoped3A_261, %dma_start3A_421] : memref<2x8x128xi32, #tpu.memory_space<vmem>> -> memref<1x1x128xi32, #tpu.memory_space<vmem>>
        %dma_start3A_423 = tpu.memref_squeeze %dma_start3A_422 : memref<1x1x128xi32, #tpu.memory_space<vmem>> -> memref<128xi32, #tpu.memory_space<vmem>>
        %dma_start3A_424 = arith.constant 0 : i32
        %dma_start3A_425 = arith.constant 0 : i32
        %dma_start3A_426 = tpu.memref_slice %arg11[%dma_start3A_424, %dma_start3A_425] : memref<10240x128xf32, #tpu.memory_space<vmem_shared>> -> memref<10240x128xf32, #tpu.memory_space<vmem_shared>>
        tpu.enqueue_indirect_dma source(%dma_start3A_420 : memref<128x128xf32, #tpu.memory_space<vmem>>) target(%dma_start3A_426 : memref<10240x128xf32, #tpu.memory_space<vmem_shared>>) offsets(%dma_start3A_423 : memref<128xi32, #tpu.memory_space<vmem>>) semaphore(%run_scoped3A_416 : memref<!tpu.dma_semaphore, #tpu.memory_space<semaphore_mem>>) {add = true}
        %dma_wait3A_427 = arith.constant 0 : i32
        %dma_wait3A_428 = arith.constant 0 : i32
        %dma_wait3A_429 = tpu.memref_slice %arg8[%run_scoped3A_260, %dma_wait3A_427, %dma_wait3A_428] : memref<2x128x128xf32, #tpu.memory_space<vmem>> -> memref<1x128x128xf32, #tpu.memory_space<vmem>>
        %dma_wait3A_430 = tpu.memref_squeeze %dma_wait3A_429 : memref<1x128x128xf32, #tpu.memory_space<vmem>> -> memref<128x128xf32, #tpu.memory_space<vmem>>
        %dma_wait3A_431 = arith.constant 0 : i32
        %dma_wait3A_432 = tpu.memref_slice %arg7[%rem3A_173, %run_scoped3A_261, %dma_wait3A_431] : memref<2x8x128xi32, #tpu.memory_space<vmem>> -> memref<1x1x128xi32, #tpu.memory_space<vmem>>
        %dma_wait3A_433 = tpu.memref_squeeze %dma_wait3A_432 : memref<1x1x128xi32, #tpu.memory_space<vmem>> -> memref<128xi32, #tpu.memory_space<vmem>>
        %dma_wait3A_434 = arith.constant 0 : i32
        %dma_wait3A_435 = arith.constant 0 : i32
        %dma_wait3A_436 = tpu.memref_slice %arg11[%dma_wait3A_434, %dma_wait3A_435] : memref<10240x128xf32, #tpu.memory_space<vmem_shared>> -> memref<10240x128xf32, #tpu.memory_space<vmem_shared>>
        tpu.wait_indirect_dma semaphore(%run_scoped3A_416 : memref<!tpu.dma_semaphore, #tpu.memory_space<semaphore_mem>>) src(%dma_wait3A_430 : memref<128x128xf32, #tpu.memory_space<vmem>>) dst(%dma_wait3A_436 : memref<10240x128xf32, #tpu.memory_space<vmem_shared>>)
        tpu.yield
      }) : () -> ()
      %dma_start3A_262 = arith.constant 4 : i32
      %dma_start3A_263 = arith.constant 0 : i32
      %dma_start3A_264 = arith.constant 0 : i32
      %dma_start3A_265 = arith.constant 0 : i32
      %dma_start3A_266 = arith.constant 0 : i32
      %dma_start3A_267 = tpu.memref_slice %arg8[%dma_start3A_263, %dma_start3A_265, %dma_start3A_266] : memref<2x128x128xf32, #tpu.memory_space<vmem>> -> memref<1x128x128xf32, #tpu.memory_space<vmem>>
      %dma_start3A_268 = tpu.memref_squeeze %dma_start3A_267 : memref<1x128x128xf32, #tpu.memory_space<vmem>> -> memref<128x128xf32, #tpu.memory_space<vmem>>
      %dma_start3A_269 = arith.constant 0 : i32
      %dma_start3A_270 = tpu.memref_slice %arg6[%rem3A_173, %dma_start3A_262, %dma_start3A_269] : memref<2x8x128xi32, #tpu.memory_space<vmem>> -> memref<1x1x128xi32, #tpu.memory_space<vmem>>
      %dma_start3A_271 = tpu.memref_squeeze %dma_start3A_270 : memref<1x1x128xi32, #tpu.memory_space<vmem>> -> memref<128xi32, #tpu.memory_space<vmem>>
      %dma_start3A_272 = arith.constant 0 : i32
      %dma_start3A_273 = arith.constant 0 : i32
      %dma_start3A_274 = tpu.memref_slice %arg2[%dma_start3A_272, %dma_start3A_273] : memref<10000x128xf32, #tpu.memory_space<hbm>> -> memref<10000x128xf32, #tpu.memory_space<hbm>>
      %dma_start3A_275 = tpu.memref_slice %arg9[%dma_start3A_264] : memref<2x!tpu.dma_semaphore, #tpu.memory_space<semaphore_mem>> -> memref<1x!tpu.dma_semaphore, #tpu.memory_space<semaphore_mem>>
      %dma_start3A_276 = tpu.memref_squeeze %dma_start3A_275 : memref<1x!tpu.dma_semaphore, #tpu.memory_space<semaphore_mem>> -> memref<!tpu.dma_semaphore, #tpu.memory_space<semaphore_mem>>
      tpu.enqueue_indirect_dma source(%dma_start3A_274 : memref<10000x128xf32, #tpu.memory_space<hbm>>) target(%dma_start3A_268 : memref<128x128xf32, #tpu.memory_space<vmem>>) offsets(%dma_start3A_271 : memref<128xi32, #tpu.memory_space<vmem>>) semaphore(%dma_start3A_276 : memref<!tpu.dma_semaphore, #tpu.memory_space<semaphore_mem>>)
      %dma_wait3A_277 = arith.constant 3 : i32
      %dma_wait3A_278 = arith.constant 1 : i32
      %dma_wait3A_279 = arith.constant 1 : i32
      %dma_wait3A_280 = arith.constant 0 : i32
      %dma_wait3A_281 = arith.constant 0 : i32
      %dma_wait3A_282 = tpu.memref_slice %arg8[%dma_wait3A_278, %dma_wait3A_280, %dma_wait3A_281] : memref<2x128x128xf32, #tpu.memory_space<vmem>> -> memref<1x128x128xf32, #tpu.memory_space<vmem>>
      %dma_wait3A_283 = tpu.memref_squeeze %dma_wait3A_282 : memref<1x128x128xf32, #tpu.memory_space<vmem>> -> memref<128x128xf32, #tpu.memory_space<vmem>>
      %dma_wait3A_284 = arith.constant 0 : i32
      %dma_wait3A_285 = tpu.memref_slice %arg6[%rem3A_173, %dma_wait3A_277, %dma_wait3A_284] : memref<2x8x128xi32, #tpu.memory_space<vmem>> -> memref<1x1x128xi32, #tpu.memory_space<vmem>>
      %dma_wait3A_286 = tpu.memref_squeeze %dma_wait3A_285 : memref<1x1x128xi32, #tpu.memory_space<vmem>> -> memref<128xi32, #tpu.memory_space<vmem>>
      %dma_wait3A_287 = arith.constant 0 : i32
      %dma_wait3A_288 = arith.constant 0 : i32
      %dma_wait3A_289 = tpu.memref_slice %arg2[%dma_wait3A_287, %dma_wait3A_288] : memref<10000x128xf32, #tpu.memory_space<hbm>> -> memref<10000x128xf32, #tpu.memory_space<hbm>>
      %dma_wait3A_290 = tpu.memref_slice %arg9[%dma_wait3A_279] : memref<2x!tpu.dma_semaphore, #tpu.memory_space<semaphore_mem>> -> memref<1x!tpu.dma_semaphore, #tpu.memory_space<semaphore_mem>>
      %dma_wait3A_291 = tpu.memref_squeeze %dma_wait3A_290 : memref<1x!tpu.dma_semaphore, #tpu.memory_space<semaphore_mem>> -> memref<!tpu.dma_semaphore, #tpu.memory_space<semaphore_mem>>
      tpu.wait_indirect_dma semaphore(%dma_wait3A_291 : memref<!tpu.dma_semaphore, #tpu.memory_space<semaphore_mem>>) src(%dma_wait3A_289 : memref<10000x128xf32, #tpu.memory_space<hbm>>) dst(%dma_wait3A_283 : memref<128x128xf32, #tpu.memory_space<vmem>>)
      %run_scoped3A_292 = arith.constant 1 : i32
      %run_scoped3A_293 = arith.constant 3 : i32
      "tpu.region"() ({
        %run_scoped3A_416 = tpu.sem_alloc : memref<!tpu.dma_semaphore, #tpu.memory_space<semaphore_mem>>
        %dma_start3A_417 = arith.constant 0 : i32
        %dma_start3A_418 = arith.constant 0 : i32
        %dma_start3A_419 = tpu.memref_slice %arg8[%run_scoped3A_292, %dma_start3A_417, %dma_start3A_418] : memref<2x128x128xf32, #tpu.memory_space<vmem>> -> memref<1x128x128xf32, #tpu.memory_space<vmem>>
        %dma_start3A_420 = tpu.memref_squeeze %dma_start3A_419 : memref<1x128x128xf32, #tpu.memory_space<vmem>> -> memref<128x128xf32, #tpu.memory_space<vmem>>
        %dma_start3A_421 = arith.constant 0 : i32
        %dma_start3A_422 = tpu.memref_slice %arg7[%rem3A_173, %run_scoped3A_293, %dma_start3A_421] : memref<2x8x128xi32, #tpu.memory_space<vmem>> -> memref<1x1x128xi32, #tpu.memory_space<vmem>>
        %dma_start3A_423 = tpu.memref_squeeze %dma_start3A_422 : memref<1x1x128xi32, #tpu.memory_space<vmem>> -> memref<128xi32, #tpu.memory_space<vmem>>
        %dma_start3A_424 = arith.constant 0 : i32
        %dma_start3A_425 = arith.constant 0 : i32
        %dma_start3A_426 = tpu.memref_slice %arg11[%dma_start3A_424, %dma_start3A_425] : memref<10240x128xf32, #tpu.memory_space<vmem_shared>> -> memref<10240x128xf32, #tpu.memory_space<vmem_shared>>
        tpu.enqueue_indirect_dma source(%dma_start3A_420 : memref<128x128xf32, #tpu.memory_space<vmem>>) target(%dma_start3A_426 : memref<10240x128xf32, #tpu.memory_space<vmem_shared>>) offsets(%dma_start3A_423 : memref<128xi32, #tpu.memory_space<vmem>>) semaphore(%run_scoped3A_416 : memref<!tpu.dma_semaphore, #tpu.memory_space<semaphore_mem>>) {add = true}
        %dma_wait3A_427 = arith.constant 0 : i32
        %dma_wait3A_428 = arith.constant 0 : i32
        %dma_wait3A_429 = tpu.memref_slice %arg8[%run_scoped3A_292, %dma_wait3A_427, %dma_wait3A_428] : memref<2x128x128xf32, #tpu.memory_space<vmem>> -> memref<1x128x128xf32, #tpu.memory_space<vmem>>
        %dma_wait3A_430 = tpu.memref_squeeze %dma_wait3A_429 : memref<1x128x128xf32, #tpu.memory_space<vmem>> -> memref<128x128xf32, #tpu.memory_space<vmem>>
        %dma_wait3A_431 = arith.constant 0 : i32
        %dma_wait3A_432 = tpu.memref_slice %arg7[%rem3A_173, %run_scoped3A_293, %dma_wait3A_431] : memref<2x8x128xi32, #tpu.memory_space<vmem>> -> memref<1x1x128xi32, #tpu.memory_space<vmem>>
        %dma_wait3A_433 = tpu.memref_squeeze %dma_wait3A_432 : memref<1x1x128xi32, #tpu.memory_space<vmem>> -> memref<128xi32, #tpu.memory_space<vmem>>
        %dma_wait3A_434 = arith.constant 0 : i32
        %dma_wait3A_435 = arith.constant 0 : i32
        %dma_wait3A_436 = tpu.memref_slice %arg11[%dma_wait3A_434, %dma_wait3A_435] : memref<10240x128xf32, #tpu.memory_space<vmem_shared>> -> memref<10240x128xf32, #tpu.memory_space<vmem_shared>>
        tpu.wait_indirect_dma semaphore(%run_scoped3A_416 : memref<!tpu.dma_semaphore, #tpu.memory_space<semaphore_mem>>) src(%dma_wait3A_430 : memref<128x128xf32, #tpu.memory_space<vmem>>) dst(%dma_wait3A_436 : memref<10240x128xf32, #tpu.memory_space<vmem_shared>>)
        tpu.yield
      }) : () -> ()
      %dma_start3A_294 = arith.constant 5 : i32
      %dma_start3A_295 = arith.constant 1 : i32
      %dma_start3A_296 = arith.constant 1 : i32
      %dma_start3A_297 = arith.constant 0 : i32
      %dma_start3A_298 = arith.constant 0 : i32
      %dma_start3A_299 = tpu.memref_slice %arg8[%dma_start3A_295, %dma_start3A_297, %dma_start3A_298] : memref<2x128x128xf32, #tpu.memory_space<vmem>> -> memref<1x128x128xf32, #tpu.memory_space<vmem>>
      %dma_start3A_300 = tpu.memref_squeeze %dma_start3A_299 : memref<1x128x128xf32, #tpu.memory_space<vmem>> -> memref<128x128xf32, #tpu.memory_space<vmem>>
      %dma_start3A_301 = arith.constant 0 : i32
      %dma_start3A_302 = tpu.memref_slice %arg6[%rem3A_173, %dma_start3A_294, %dma_start3A_301] : memref<2x8x128xi32, #tpu.memory_space<vmem>> -> memref<1x1x128xi32, #tpu.memory_space<vmem>>
      %dma_start3A_303 = tpu.memref_squeeze %dma_start3A_302 : memref<1x1x128xi32, #tpu.memory_space<vmem>> -> memref<128xi32, #tpu.memory_space<vmem>>
      %dma_start3A_304 = arith.constant 0 : i32
      %dma_start3A_305 = arith.constant 0 : i32
      %dma_start3A_306 = tpu.memref_slice %arg2[%dma_start3A_304, %dma_start3A_305] : memref<10000x128xf32, #tpu.memory_space<hbm>> -> memref<10000x128xf32, #tpu.memory_space<hbm>>
      %dma_start3A_307 = tpu.memref_slice %arg9[%dma_start3A_296] : memref<2x!tpu.dma_semaphore, #tpu.memory_space<semaphore_mem>> -> memref<1x!tpu.dma_semaphore, #tpu.memory_space<semaphore_mem>>
      %dma_start3A_308 = tpu.memref_squeeze %dma_start3A_307 : memref<1x!tpu.dma_semaphore, #tpu.memory_space<semaphore_mem>> -> memref<!tpu.dma_semaphore, #tpu.memory_space<semaphore_mem>>
      tpu.enqueue_indirect_dma source(%dma_start3A_306 : memref<10000x128xf32, #tpu.memory_space<hbm>>) target(%dma_start3A_300 : memref<128x128xf32, #tpu.memory_space<vmem>>) offsets(%dma_start3A_303 : memref<128xi32, #tpu.memory_space<vmem>>) semaphore(%dma_start3A_308 : memref<!tpu.dma_semaphore, #tpu.memory_space<semaphore_mem>>)
      %dma_wait3A_309 = arith.constant 4 : i32
      %dma_wait3A_310 = arith.constant 0 : i32
      %dma_wait3A_311 = arith.constant 0 : i32
      %dma_wait3A_312 = arith.constant 0 : i32
      %dma_wait3A_313 = arith.constant 0 : i32
      %dma_wait3A_314 = tpu.memref_slice %arg8[%dma_wait3A_310, %dma_wait3A_312, %dma_wait3A_313] : memref<2x128x128xf32, #tpu.memory_space<vmem>> -> memref<1x128x128xf32, #tpu.memory_space<vmem>>
      %dma_wait3A_315 = tpu.memref_squeeze %dma_wait3A_314 : memref<1x128x128xf32, #tpu.memory_space<vmem>> -> memref<128x128xf32, #tpu.memory_space<vmem>>
      %dma_wait3A_316 = arith.constant 0 : i32
      %dma_wait3A_317 = tpu.memref_slice %arg6[%rem3A_173, %dma_wait3A_309, %dma_wait3A_316] : memref<2x8x128xi32, #tpu.memory_space<vmem>> -> memref<1x1x128xi32, #tpu.memory_space<vmem>>
      %dma_wait3A_318 = tpu.memref_squeeze %dma_wait3A_317 : memref<1x1x128xi32, #tpu.memory_space<vmem>> -> memref<128xi32, #tpu.memory_space<vmem>>
      %dma_wait3A_319 = arith.constant 0 : i32
      %dma_wait3A_320 = arith.constant 0 : i32
      %dma_wait3A_321 = tpu.memref_slice %arg2[%dma_wait3A_319, %dma_wait3A_320] : memref<10000x128xf32, #tpu.memory_space<hbm>> -> memref<10000x128xf32, #tpu.memory_space<hbm>>
      %dma_wait3A_322 = tpu.memref_slice %arg9[%dma_wait3A_311] : memref<2x!tpu.dma_semaphore, #tpu.memory_space<semaphore_mem>> -> memref<1x!tpu.dma_semaphore, #tpu.memory_space<semaphore_mem>>
      %dma_wait3A_323 = tpu.memref_squeeze %dma_wait3A_322 : memref<1x!tpu.dma_semaphore, #tpu.memory_space<semaphore_mem>> -> memref<!tpu.dma_semaphore, #tpu.memory_space<semaphore_mem>>
      tpu.wait_indirect_dma semaphore(%dma_wait3A_323 : memref<!tpu.dma_semaphore, #tpu.memory_space<semaphore_mem>>) src(%dma_wait3A_321 : memref<10000x128xf32, #tpu.memory_space<hbm>>) dst(%dma_wait3A_315 : memref<128x128xf32, #tpu.memory_space<vmem>>)
      %run_scoped3A_324 = arith.constant 0 : i32
      %run_scoped3A_325 = arith.constant 4 : i32
      "tpu.region"() ({
        %run_scoped3A_416 = tpu.sem_alloc : memref<!tpu.dma_semaphore, #tpu.memory_space<semaphore_mem>>
        %dma_start3A_417 = arith.constant 0 : i32
        %dma_start3A_418 = arith.constant 0 : i32
        %dma_start3A_419 = tpu.memref_slice %arg8[%run_scoped3A_324, %dma_start3A_417, %dma_start3A_418] : memref<2x128x128xf32, #tpu.memory_space<vmem>> -> memref<1x128x128xf32, #tpu.memory_space<vmem>>
        %dma_start3A_420 = tpu.memref_squeeze %dma_start3A_419 : memref<1x128x128xf32, #tpu.memory_space<vmem>> -> memref<128x128xf32, #tpu.memory_space<vmem>>
        %dma_start3A_421 = arith.constant 0 : i32
        %dma_start3A_422 = tpu.memref_slice %arg7[%rem3A_173, %run_scoped3A_325, %dma_start3A_421] : memref<2x8x128xi32, #tpu.memory_space<vmem>> -> memref<1x1x128xi32, #tpu.memory_space<vmem>>
        %dma_start3A_423 = tpu.memref_squeeze %dma_start3A_422 : memref<1x1x128xi32, #tpu.memory_space<vmem>> -> memref<128xi32, #tpu.memory_space<vmem>>
        %dma_start3A_424 = arith.constant 0 : i32
        %dma_start3A_425 = arith.constant 0 : i32
        %dma_start3A_426 = tpu.memref_slice %arg11[%dma_start3A_424, %dma_start3A_425] : memref<10240x128xf32, #tpu.memory_space<vmem_shared>> -> memref<10240x128xf32, #tpu.memory_space<vmem_shared>>
        tpu.enqueue_indirect_dma source(%dma_start3A_420 : memref<128x128xf32, #tpu.memory_space<vmem>>) target(%dma_start3A_426 : memref<10240x128xf32, #tpu.memory_space<vmem_shared>>) offsets(%dma_start3A_423 : memref<128xi32, #tpu.memory_space<vmem>>) semaphore(%run_scoped3A_416 : memref<!tpu.dma_semaphore, #tpu.memory_space<semaphore_mem>>) {add = true}
        %dma_wait3A_427 = arith.constant 0 : i32
        %dma_wait3A_428 = arith.constant 0 : i32
        %dma_wait3A_429 = tpu.memref_slice %arg8[%run_scoped3A_324, %dma_wait3A_427, %dma_wait3A_428] : memref<2x128x128xf32, #tpu.memory_space<vmem>> -> memref<1x128x128xf32, #tpu.memory_space<vmem>>
        %dma_wait3A_430 = tpu.memref_squeeze %dma_wait3A_429 : memref<1x128x128xf32, #tpu.memory_space<vmem>> -> memref<128x128xf32, #tpu.memory_space<vmem>>
        %dma_wait3A_431 = arith.constant 0 : i32
        %dma_wait3A_432 = tpu.memref_slice %arg7[%rem3A_173, %run_scoped3A_325, %dma_wait3A_431] : memref<2x8x128xi32, #tpu.memory_space<vmem>> -> memref<1x1x128xi32, #tpu.memory_space<vmem>>
        %dma_wait3A_433 = tpu.memref_squeeze %dma_wait3A_432 : memref<1x1x128xi32, #tpu.memory_space<vmem>> -> memref<128xi32, #tpu.memory_space<vmem>>
        %dma_wait3A_434 = arith.constant 0 : i32
        %dma_wait3A_435 = arith.constant 0 : i32
        %dma_wait3A_436 = tpu.memref_slice %arg11[%dma_wait3A_434, %dma_wait3A_435] : memref<10240x128xf32, #tpu.memory_space<vmem_shared>> -> memref<10240x128xf32, #tpu.memory_space<vmem_shared>>
        tpu.wait_indirect_dma semaphore(%run_scoped3A_416 : memref<!tpu.dma_semaphore, #tpu.memory_space<semaphore_mem>>) src(%dma_wait3A_430 : memref<128x128xf32, #tpu.memory_space<vmem>>) dst(%dma_wait3A_436 : memref<10240x128xf32, #tpu.memory_space<vmem_shared>>)
        tpu.yield
      }) : () -> ()
      %dma_start3A_326 = arith.constant 6 : i32
      %dma_start3A_327 = arith.constant 0 : i32
      %dma_start3A_328 = arith.constant 0 : i32
      %dma_start3A_329 = arith.constant 0 : i32
      %dma_start3A_330 = arith.constant 0 : i32
      %dma_start3A_331 = tpu.memref_slice %arg8[%dma_start3A_327, %dma_start3A_329, %dma_start3A_330] : memref<2x128x128xf32, #tpu.memory_space<vmem>> -> memref<1x128x128xf32, #tpu.memory_space<vmem>>
      %dma_start3A_332 = tpu.memref_squeeze %dma_start3A_331 : memref<1x128x128xf32, #tpu.memory_space<vmem>> -> memref<128x128xf32, #tpu.memory_space<vmem>>
      %dma_start3A_333 = arith.constant 0 : i32
      %dma_start3A_334 = tpu.memref_slice %arg6[%rem3A_173, %dma_start3A_326, %dma_start3A_333] : memref<2x8x128xi32, #tpu.memory_space<vmem>> -> memref<1x1x128xi32, #tpu.memory_space<vmem>>
      %dma_start3A_335 = tpu.memref_squeeze %dma_start3A_334 : memref<1x1x128xi32, #tpu.memory_space<vmem>> -> memref<128xi32, #tpu.memory_space<vmem>>
      %dma_start3A_336 = arith.constant 0 : i32
      %dma_start3A_337 = arith.constant 0 : i32
      %dma_start3A_338 = tpu.memref_slice %arg2[%dma_start3A_336, %dma_start3A_337] : memref<10000x128xf32, #tpu.memory_space<hbm>> -> memref<10000x128xf32, #tpu.memory_space<hbm>>
      %dma_start3A_339 = tpu.memref_slice %arg9[%dma_start3A_328] : memref<2x!tpu.dma_semaphore, #tpu.memory_space<semaphore_mem>> -> memref<1x!tpu.dma_semaphore, #tpu.memory_space<semaphore_mem>>
      %dma_start3A_340 = tpu.memref_squeeze %dma_start3A_339 : memref<1x!tpu.dma_semaphore, #tpu.memory_space<semaphore_mem>> -> memref<!tpu.dma_semaphore, #tpu.memory_space<semaphore_mem>>
      tpu.enqueue_indirect_dma source(%dma_start3A_338 : memref<10000x128xf32, #tpu.memory_space<hbm>>) target(%dma_start3A_332 : memref<128x128xf32, #tpu.memory_space<vmem>>) offsets(%dma_start3A_335 : memref<128xi32, #tpu.memory_space<vmem>>) semaphore(%dma_start3A_340 : memref<!tpu.dma_semaphore, #tpu.memory_space<semaphore_mem>>)
      %dma_wait3A_341 = arith.constant 5 : i32
      %dma_wait3A_342 = arith.constant 1 : i32
      %dma_wait3A_343 = arith.constant 1 : i32
      %dma_wait3A_344 = arith.constant 0 : i32
      %dma_wait3A_345 = arith.constant 0 : i32
      %dma_wait3A_346 = tpu.memref_slice %arg8[%dma_wait3A_342, %dma_wait3A_344, %dma_wait3A_345] : memref<2x128x128xf32, #tpu.memory_space<vmem>> -> memref<1x128x128xf32, #tpu.memory_space<vmem>>
      %dma_wait3A_347 = tpu.memref_squeeze %dma_wait3A_346 : memref<1x128x128xf32, #tpu.memory_space<vmem>> -> memref<128x128xf32, #tpu.memory_space<vmem>>
      %dma_wait3A_348 = arith.constant 0 : i32
      %dma_wait3A_349 = tpu.memref_slice %arg6[%rem3A_173, %dma_wait3A_341, %dma_wait3A_348] : memref<2x8x128xi32, #tpu.memory_space<vmem>> -> memref<1x1x128xi32, #tpu.memory_space<vmem>>
      %dma_wait3A_350 = tpu.memref_squeeze %dma_wait3A_349 : memref<1x1x128xi32, #tpu.memory_space<vmem>> -> memref<128xi32, #tpu.memory_space<vmem>>
      %dma_wait3A_351 = arith.constant 0 : i32
      %dma_wait3A_352 = arith.constant 0 : i32
      %dma_wait3A_353 = tpu.memref_slice %arg2[%dma_wait3A_351, %dma_wait3A_352] : memref<10000x128xf32, #tpu.memory_space<hbm>> -> memref<10000x128xf32, #tpu.memory_space<hbm>>
      %dma_wait3A_354 = tpu.memref_slice %arg9[%dma_wait3A_343] : memref<2x!tpu.dma_semaphore, #tpu.memory_space<semaphore_mem>> -> memref<1x!tpu.dma_semaphore, #tpu.memory_space<semaphore_mem>>
      %dma_wait3A_355 = tpu.memref_squeeze %dma_wait3A_354 : memref<1x!tpu.dma_semaphore, #tpu.memory_space<semaphore_mem>> -> memref<!tpu.dma_semaphore, #tpu.memory_space<semaphore_mem>>
      tpu.wait_indirect_dma semaphore(%dma_wait3A_355 : memref<!tpu.dma_semaphore, #tpu.memory_space<semaphore_mem>>) src(%dma_wait3A_353 : memref<10000x128xf32, #tpu.memory_space<hbm>>) dst(%dma_wait3A_347 : memref<128x128xf32, #tpu.memory_space<vmem>>)
      %run_scoped3A_356 = arith.constant 1 : i32
      %run_scoped3A_357 = arith.constant 5 : i32
      "tpu.region"() ({
        %run_scoped3A_416 = tpu.sem_alloc : memref<!tpu.dma_semaphore, #tpu.memory_space<semaphore_mem>>
        %dma_start3A_417 = arith.constant 0 : i32
        %dma_start3A_418 = arith.constant 0 : i32
        %dma_start3A_419 = tpu.memref_slice %arg8[%run_scoped3A_356, %dma_start3A_417, %dma_start3A_418] : memref<2x128x128xf32, #tpu.memory_space<vmem>> -> memref<1x128x128xf32, #tpu.memory_space<vmem>>
        %dma_start3A_420 = tpu.memref_squeeze %dma_start3A_419 : memref<1x128x128xf32, #tpu.memory_space<vmem>> -> memref<128x128xf32, #tpu.memory_space<vmem>>
        %dma_start3A_421 = arith.constant 0 : i32
        %dma_start3A_422 = tpu.memref_slice %arg7[%rem3A_173, %run_scoped3A_357, %dma_start3A_421] : memref<2x8x128xi32, #tpu.memory_space<vmem>> -> memref<1x1x128xi32, #tpu.memory_space<vmem>>
        %dma_start3A_423 = tpu.memref_squeeze %dma_start3A_422 : memref<1x1x128xi32, #tpu.memory_space<vmem>> -> memref<128xi32, #tpu.memory_space<vmem>>
        %dma_start3A_424 = arith.constant 0 : i32
        %dma_start3A_425 = arith.constant 0 : i32
        %dma_start3A_426 = tpu.memref_slice %arg11[%dma_start3A_424, %dma_start3A_425] : memref<10240x128xf32, #tpu.memory_space<vmem_shared>> -> memref<10240x128xf32, #tpu.memory_space<vmem_shared>>
        tpu.enqueue_indirect_dma source(%dma_start3A_420 : memref<128x128xf32, #tpu.memory_space<vmem>>) target(%dma_start3A_426 : memref<10240x128xf32, #tpu.memory_space<vmem_shared>>) offsets(%dma_start3A_423 : memref<128xi32, #tpu.memory_space<vmem>>) semaphore(%run_scoped3A_416 : memref<!tpu.dma_semaphore, #tpu.memory_space<semaphore_mem>>) {add = true}
        %dma_wait3A_427 = arith.constant 0 : i32
        %dma_wait3A_428 = arith.constant 0 : i32
        %dma_wait3A_429 = tpu.memref_slice %arg8[%run_scoped3A_356, %dma_wait3A_427, %dma_wait3A_428] : memref<2x128x128xf32, #tpu.memory_space<vmem>> -> memref<1x128x128xf32, #tpu.memory_space<vmem>>
        %dma_wait3A_430 = tpu.memref_squeeze %dma_wait3A_429 : memref<1x128x128xf32, #tpu.memory_space<vmem>> -> memref<128x128xf32, #tpu.memory_space<vmem>>
        %dma_wait3A_431 = arith.constant 0 : i32
        %dma_wait3A_432 = tpu.memref_slice %arg7[%rem3A_173, %run_scoped3A_357, %dma_wait3A_431] : memref<2x8x128xi32, #tpu.memory_space<vmem>> -> memref<1x1x128xi32, #tpu.memory_space<vmem>>
        %dma_wait3A_433 = tpu.memref_squeeze %dma_wait3A_432 : memref<1x1x128xi32, #tpu.memory_space<vmem>> -> memref<128xi32, #tpu.memory_space<vmem>>
        %dma_wait3A_434 = arith.constant 0 : i32
        %dma_wait3A_435 = arith.constant 0 : i32
        %dma_wait3A_436 = tpu.memref_slice %arg11[%dma_wait3A_434, %dma_wait3A_435] : memref<10240x128xf32, #tpu.memory_space<vmem_shared>> -> memref<10240x128xf32, #tpu.memory_space<vmem_shared>>
        tpu.wait_indirect_dma semaphore(%run_scoped3A_416 : memref<!tpu.dma_semaphore, #tpu.memory_space<semaphore_mem>>) src(%dma_wait3A_430 : memref<128x128xf32, #tpu.memory_space<vmem>>) dst(%dma_wait3A_436 : memref<10240x128xf32, #tpu.memory_space<vmem_shared>>)
        tpu.yield
      }) : () -> ()
      %dma_start3A_358 = arith.constant 7 : i32
      %dma_start3A_359 = arith.constant 1 : i32
      %dma_start3A_360 = arith.constant 1 : i32
      %dma_start3A_361 = arith.constant 0 : i32
      %dma_start3A_362 = arith.constant 0 : i32
      %dma_start3A_363 = tpu.memref_slice %arg8[%dma_start3A_359, %dma_start3A_361, %dma_start3A_362] : memref<2x128x128xf32, #tpu.memory_space<vmem>> -> memref<1x128x128xf32, #tpu.memory_space<vmem>>
      %dma_start3A_364 = tpu.memref_squeeze %dma_start3A_363 : memref<1x128x128xf32, #tpu.memory_space<vmem>> -> memref<128x128xf32, #tpu.memory_space<vmem>>
      %dma_start3A_365 = arith.constant 0 : i32
      %dma_start3A_366 = tpu.memref_slice %arg6[%rem3A_173, %dma_start3A_358, %dma_start3A_365] : memref<2x8x128xi32, #tpu.memory_space<vmem>> -> memref<1x1x128xi32, #tpu.memory_space<vmem>>
      %dma_start3A_367 = tpu.memref_squeeze %dma_start3A_366 : memref<1x1x128xi32, #tpu.memory_space<vmem>> -> memref<128xi32, #tpu.memory_space<vmem>>
      %dma_start3A_368 = arith.constant 0 : i32
      %dma_start3A_369 = arith.constant 0 : i32
      %dma_start3A_370 = tpu.memref_slice %arg2[%dma_start3A_368, %dma_start3A_369] : memref<10000x128xf32, #tpu.memory_space<hbm>> -> memref<10000x128xf32, #tpu.memory_space<hbm>>
      %dma_start3A_371 = tpu.memref_slice %arg9[%dma_start3A_360] : memref<2x!tpu.dma_semaphore, #tpu.memory_space<semaphore_mem>> -> memref<1x!tpu.dma_semaphore, #tpu.memory_space<semaphore_mem>>
      %dma_start3A_372 = tpu.memref_squeeze %dma_start3A_371 : memref<1x!tpu.dma_semaphore, #tpu.memory_space<semaphore_mem>> -> memref<!tpu.dma_semaphore, #tpu.memory_space<semaphore_mem>>
      tpu.enqueue_indirect_dma source(%dma_start3A_370 : memref<10000x128xf32, #tpu.memory_space<hbm>>) target(%dma_start3A_364 : memref<128x128xf32, #tpu.memory_space<vmem>>) offsets(%dma_start3A_367 : memref<128xi32, #tpu.memory_space<vmem>>) semaphore(%dma_start3A_372 : memref<!tpu.dma_semaphore, #tpu.memory_space<semaphore_mem>>)
      %dma_wait3A_373 = arith.constant 6 : i32
      %dma_wait3A_374 = arith.constant 0 : i32
      %dma_wait3A_375 = arith.constant 0 : i32
      %dma_wait3A_376 = arith.constant 0 : i32
      %dma_wait3A_377 = arith.constant 0 : i32
      %dma_wait3A_378 = tpu.memref_slice %arg8[%dma_wait3A_374, %dma_wait3A_376, %dma_wait3A_377] : memref<2x128x128xf32, #tpu.memory_space<vmem>> -> memref<1x128x128xf32, #tpu.memory_space<vmem>>
      %dma_wait3A_379 = tpu.memref_squeeze %dma_wait3A_378 : memref<1x128x128xf32, #tpu.memory_space<vmem>> -> memref<128x128xf32, #tpu.memory_space<vmem>>
      %dma_wait3A_380 = arith.constant 0 : i32
      %dma_wait3A_381 = tpu.memref_slice %arg6[%rem3A_173, %dma_wait3A_373, %dma_wait3A_380] : memref<2x8x128xi32, #tpu.memory_space<vmem>> -> memref<1x1x128xi32, #tpu.memory_space<vmem>>
      %dma_wait3A_382 = tpu.memref_squeeze %dma_wait3A_381 : memref<1x1x128xi32, #tpu.memory_space<vmem>> -> memref<128xi32, #tpu.memory_space<vmem>>
      %dma_wait3A_383 = arith.constant 0 : i32
      %dma_wait3A_384 = arith.constant 0 : i32
      %dma_wait3A_385 = tpu.memref_slice %arg2[%dma_wait3A_383, %dma_wait3A_384] : memref<10000x128xf32, #tpu.memory_space<hbm>> -> memref<10000x128xf32, #tpu.memory_space<hbm>>
      %dma_wait3A_386 = tpu.memref_slice %arg9[%dma_wait3A_375] : memref<2x!tpu.dma_semaphore, #tpu.memory_space<semaphore_mem>> -> memref<1x!tpu.dma_semaphore, #tpu.memory_space<semaphore_mem>>
      %dma_wait3A_387 = tpu.memref_squeeze %dma_wait3A_386 : memref<1x!tpu.dma_semaphore, #tpu.memory_space<semaphore_mem>> -> memref<!tpu.dma_semaphore, #tpu.memory_space<semaphore_mem>>
      tpu.wait_indirect_dma semaphore(%dma_wait3A_387 : memref<!tpu.dma_semaphore, #tpu.memory_space<semaphore_mem>>) src(%dma_wait3A_385 : memref<10000x128xf32, #tpu.memory_space<hbm>>) dst(%dma_wait3A_379 : memref<128x128xf32, #tpu.memory_space<vmem>>)
      %run_scoped3A_388 = arith.constant 0 : i32
      %run_scoped3A_389 = arith.constant 6 : i32
      "tpu.region"() ({
        %run_scoped3A_416 = tpu.sem_alloc : memref<!tpu.dma_semaphore, #tpu.memory_space<semaphore_mem>>
        %dma_start3A_417 = arith.constant 0 : i32
        %dma_start3A_418 = arith.constant 0 : i32
        %dma_start3A_419 = tpu.memref_slice %arg8[%run_scoped3A_388, %dma_start3A_417, %dma_start3A_418] : memref<2x128x128xf32, #tpu.memory_space<vmem>> -> memref<1x128x128xf32, #tpu.memory_space<vmem>>
        %dma_start3A_420 = tpu.memref_squeeze %dma_start3A_419 : memref<1x128x128xf32, #tpu.memory_space<vmem>> -> memref<128x128xf32, #tpu.memory_space<vmem>>
        %dma_start3A_421 = arith.constant 0 : i32
        %dma_start3A_422 = tpu.memref_slice %arg7[%rem3A_173, %run_scoped3A_389, %dma_start3A_421] : memref<2x8x128xi32, #tpu.memory_space<vmem>> -> memref<1x1x128xi32, #tpu.memory_space<vmem>>
        %dma_start3A_423 = tpu.memref_squeeze %dma_start3A_422 : memref<1x1x128xi32, #tpu.memory_space<vmem>> -> memref<128xi32, #tpu.memory_space<vmem>>
        %dma_start3A_424 = arith.constant 0 : i32
        %dma_start3A_425 = arith.constant 0 : i32
        %dma_start3A_426 = tpu.memref_slice %arg11[%dma_start3A_424, %dma_start3A_425] : memref<10240x128xf32, #tpu.memory_space<vmem_shared>> -> memref<10240x128xf32, #tpu.memory_space<vmem_shared>>
        tpu.enqueue_indirect_dma source(%dma_start3A_420 : memref<128x128xf32, #tpu.memory_space<vmem>>) target(%dma_start3A_426 : memref<10240x128xf32, #tpu.memory_space<vmem_shared>>) offsets(%dma_start3A_423 : memref<128xi32, #tpu.memory_space<vmem>>) semaphore(%run_scoped3A_416 : memref<!tpu.dma_semaphore, #tpu.memory_space<semaphore_mem>>) {add = true}
        %dma_wait3A_427 = arith.constant 0 : i32
        %dma_wait3A_428 = arith.constant 0 : i32
        %dma_wait3A_429 = tpu.memref_slice %arg8[%run_scoped3A_388, %dma_wait3A_427, %dma_wait3A_428] : memref<2x128x128xf32, #tpu.memory_space<vmem>> -> memref<1x128x128xf32, #tpu.memory_space<vmem>>
        %dma_wait3A_430 = tpu.memref_squeeze %dma_wait3A_429 : memref<1x128x128xf32, #tpu.memory_space<vmem>> -> memref<128x128xf32, #tpu.memory_space<vmem>>
        %dma_wait3A_431 = arith.constant 0 : i32
        %dma_wait3A_432 = tpu.memref_slice %arg7[%rem3A_173, %run_scoped3A_389, %dma_wait3A_431] : memref<2x8x128xi32, #tpu.memory_space<vmem>> -> memref<1x1x128xi32, #tpu.memory_space<vmem>>
        %dma_wait3A_433 = tpu.memref_squeeze %dma_wait3A_432 : memref<1x1x128xi32, #tpu.memory_space<vmem>> -> memref<128xi32, #tpu.memory_space<vmem>>
        %dma_wait3A_434 = arith.constant 0 : i32
        %dma_wait3A_435 = arith.constant 0 : i32
        %dma_wait3A_436 = tpu.memref_slice %arg11[%dma_wait3A_434, %dma_wait3A_435] : memref<10240x128xf32, #tpu.memory_space<vmem_shared>> -> memref<10240x128xf32, #tpu.memory_space<vmem_shared>>
        tpu.wait_indirect_dma semaphore(%run_scoped3A_416 : memref<!tpu.dma_semaphore, #tpu.memory_space<semaphore_mem>>) src(%dma_wait3A_430 : memref<128x128xf32, #tpu.memory_space<vmem>>) dst(%dma_wait3A_436 : memref<10240x128xf32, #tpu.memory_space<vmem_shared>>)
        tpu.yield
      }) : () -> ()
      %convert_element_type3A_390 = arith.extui %lt3A : i1 to i32
      %cond3A_391 = arith.constant 0 : i32
      %cond3A_392 = arith.cmpi ne, %convert_element_type3A_390, %cond3A_391 : i32
      scf.if %cond3A_392 {
        %dma_wait3A_416 = arith.constant 0 : i32
        %dma_wait3A_417 = arith.constant 0 : i32
        %dma_wait3A_418 = tpu.memref_slice %arg6[%rem3A_177, %dma_wait3A_416, %dma_wait3A_417] : memref<2x8x128xi32, #tpu.memory_space<vmem>> -> memref<1x8x128xi32, #tpu.memory_space<vmem>>
        %dma_wait3A_419 = tpu.memref_squeeze %dma_wait3A_418 : memref<1x8x128xi32, #tpu.memory_space<vmem>> -> memref<8x128xi32, #tpu.memory_space<vmem>>
        %dma_wait3A_420 = arith.constant 0 : i32
        %dma_wait3A_421 = arith.constant 0 : i32
        %dma_wait3A_422 = tpu.memref_slice %arg3[%add3A, %dma_wait3A_420, %dma_wait3A_421] : memref<32x80x128xi32, #tpu.memory_space<hbm>> -> memref<1x8x128xi32, #tpu.memory_space<hbm>>
        %dma_wait3A_423 = tpu.memref_squeeze %dma_wait3A_422 : memref<1x8x128xi32, #tpu.memory_space<hbm>> -> memref<8x128xi32, #tpu.memory_space<hbm>>
        %dma_wait3A_424 = tpu.memref_slice %arg10[%rem3A_177] : memref<2x!tpu.dma_semaphore, #tpu.memory_space<semaphore_mem>> -> memref<1x!tpu.dma_semaphore, #tpu.memory_space<semaphore_mem>>
        %dma_wait3A_425 = tpu.memref_squeeze %dma_wait3A_424 : memref<1x!tpu.dma_semaphore, #tpu.memory_space<semaphore_mem>> -> memref<!tpu.dma_semaphore, #tpu.memory_space<semaphore_mem>>
        %dma_wait3A_426 = arith.constant 0 : i32
        %dma_wait3A_427 = arith.constant 0 : i32
        %dma_wait3A_428 = tpu.memref_slice %arg6[%rem3A_177, %dma_wait3A_426, %dma_wait3A_427] : memref<2x8x128xi32, #tpu.memory_space<vmem>> -> memref<1x8x128xi32, #tpu.memory_space<vmem>>
        %dma_wait3A_429 = tpu.memref_squeeze %dma_wait3A_428 : memref<1x8x128xi32, #tpu.memory_space<vmem>> -> memref<8x128xi32, #tpu.memory_space<vmem>>
        %dma_wait3A_430 = arith.constant 0 : i32
        %dma_wait3A_431 = arith.constant 0 : i32
        %dma_wait3A_432 = tpu.memref_slice %arg3[%add3A, %dma_wait3A_430, %dma_wait3A_431] : memref<32x80x128xi32, #tpu.memory_space<hbm>> -> memref<1x8x128xi32, #tpu.memory_space<hbm>>
        %dma_wait3A_433 = tpu.memref_squeeze %dma_wait3A_432 : memref<1x8x128xi32, #tpu.memory_space<hbm>> -> memref<8x128xi32, #tpu.memory_space<hbm>>
        tpu.wait_dma2 semaphore(%dma_wait3A_425 : memref<!tpu.dma_semaphore, #tpu.memory_space<semaphore_mem>>) src(%dma_wait3A_433 : memref<8x128xi32, #tpu.memory_space<hbm>>) dst(%dma_wait3A_429 : memref<8x128xi32, #tpu.memory_space<vmem>>)
        %dma_wait3A_434 = arith.constant 0 : i32
        %dma_wait3A_435 = arith.constant 0 : i32
        %dma_wait3A_436 = tpu.memref_slice %arg7[%rem3A_177, %dma_wait3A_434, %dma_wait3A_435] : memref<2x8x128xi32, #tpu.memory_space<vmem>> -> memref<1x8x128xi32, #tpu.memory_space<vmem>>
        %dma_wait3A_437 = tpu.memref_squeeze %dma_wait3A_436 : memref<1x8x128xi32, #tpu.memory_space<vmem>> -> memref<8x128xi32, #tpu.memory_space<vmem>>
        %dma_wait3A_438 = arith.constant 0 : i32
        %dma_wait3A_439 = arith.constant 0 : i32
        %dma_wait3A_440 = tpu.memref_slice %arg4[%add3A, %dma_wait3A_438, %dma_wait3A_439] : memref<32x80x128xi32, #tpu.memory_space<hbm>> -> memref<1x8x128xi32, #tpu.memory_space<hbm>>
        %dma_wait3A_441 = tpu.memref_squeeze %dma_wait3A_440 : memref<1x8x128xi32, #tpu.memory_space<hbm>> -> memref<8x128xi32, #tpu.memory_space<hbm>>
        %dma_wait3A_442 = tpu.memref_slice %arg10[%rem3A_177] : memref<2x!tpu.dma_semaphore, #tpu.memory_space<semaphore_mem>> -> memref<1x!tpu.dma_semaphore, #tpu.memory_space<semaphore_mem>>
        %dma_wait3A_443 = tpu.memref_squeeze %dma_wait3A_442 : memref<1x!tpu.dma_semaphore, #tpu.memory_space<semaphore_mem>> -> memref<!tpu.dma_semaphore, #tpu.memory_space<semaphore_mem>>
        %dma_wait3A_444 = arith.constant 0 : i32
        %dma_wait3A_445 = arith.constant 0 : i32
        %dma_wait3A_446 = tpu.memref_slice %arg7[%rem3A_177, %dma_wait3A_444, %dma_wait3A_445] : memref<2x8x128xi32, #tpu.memory_space<vmem>> -> memref<1x8x128xi32, #tpu.memory_space<vmem>>
        %dma_wait3A_447 = tpu.memref_squeeze %dma_wait3A_446 : memref<1x8x128xi32, #tpu.memory_space<vmem>> -> memref<8x128xi32, #tpu.memory_space<vmem>>
        %dma_wait3A_448 = arith.constant 0 : i32
        %dma_wait3A_449 = arith.constant 0 : i32
        %dma_wait3A_450 = tpu.memref_slice %arg4[%add3A, %dma_wait3A_448, %dma_wait3A_449] : memref<32x80x128xi32, #tpu.memory_space<hbm>> -> memref<1x8x128xi32, #tpu.memory_space<hbm>>
        %dma_wait3A_451 = tpu.memref_squeeze %dma_wait3A_450 : memref<1x8x128xi32, #tpu.memory_space<hbm>> -> memref<8x128xi32, #tpu.memory_space<hbm>>
        tpu.wait_dma2 semaphore(%dma_wait3A_443 : memref<!tpu.dma_semaphore, #tpu.memory_space<semaphore_mem>>) src(%dma_wait3A_451 : memref<8x128xi32, #tpu.memory_space<hbm>>) dst(%dma_wait3A_447 : memref<8x128xi32, #tpu.memory_space<vmem>>)
      } else {
      }
      %convert_element_type3A_393 = arith.extui %lt3A : i1 to i32
      %cond3A_394 = arith.constant 0 : i32
      %cond3A_395 = arith.cmpi ne, %convert_element_type3A_393, %cond3A_394 : i32
      scf.if %cond3A_395 {
        %dma_start3A_416 = arith.constant 0 : i32
        %dma_start3A_417 = arith.constant 0 : i32
        %dma_start3A_418 = arith.constant 0 : i32
        %dma_start3A_419 = arith.constant 0 : i32
        %dma_start3A_420 = arith.constant 0 : i32
        %dma_start3A_421 = tpu.memref_slice %arg8[%dma_start3A_417, %dma_start3A_419, %dma_start3A_420] : memref<2x128x128xf32, #tpu.memory_space<vmem>> -> memref<1x128x128xf32, #tpu.memory_space<vmem>>
        %dma_start3A_422 = tpu.memref_squeeze %dma_start3A_421 : memref<1x128x128xf32, #tpu.memory_space<vmem>> -> memref<128x128xf32, #tpu.memory_space<vmem>>
        %dma_start3A_423 = arith.constant 0 : i32
        %dma_start3A_424 = tpu.memref_slice %arg6[%rem3A_177, %dma_start3A_416, %dma_start3A_423] : memref<2x8x128xi32, #tpu.memory_space<vmem>> -> memref<1x1x128xi32, #tpu.memory_space<vmem>>
        %dma_start3A_425 = tpu.memref_squeeze %dma_start3A_424 : memref<1x1x128xi32, #tpu.memory_space<vmem>> -> memref<128xi32, #tpu.memory_space<vmem>>
        %dma_start3A_426 = arith.constant 0 : i32
        %dma_start3A_427 = arith.constant 0 : i32
        %dma_start3A_428 = tpu.memref_slice %arg2[%dma_start3A_426, %dma_start3A_427] : memref<10000x128xf32, #tpu.memory_space<hbm>> -> memref<10000x128xf32, #tpu.memory_space<hbm>>
        %dma_start3A_429 = tpu.memref_slice %arg9[%dma_start3A_418] : memref<2x!tpu.dma_semaphore, #tpu.memory_space<semaphore_mem>> -> memref<1x!tpu.dma_semaphore, #tpu.memory_space<semaphore_mem>>
        %dma_start3A_430 = tpu.memref_squeeze %dma_start3A_429 : memref<1x!tpu.dma_semaphore, #tpu.memory_space<semaphore_mem>> -> memref<!tpu.dma_semaphore, #tpu.memory_space<semaphore_mem>>
        tpu.enqueue_indirect_dma source(%dma_start3A_428 : memref<10000x128xf32, #tpu.memory_space<hbm>>) target(%dma_start3A_422 : memref<128x128xf32, #tpu.memory_space<vmem>>) offsets(%dma_start3A_425 : memref<128xi32, #tpu.memory_space<vmem>>) semaphore(%dma_start3A_430 : memref<!tpu.dma_semaphore, #tpu.memory_space<semaphore_mem>>)
      } else {
      }
      %dma_wait3A_396 = arith.constant 7 : i32
      %dma_wait3A_397 = arith.constant 1 : i32
      %dma_wait3A_398 = arith.constant 1 : i32
      %dma_wait3A_399 = arith.constant 0 : i32
      %dma_wait3A_400 = arith.constant 0 : i32
      %dma_wait3A_401 = tpu.memref_slice %arg8[%dma_wait3A_397, %dma_wait3A_399, %dma_wait3A_400] : memref<2x128x128xf32, #tpu.memory_space<vmem>> -> memref<1x128x128xf32, #tpu.memory_space<vmem>>
      %dma_wait3A_402 = tpu.memref_squeeze %dma_wait3A_401 : memref<1x128x128xf32, #tpu.memory_space<vmem>> -> memref<128x128xf32, #tpu.memory_space<vmem>>
      %dma_wait3A_403 = arith.constant 0 : i32
      %dma_wait3A_404 = tpu.memref_slice %arg6[%rem3A_173, %dma_wait3A_396, %dma_wait3A_403] : memref<2x8x128xi32, #tpu.memory_space<vmem>> -> memref<1x1x128xi32, #tpu.memory_space<vmem>>
      %dma_wait3A_405 = tpu.memref_squeeze %dma_wait3A_404 : memref<1x1x128xi32, #tpu.memory_space<vmem>> -> memref<128xi32, #tpu.memory_space<vmem>>
      %dma_wait3A_406 = arith.constant 0 : i32
      %dma_wait3A_407 = arith.constant 0 : i32
      %dma_wait3A_408 = tpu.memref_slice %arg2[%dma_wait3A_406, %dma_wait3A_407] : memref<10000x128xf32, #tpu.memory_space<hbm>> -> memref<10000x128xf32, #tpu.memory_space<hbm>>
      %dma_wait3A_409 = tpu.memref_slice %arg9[%dma_wait3A_398] : memref<2x!tpu.dma_semaphore, #tpu.memory_space<semaphore_mem>> -> memref<1x!tpu.dma_semaphore, #tpu.memory_space<semaphore_mem>>
      %dma_wait3A_410 = tpu.memref_squeeze %dma_wait3A_409 : memref<1x!tpu.dma_semaphore, #tpu.memory_space<semaphore_mem>> -> memref<!tpu.dma_semaphore, #tpu.memory_space<semaphore_mem>>
      tpu.wait_indirect_dma semaphore(%dma_wait3A_410 : memref<!tpu.dma_semaphore, #tpu.memory_space<semaphore_mem>>) src(%dma_wait3A_408 : memref<10000x128xf32, #tpu.memory_space<hbm>>) dst(%dma_wait3A_402 : memref<128x128xf32, #tpu.memory_space<vmem>>)
      %run_scoped3A_411 = arith.constant 1 : i32
      %run_scoped3A_412 = arith.constant 7 : i32
      "tpu.region"() ({
        %run_scoped3A_416 = tpu.sem_alloc : memref<!tpu.dma_semaphore, #tpu.memory_space<semaphore_mem>>
        %dma_start3A_417 = arith.constant 0 : i32
        %dma_start3A_418 = arith.constant 0 : i32
        %dma_start3A_419 = tpu.memref_slice %arg8[%run_scoped3A_411, %dma_start3A_417, %dma_start3A_418] : memref<2x128x128xf32, #tpu.memory_space<vmem>> -> memref<1x128x128xf32, #tpu.memory_space<vmem>>
        %dma_start3A_420 = tpu.memref_squeeze %dma_start3A_419 : memref<1x128x128xf32, #tpu.memory_space<vmem>> -> memref<128x128xf32, #tpu.memory_space<vmem>>
        %dma_start3A_421 = arith.constant 0 : i32
        %dma_start3A_422 = tpu.memref_slice %arg7[%rem3A_173, %run_scoped3A_412, %dma_start3A_421] : memref<2x8x128xi32, #tpu.memory_space<vmem>> -> memref<1x1x128xi32, #tpu.memory_space<vmem>>
        %dma_start3A_423 = tpu.memref_squeeze %dma_start3A_422 : memref<1x1x128xi32, #tpu.memory_space<vmem>> -> memref<128xi32, #tpu.memory_space<vmem>>
        %dma_start3A_424 = arith.constant 0 : i32
        %dma_start3A_425 = arith.constant 0 : i32
        %dma_start3A_426 = tpu.memref_slice %arg11[%dma_start3A_424, %dma_start3A_425] : memref<10240x128xf32, #tpu.memory_space<vmem_shared>> -> memref<10240x128xf32, #tpu.memory_space<vmem_shared>>
        tpu.enqueue_indirect_dma source(%dma_start3A_420 : memref<128x128xf32, #tpu.memory_space<vmem>>) target(%dma_start3A_426 : memref<10240x128xf32, #tpu.memory_space<vmem_shared>>) offsets(%dma_start3A_423 : memref<128xi32, #tpu.memory_space<vmem>>) semaphore(%run_scoped3A_416 : memref<!tpu.dma_semaphore, #tpu.memory_space<semaphore_mem>>) {add = true}
        %dma_wait3A_427 = arith.constant 0 : i32
        %dma_wait3A_428 = arith.constant 0 : i32
        %dma_wait3A_429 = tpu.memref_slice %arg8[%run_scoped3A_411, %dma_wait3A_427, %dma_wait3A_428] : memref<2x128x128xf32, #tpu.memory_space<vmem>> -> memref<1x128x128xf32, #tpu.memory_space<vmem>>
        %dma_wait3A_430 = tpu.memref_squeeze %dma_wait3A_429 : memref<1x128x128xf32, #tpu.memory_space<vmem>> -> memref<128x128xf32, #tpu.memory_space<vmem>>
        %dma_wait3A_431 = arith.constant 0 : i32
        %dma_wait3A_432 = tpu.memref_slice %arg7[%rem3A_173, %run_scoped3A_412, %dma_wait3A_431] : memref<2x8x128xi32, #tpu.memory_space<vmem>> -> memref<1x1x128xi32, #tpu.memory_space<vmem>>
        %dma_wait3A_433 = tpu.memref_squeeze %dma_wait3A_432 : memref<1x1x128xi32, #tpu.memory_space<vmem>> -> memref<128xi32, #tpu.memory_space<vmem>>
        %dma_wait3A_434 = arith.constant 0 : i32
        %dma_wait3A_435 = arith.constant 0 : i32
        %dma_wait3A_436 = tpu.memref_slice %arg11[%dma_wait3A_434, %dma_wait3A_435] : memref<10240x128xf32, #tpu.memory_space<vmem_shared>> -> memref<10240x128xf32, #tpu.memory_space<vmem_shared>>
        tpu.wait_indirect_dma semaphore(%run_scoped3A_416 : memref<!tpu.dma_semaphore, #tpu.memory_space<semaphore_mem>>) src(%dma_wait3A_430 : memref<128x128xf32, #tpu.memory_space<vmem>>) dst(%dma_wait3A_436 : memref<10240x128xf32, #tpu.memory_space<vmem_shared>>)
        tpu.yield
      }) : () -> ()
      %convert_element_type3A_413 = arith.extui %lt3A : i1 to i32
      %cond3A_414 = arith.constant 0 : i32
      %cond3A_415 = arith.cmpi ne, %convert_element_type3A_413, %cond3A_414 : i32
      scf.if %cond3A_415 {
        %dma_start3A_416 = arith.constant 1 : i32
        %dma_start3A_417 = arith.constant 1 : i32
        %dma_start3A_418 = arith.constant 1 : i32
        %dma_start3A_419 = arith.constant 0 : i32
        %dma_start3A_420 = arith.constant 0 : i32
        %dma_start3A_421 = tpu.memref_slice %arg8[%dma_start3A_417, %dma_start3A_419, %dma_start3A_420] : memref<2x128x128xf32, #tpu.memory_space<vmem>> -> memref<1x128x128xf32, #tpu.memory_space<vmem>>
        %dma_start3A_422 = tpu.memref_squeeze %dma_start3A_421 : memref<1x128x128xf32, #tpu.memory_space<vmem>> -> memref<128x128xf32, #tpu.memory_space<vmem>>
        %dma_start3A_423 = arith.constant 0 : i32
        %dma_start3A_424 = tpu.memref_slice %arg6[%rem3A_177, %dma_start3A_416, %dma_start3A_423] : memref<2x8x128xi32, #tpu.memory_space<vmem>> -> memref<1x1x128xi32, #tpu.memory_space<vmem>>
        %dma_start3A_425 = tpu.memref_squeeze %dma_start3A_424 : memref<1x1x128xi32, #tpu.memory_space<vmem>> -> memref<128xi32, #tpu.memory_space<vmem>>
        %dma_start3A_426 = arith.constant 0 : i32
        %dma_start3A_427 = arith.constant 0 : i32
        %dma_start3A_428 = tpu.memref_slice %arg2[%dma_start3A_426, %dma_start3A_427] : memref<10000x128xf32, #tpu.memory_space<hbm>> -> memref<10000x128xf32, #tpu.memory_space<hbm>>
        %dma_start3A_429 = tpu.memref_slice %arg9[%dma_start3A_418] : memref<2x!tpu.dma_semaphore, #tpu.memory_space<semaphore_mem>> -> memref<1x!tpu.dma_semaphore, #tpu.memory_space<semaphore_mem>>
        %dma_start3A_430 = tpu.memref_squeeze %dma_start3A_429 : memref<1x!tpu.dma_semaphore, #tpu.memory_space<semaphore_mem>> -> memref<!tpu.dma_semaphore, #tpu.memory_space<semaphore_mem>>
        tpu.enqueue_indirect_dma source(%dma_start3A_428 : memref<10000x128xf32, #tpu.memory_space<hbm>>) target(%dma_start3A_422 : memref<128x128xf32, #tpu.memory_space<vmem>>) offsets(%dma_start3A_425 : memref<128xi32, #tpu.memory_space<vmem>>) semaphore(%dma_start3A_430 : memref<!tpu.dma_semaphore, #tpu.memory_space<semaphore_mem>>)
      } else {
      }
    }
    %while3A_164 = arith.constant 1 : i32
    scf.for %while3A_170 = %while3A_162 to %while3A_158 step %while3A_164  : i32 {
      %mul3A_171 = arith.muli %while3A_170, %while3A : i32
      %add3A_172 = arith.addi %while3A_155, %mul3A_171 : i32
      %rem3A = arith.constant 2 : i32
      %rem3A_173 = arith.remsi %add3A_172, %rem3A : i32
      %add3A_174 = arith.constant 1 : i32
      %add3A_175 = arith.addi %add3A_172, %add3A_174 : i32
      %rem3A_176 = arith.constant 2 : i32
      %rem3A_177 = arith.remsi %add3A_175, %rem3A_176 : i32
      %sub3A_178 = arith.constant 1 : i32
      %sub3A_179 = arith.subi %select_n3A, %sub3A_178 : i32
      %lt3A = arith.cmpi slt, %add3A_172, %sub3A_179 : i32
      %ge3A = arith.constant 1 : i32
      %ge3A_180 = arith.cmpi sge, %add3A_172, %ge3A : i32
      %and3A = arith.andi %ge3A_180, %lt3A : i1
      %convert_element_type3A = arith.extui %and3A : i1 to i32
      %cond3A = arith.constant 0 : i32
      %cond3A_181 = arith.cmpi ne, %convert_element_type3A, %cond3A : i32
      scf.if %cond3A_181 {
        %add3A_416 = arith.constant 1 : i32
        %add3A_417 = arith.addi %add3A_172, %add3A_416 : i32
        %mul3A_418 = arith.constant 8 : i32
        %mul3A_419 = arith.muli %add3A_417, %mul3A_418 : i32
        %dma_start3A_420 = arith.constant 0 : i32
        %dma_start3A_421 = arith.constant 0 : i32
        %dma_start3A_422 = tpu.memref_slice %arg6[%rem3A_177, %dma_start3A_420, %dma_start3A_421] : memref<2x8x128xi32, #tpu.memory_space<vmem>> -> memref<1x8x128xi32, #tpu.memory_space<vmem>>
        %dma_start3A_423 = tpu.memref_squeeze %dma_start3A_422 : memref<1x8x128xi32, #tpu.memory_space<vmem>> -> memref<8x128xi32, #tpu.memory_space<vmem>>
        %dma_start3A_424 = arith.constant 0 : i32
        %dma_start3A_425 = tpu.memref_slice %arg3[%add3A, %mul3A_419, %dma_start3A_424] : memref<32x80x128xi32, #tpu.memory_space<hbm>> -> memref<1x8x128xi32, #tpu.memory_space<hbm>>
        %dma_start3A_426 = tpu.memref_squeeze %dma_start3A_425 : memref<1x8x128xi32, #tpu.memory_space<hbm>> -> memref<8x128xi32, #tpu.memory_space<hbm>>
        %dma_start3A_427 = tpu.memref_slice %arg10[%rem3A_177] : memref<2x!tpu.dma_semaphore, #tpu.memory_space<semaphore_mem>> -> memref<1x!tpu.dma_semaphore, #tpu.memory_space<semaphore_mem>>
        %dma_start3A_428 = tpu.memref_squeeze %dma_start3A_427 : memref<1x!tpu.dma_semaphore, #tpu.memory_space<semaphore_mem>> -> memref<!tpu.dma_semaphore, #tpu.memory_space<semaphore_mem>>
        %dma_start3A_429 = arith.constant 0 : i32
        %dma_start3A_430 = arith.constant 0 : i32
        %dma_start3A_431 = tpu.memref_slice %arg6[%rem3A_177, %dma_start3A_429, %dma_start3A_430] : memref<2x8x128xi32, #tpu.memory_space<vmem>> -> memref<1x8x128xi32, #tpu.memory_space<vmem>>
        %dma_start3A_432 = tpu.memref_squeeze %dma_start3A_431 : memref<1x8x128xi32, #tpu.memory_space<vmem>> -> memref<8x128xi32, #tpu.memory_space<vmem>>
        %dma_start3A_433 = arith.constant 0 : i32
        %dma_start3A_434 = tpu.memref_slice %arg3[%add3A, %mul3A_419, %dma_start3A_433] : memref<32x80x128xi32, #tpu.memory_space<hbm>> -> memref<1x8x128xi32, #tpu.memory_space<hbm>>
        %dma_start3A_435 = tpu.memref_squeeze %dma_start3A_434 : memref<1x8x128xi32, #tpu.memory_space<hbm>> -> memref<8x128xi32, #tpu.memory_space<hbm>>
        tpu.enqueue_dma source(%dma_start3A_435 : memref<8x128xi32, #tpu.memory_space<hbm>>) target(%dma_start3A_432 : memref<8x128xi32, #tpu.memory_space<vmem>>) target_semaphore(%dma_start3A_428 : memref<!tpu.dma_semaphore, #tpu.memory_space<semaphore_mem>>)
        %add3A_436 = arith.constant 1 : i32
        %add3A_437 = arith.addi %add3A_172, %add3A_436 : i32
        %mul3A_438 = arith.constant 8 : i32
        %mul3A_439 = arith.muli %add3A_437, %mul3A_438 : i32
        %dma_start3A_440 = arith.constant 0 : i32
        %dma_start3A_441 = arith.constant 0 : i32
        %dma_start3A_442 = tpu.memref_slice %arg7[%rem3A_177, %dma_start3A_440, %dma_start3A_441] : memref<2x8x128xi32, #tpu.memory_space<vmem>> -> memref<1x8x128xi32, #tpu.memory_space<vmem>>
        %dma_start3A_443 = tpu.memref_squeeze %dma_start3A_442 : memref<1x8x128xi32, #tpu.memory_space<vmem>> -> memref<8x128xi32, #tpu.memory_space<vmem>>
        %dma_start3A_444 = arith.constant 0 : i32
        %dma_start3A_445 = tpu.memref_slice %arg4[%add3A, %mul3A_439, %dma_start3A_444] : memref<32x80x128xi32, #tpu.memory_space<hbm>> -> memref<1x8x128xi32, #tpu.memory_space<hbm>>
        %dma_start3A_446 = tpu.memref_squeeze %dma_start3A_445 : memref<1x8x128xi32, #tpu.memory_space<hbm>> -> memref<8x128xi32, #tpu.memory_space<hbm>>
        %dma_start3A_447 = tpu.memref_slice %arg10[%rem3A_177] : memref<2x!tpu.dma_semaphore, #tpu.memory_space<semaphore_mem>> -> memref<1x!tpu.dma_semaphore, #tpu.memory_space<semaphore_mem>>
        %dma_start3A_448 = tpu.memref_squeeze %dma_start3A_447 : memref<1x!tpu.dma_semaphore, #tpu.memory_space<semaphore_mem>> -> memref<!tpu.dma_semaphore, #tpu.memory_space<semaphore_mem>>
        %dma_start3A_449 = arith.constant 0 : i32
        %dma_start3A_450 = arith.constant 0 : i32
        %dma_start3A_451 = tpu.memref_slice %arg7[%rem3A_177, %dma_start3A_449, %dma_start3A_450] : memref<2x8x128xi32, #tpu.memory_space<vmem>> -> memref<1x8x128xi32, #tpu.memory_space<vmem>>
        %dma_start3A_452 = tpu.memref_squeeze %dma_start3A_451 : memref<1x8x128xi32, #tpu.memory_space<vmem>> -> memref<8x128xi32, #tpu.memory_space<vmem>>
        %dma_start3A_453 = arith.constant 0 : i32
        %dma_start3A_454 = tpu.memref_slice %arg4[%add3A, %mul3A_439, %dma_start3A_453] : memref<32x80x128xi32, #tpu.memory_space<hbm>> -> memref<1x8x128xi32, #tpu.memory_space<hbm>>
        %dma_start3A_455 = tpu.memref_squeeze %dma_start3A_454 : memref<1x8x128xi32, #tpu.memory_space<hbm>> -> memref<8x128xi32, #tpu.memory_space<hbm>>
        tpu.enqueue_dma source(%dma_start3A_455 : memref<8x128xi32, #tpu.memory_space<hbm>>) target(%dma_start3A_452 : memref<8x128xi32, #tpu.memory_space<vmem>>) target_semaphore(%dma_start3A_448 : memref<!tpu.dma_semaphore, #tpu.memory_space<semaphore_mem>>)
      } else {
      }
      %dma_wait3A = arith.constant 0 : i32
      %dma_wait3A_182 = arith.constant 0 : i32
      %dma_wait3A_183 = arith.constant 0 : i32
      %dma_wait3A_184 = arith.constant 0 : i32
      %dma_wait3A_185 = arith.constant 0 : i32
      %dma_wait3A_186 = tpu.memref_slice %arg8[%dma_wait3A_182, %dma_wait3A_184, %dma_wait3A_185] : memref<2x128x128xf32, #tpu.memory_space<vmem>> -> memref<1x128x128xf32, #tpu.memory_space<vmem>>
      %dma_wait3A_187 = tpu.memref_squeeze %dma_wait3A_186 : memref<1x128x128xf32, #tpu.memory_space<vmem>> -> memref<128x128xf32, #tpu.memory_space<vmem>>
      %dma_wait3A_188 = arith.constant 0 : i32
      %dma_wait3A_189 = tpu.memref_slice %arg6[%rem3A_173, %dma_wait3A, %dma_wait3A_188] : memref<2x8x128xi32, #tpu.memory_space<vmem>> -> memref<1x1x128xi32, #tpu.memory_space<vmem>>
      %dma_wait3A_190 = tpu.memref_squeeze %dma_wait3A_189 : memref<1x1x128xi32, #tpu.memory_space<vmem>> -> memref<128xi32, #tpu.memory_space<vmem>>
      %dma_wait3A_191 = arith.constant 0 : i32
      %dma_wait3A_192 = arith.constant 0 : i32
      %dma_wait3A_193 = tpu.memref_slice %arg2[%dma_wait3A_191, %dma_wait3A_192] : memref<10000x128xf32, #tpu.memory_space<hbm>> -> memref<10000x128xf32, #tpu.memory_space<hbm>>
      %dma_wait3A_194 = tpu.memref_slice %arg9[%dma_wait3A_183] : memref<2x!tpu.dma_semaphore, #tpu.memory_space<semaphore_mem>> -> memref<1x!tpu.dma_semaphore, #tpu.memory_space<semaphore_mem>>
      %dma_wait3A_195 = tpu.memref_squeeze %dma_wait3A_194 : memref<1x!tpu.dma_semaphore, #tpu.memory_space<semaphore_mem>> -> memref<!tpu.dma_semaphore, #tpu.memory_space<semaphore_mem>>
      tpu.wait_indirect_dma semaphore(%dma_wait3A_195 : memref<!tpu.dma_semaphore, #tpu.memory_space<semaphore_mem>>) src(%dma_wait3A_193 : memref<10000x128xf32, #tpu.memory_space<hbm>>) dst(%dma_wait3A_187 : memref<128x128xf32, #tpu.memory_space<vmem>>)
      %run_scoped3A_196 = arith.constant 0 : i32
      %run_scoped3A_197 = arith.constant 0 : i32
      "tpu.region"() ({
        %run_scoped3A_416 = tpu.sem_alloc : memref<!tpu.dma_semaphore, #tpu.memory_space<semaphore_mem>>
        %dma_start3A_417 = arith.constant 0 : i32
        %dma_start3A_418 = arith.constant 0 : i32
        %dma_start3A_419 = tpu.memref_slice %arg8[%run_scoped3A_196, %dma_start3A_417, %dma_start3A_418] : memref<2x128x128xf32, #tpu.memory_space<vmem>> -> memref<1x128x128xf32, #tpu.memory_space<vmem>>
        %dma_start3A_420 = tpu.memref_squeeze %dma_start3A_419 : memref<1x128x128xf32, #tpu.memory_space<vmem>> -> memref<128x128xf32, #tpu.memory_space<vmem>>
        %dma_start3A_421 = arith.constant 0 : i32
        %dma_start3A_422 = tpu.memref_slice %arg7[%rem3A_173, %run_scoped3A_197, %dma_start3A_421] : memref<2x8x128xi32, #tpu.memory_space<vmem>> -> memref<1x1x128xi32, #tpu.memory_space<vmem>>
        %dma_start3A_423 = tpu.memref_squeeze %dma_start3A_422 : memref<1x1x128xi32, #tpu.memory_space<vmem>> -> memref<128xi32, #tpu.memory_space<vmem>>
        %dma_start3A_424 = arith.constant 0 : i32
        %dma_start3A_425 = arith.constant 0 : i32
        %dma_start3A_426 = tpu.memref_slice %arg11[%dma_start3A_424, %dma_start3A_425] : memref<10240x128xf32, #tpu.memory_space<vmem_shared>> -> memref<10240x128xf32, #tpu.memory_space<vmem_shared>>
        tpu.enqueue_indirect_dma source(%dma_start3A_420 : memref<128x128xf32, #tpu.memory_space<vmem>>) target(%dma_start3A_426 : memref<10240x128xf32, #tpu.memory_space<vmem_shared>>) offsets(%dma_start3A_423 : memref<128xi32, #tpu.memory_space<vmem>>) semaphore(%run_scoped3A_416 : memref<!tpu.dma_semaphore, #tpu.memory_space<semaphore_mem>>) {add = true}
        %dma_wait3A_427 = arith.constant 0 : i32
        %dma_wait3A_428 = arith.constant 0 : i32
        %dma_wait3A_429 = tpu.memref_slice %arg8[%run_scoped3A_196, %dma_wait3A_427, %dma_wait3A_428] : memref<2x128x128xf32, #tpu.memory_space<vmem>> -> memref<1x128x128xf32, #tpu.memory_space<vmem>>
        %dma_wait3A_430 = tpu.memref_squeeze %dma_wait3A_429 : memref<1x128x128xf32, #tpu.memory_space<vmem>> -> memref<128x128xf32, #tpu.memory_space<vmem>>
        %dma_wait3A_431 = arith.constant 0 : i32
        %dma_wait3A_432 = tpu.memref_slice %arg7[%rem3A_173, %run_scoped3A_197, %dma_wait3A_431] : memref<2x8x128xi32, #tpu.memory_space<vmem>> -> memref<1x1x128xi32, #tpu.memory_space<vmem>>
        %dma_wait3A_433 = tpu.memref_squeeze %dma_wait3A_432 : memref<1x1x128xi32, #tpu.memory_space<vmem>> -> memref<128xi32, #tpu.memory_space<vmem>>
        %dma_wait3A_434 = arith.constant 0 : i32
        %dma_wait3A_435 = arith.constant 0 : i32
        %dma_wait3A_436 = tpu.memref_slice %arg11[%dma_wait3A_434, %dma_wait3A_435] : memref<10240x128xf32, #tpu.memory_space<vmem_shared>> -> memref<10240x128xf32, #tpu.memory_space<vmem_shared>>
        tpu.wait_indirect_dma semaphore(%run_scoped3A_416 : memref<!tpu.dma_semaphore, #tpu.memory_space<semaphore_mem>>) src(%dma_wait3A_430 : memref<128x128xf32, #tpu.memory_space<vmem>>) dst(%dma_wait3A_436 : memref<10240x128xf32, #tpu.memory_space<vmem_shared>>)
        tpu.yield
      }) : () -> ()
      %dma_start3A_198 = arith.constant 2 : i32
      %dma_start3A_199 = arith.constant 0 : i32
      %dma_start3A_200 = arith.constant 0 : i32
      %dma_start3A_201 = arith.constant 0 : i32
      %dma_start3A_202 = arith.constant 0 : i32
      %dma_start3A_203 = tpu.memref_slice %arg8[%dma_start3A_199, %dma_start3A_201, %dma_start3A_202] : memref<2x128x128xf32, #tpu.memory_space<vmem>> -> memref<1x128x128xf32, #tpu.memory_space<vmem>>
      %dma_start3A_204 = tpu.memref_squeeze %dma_start3A_203 : memref<1x128x128xf32, #tpu.memory_space<vmem>> -> memref<128x128xf32, #tpu.memory_space<vmem>>
      %dma_start3A_205 = arith.constant 0 : i32
      %dma_start3A_206 = tpu.memref_slice %arg6[%rem3A_173, %dma_start3A_198, %dma_start3A_205] : memref<2x8x128xi32, #tpu.memory_space<vmem>> -> memref<1x1x128xi32, #tpu.memory_space<vmem>>
      %dma_start3A_207 = tpu.memref_squeeze %dma_start3A_206 : memref<1x1x128xi32, #tpu.memory_space<vmem>> -> memref<128xi32, #tpu.memory_space<vmem>>
      %dma_start3A_208 = arith.constant 0 : i32
      %dma_start3A_209 = arith.constant 0 : i32
      %dma_start3A_210 = tpu.memref_slice %arg2[%dma_start3A_208, %dma_start3A_209] : memref<10000x128xf32, #tpu.memory_space<hbm>> -> memref<10000x128xf32, #tpu.memory_space<hbm>>
      %dma_start3A_211 = tpu.memref_slice %arg9[%dma_start3A_200] : memref<2x!tpu.dma_semaphore, #tpu.memory_space<semaphore_mem>> -> memref<1x!tpu.dma_semaphore, #tpu.memory_space<semaphore_mem>>
      %dma_start3A_212 = tpu.memref_squeeze %dma_start3A_211 : memref<1x!tpu.dma_semaphore, #tpu.memory_space<semaphore_mem>> -> memref<!tpu.dma_semaphore, #tpu.memory_space<semaphore_mem>>
      tpu.enqueue_indirect_dma source(%dma_start3A_210 : memref<10000x128xf32, #tpu.memory_space<hbm>>) target(%dma_start3A_204 : memref<128x128xf32, #tpu.memory_space<vmem>>) offsets(%dma_start3A_207 : memref<128xi32, #tpu.memory_space<vmem>>) semaphore(%dma_start3A_212 : memref<!tpu.dma_semaphore, #tpu.memory_space<semaphore_mem>>)
      %dma_wait3A_213 = arith.constant 1 : i32
      %dma_wait3A_214 = arith.constant 1 : i32
      %dma_wait3A_215 = arith.constant 1 : i32
      %dma_wait3A_216 = arith.constant 0 : i32
      %dma_wait3A_217 = arith.constant 0 : i32
      %dma_wait3A_218 = tpu.memref_slice %arg8[%dma_wait3A_214, %dma_wait3A_216, %dma_wait3A_217] : memref<2x128x128xf32, #tpu.memory_space<vmem>> -> memref<1x128x128xf32, #tpu.memory_space<vmem>>
      %dma_wait3A_219 = tpu.memref_squeeze %dma_wait3A_218 : memref<1x128x128xf32, #tpu.memory_space<vmem>> -> memref<128x128xf32, #tpu.memory_space<vmem>>
      %dma_wait3A_220 = arith.constant 0 : i32
      %dma_wait3A_221 = tpu.memref_slice %arg6[%rem3A_173, %dma_wait3A_213, %dma_wait3A_220] : memref<2x8x128xi32, #tpu.memory_space<vmem>> -> memref<1x1x128xi32, #tpu.memory_space<vmem>>
      %dma_wait3A_222 = tpu.memref_squeeze %dma_wait3A_221 : memref<1x1x128xi32, #tpu.memory_space<vmem>> -> memref<128xi32, #tpu.memory_space<vmem>>
      %dma_wait3A_223 = arith.constant 0 : i32
      %dma_wait3A_224 = arith.constant 0 : i32
      %dma_wait3A_225 = tpu.memref_slice %arg2[%dma_wait3A_223, %dma_wait3A_224] : memref<10000x128xf32, #tpu.memory_space<hbm>> -> memref<10000x128xf32, #tpu.memory_space<hbm>>
      %dma_wait3A_226 = tpu.memref_slice %arg9[%dma_wait3A_215] : memref<2x!tpu.dma_semaphore, #tpu.memory_space<semaphore_mem>> -> memref<1x!tpu.dma_semaphore, #tpu.memory_space<semaphore_mem>>
      %dma_wait3A_227 = tpu.memref_squeeze %dma_wait3A_226 : memref<1x!tpu.dma_semaphore, #tpu.memory_space<semaphore_mem>> -> memref<!tpu.dma_semaphore, #tpu.memory_space<semaphore_mem>>
      tpu.wait_indirect_dma semaphore(%dma_wait3A_227 : memref<!tpu.dma_semaphore, #tpu.memory_space<semaphore_mem>>) src(%dma_wait3A_225 : memref<10000x128xf32, #tpu.memory_space<hbm>>) dst(%dma_wait3A_219 : memref<128x128xf32, #tpu.memory_space<vmem>>)
      %run_scoped3A_228 = arith.constant 1 : i32
      %run_scoped3A_229 = arith.constant 1 : i32
      "tpu.region"() ({
        %run_scoped3A_416 = tpu.sem_alloc : memref<!tpu.dma_semaphore, #tpu.memory_space<semaphore_mem>>
        %dma_start3A_417 = arith.constant 0 : i32
        %dma_start3A_418 = arith.constant 0 : i32
        %dma_start3A_419 = tpu.memref_slice %arg8[%run_scoped3A_228, %dma_start3A_417, %dma_start3A_418] : memref<2x128x128xf32, #tpu.memory_space<vmem>> -> memref<1x128x128xf32, #tpu.memory_space<vmem>>
        %dma_start3A_420 = tpu.memref_squeeze %dma_start3A_419 : memref<1x128x128xf32, #tpu.memory_space<vmem>> -> memref<128x128xf32, #tpu.memory_space<vmem>>
        %dma_start3A_421 = arith.constant 0 : i32
        %dma_start3A_422 = tpu.memref_slice %arg7[%rem3A_173, %run_scoped3A_229, %dma_start3A_421] : memref<2x8x128xi32, #tpu.memory_space<vmem>> -> memref<1x1x128xi32, #tpu.memory_space<vmem>>
        %dma_start3A_423 = tpu.memref_squeeze %dma_start3A_422 : memref<1x1x128xi32, #tpu.memory_space<vmem>> -> memref<128xi32, #tpu.memory_space<vmem>>
        %dma_start3A_424 = arith.constant 0 : i32
        %dma_start3A_425 = arith.constant 0 : i32
        %dma_start3A_426 = tpu.memref_slice %arg11[%dma_start3A_424, %dma_start3A_425] : memref<10240x128xf32, #tpu.memory_space<vmem_shared>> -> memref<10240x128xf32, #tpu.memory_space<vmem_shared>>
        tpu.enqueue_indirect_dma source(%dma_start3A_420 : memref<128x128xf32, #tpu.memory_space<vmem>>) target(%dma_start3A_426 : memref<10240x128xf32, #tpu.memory_space<vmem_shared>>) offsets(%dma_start3A_423 : memref<128xi32, #tpu.memory_space<vmem>>) semaphore(%run_scoped3A_416 : memref<!tpu.dma_semaphore, #tpu.memory_space<semaphore_mem>>) {add = true}
        %dma_wait3A_427 = arith.constant 0 : i32
        %dma_wait3A_428 = arith.constant 0 : i32
        %dma_wait3A_429 = tpu.memref_slice %arg8[%run_scoped3A_228, %dma_wait3A_427, %dma_wait3A_428] : memref<2x128x128xf32, #tpu.memory_space<vmem>> -> memref<1x128x128xf32, #tpu.memory_space<vmem>>
        %dma_wait3A_430 = tpu.memref_squeeze %dma_wait3A_429 : memref<1x128x128xf32, #tpu.memory_space<vmem>> -> memref<128x128xf32, #tpu.memory_space<vmem>>
        %dma_wait3A_431 = arith.constant 0 : i32
        %dma_wait3A_432 = tpu.memref_slice %arg7[%rem3A_173, %run_scoped3A_229, %dma_wait3A_431] : memref<2x8x128xi32, #tpu.memory_space<vmem>> -> memref<1x1x128xi32, #tpu.memory_space<vmem>>
        %dma_wait3A_433 = tpu.memref_squeeze %dma_wait3A_432 : memref<1x1x128xi32, #tpu.memory_space<vmem>> -> memref<128xi32, #tpu.memory_space<vmem>>
        %dma_wait3A_434 = arith.constant 0 : i32
        %dma_wait3A_435 = arith.constant 0 : i32
        %dma_wait3A_436 = tpu.memref_slice %arg11[%dma_wait3A_434, %dma_wait3A_435] : memref<10240x128xf32, #tpu.memory_space<vmem_shared>> -> memref<10240x128xf32, #tpu.memory_space<vmem_shared>>
        tpu.wait_indirect_dma semaphore(%run_scoped3A_416 : memref<!tpu.dma_semaphore, #tpu.memory_space<semaphore_mem>>) src(%dma_wait3A_430 : memref<128x128xf32, #tpu.memory_space<vmem>>) dst(%dma_wait3A_436 : memref<10240x128xf32, #tpu.memory_space<vmem_shared>>)
        tpu.yield
      }) : () -> ()
      %dma_start3A_230 = arith.constant 3 : i32
      %dma_start3A_231 = arith.constant 1 : i32
      %dma_start3A_232 = arith.constant 1 : i32
      %dma_start3A_233 = arith.constant 0 : i32
      %dma_start3A_234 = arith.constant 0 : i32
      %dma_start3A_235 = tpu.memref_slice %arg8[%dma_start3A_231, %dma_start3A_233, %dma_start3A_234] : memref<2x128x128xf32, #tpu.memory_space<vmem>> -> memref<1x128x128xf32, #tpu.memory_space<vmem>>
      %dma_start3A_236 = tpu.memref_squeeze %dma_start3A_235 : memref<1x128x128xf32, #tpu.memory_space<vmem>> -> memref<128x128xf32, #tpu.memory_space<vmem>>
      %dma_start3A_237 = arith.constant 0 : i32
      %dma_start3A_238 = tpu.memref_slice %arg6[%rem3A_173, %dma_start3A_230, %dma_start3A_237] : memref<2x8x128xi32, #tpu.memory_space<vmem>> -> memref<1x1x128xi32, #tpu.memory_space<vmem>>
      %dma_start3A_239 = tpu.memref_squeeze %dma_start3A_238 : memref<1x1x128xi32, #tpu.memory_space<vmem>> -> memref<128xi32, #tpu.memory_space<vmem>>
      %dma_start3A_240 = arith.constant 0 : i32
      %dma_start3A_241 = arith.constant 0 : i32
      %dma_start3A_242 = tpu.memref_slice %arg2[%dma_start3A_240, %dma_start3A_241] : memref<10000x128xf32, #tpu.memory_space<hbm>> -> memref<10000x128xf32, #tpu.memory_space<hbm>>
      %dma_start3A_243 = tpu.memref_slice %arg9[%dma_start3A_232] : memref<2x!tpu.dma_semaphore, #tpu.memory_space<semaphore_mem>> -> memref<1x!tpu.dma_semaphore, #tpu.memory_space<semaphore_mem>>
      %dma_start3A_244 = tpu.memref_squeeze %dma_start3A_243 : memref<1x!tpu.dma_semaphore, #tpu.memory_space<semaphore_mem>> -> memref<!tpu.dma_semaphore, #tpu.memory_space<semaphore_mem>>
      tpu.enqueue_indirect_dma source(%dma_start3A_242 : memref<10000x128xf32, #tpu.memory_space<hbm>>) target(%dma_start3A_236 : memref<128x128xf32, #tpu.memory_space<vmem>>) offsets(%dma_start3A_239 : memref<128xi32, #tpu.memory_space<vmem>>) semaphore(%dma_start3A_244 : memref<!tpu.dma_semaphore, #tpu.memory_space<semaphore_mem>>)
      %dma_wait3A_245 = arith.constant 2 : i32
      %dma_wait3A_246 = arith.constant 0 : i32
      %dma_wait3A_247 = arith.constant 0 : i32
      %dma_wait3A_248 = arith.constant 0 : i32
      %dma_wait3A_249 = arith.constant 0 : i32
      %dma_wait3A_250 = tpu.memref_slice %arg8[%dma_wait3A_246, %dma_wait3A_248, %dma_wait3A_249] : memref<2x128x128xf32, #tpu.memory_space<vmem>> -> memref<1x128x128xf32, #tpu.memory_space<vmem>>
      %dma_wait3A_251 = tpu.memref_squeeze %dma_wait3A_250 : memref<1x128x128xf32, #tpu.memory_space<vmem>> -> memref<128x128xf32, #tpu.memory_space<vmem>>
      %dma_wait3A_252 = arith.constant 0 : i32
      %dma_wait3A_253 = tpu.memref_slice %arg6[%rem3A_173, %dma_wait3A_245, %dma_wait3A_252] : memref<2x8x128xi32, #tpu.memory_space<vmem>> -> memref<1x1x128xi32, #tpu.memory_space<vmem>>
      %dma_wait3A_254 = tpu.memref_squeeze %dma_wait3A_253 : memref<1x1x128xi32, #tpu.memory_space<vmem>> -> memref<128xi32, #tpu.memory_space<vmem>>
      %dma_wait3A_255 = arith.constant 0 : i32
      %dma_wait3A_256 = arith.constant 0 : i32
      %dma_wait3A_257 = tpu.memref_slice %arg2[%dma_wait3A_255, %dma_wait3A_256] : memref<10000x128xf32, #tpu.memory_space<hbm>> -> memref<10000x128xf32, #tpu.memory_space<hbm>>
      %dma_wait3A_258 = tpu.memref_slice %arg9[%dma_wait3A_247] : memref<2x!tpu.dma_semaphore, #tpu.memory_space<semaphore_mem>> -> memref<1x!tpu.dma_semaphore, #tpu.memory_space<semaphore_mem>>
      %dma_wait3A_259 = tpu.memref_squeeze %dma_wait3A_258 : memref<1x!tpu.dma_semaphore, #tpu.memory_space<semaphore_mem>> -> memref<!tpu.dma_semaphore, #tpu.memory_space<semaphore_mem>>
      tpu.wait_indirect_dma semaphore(%dma_wait3A_259 : memref<!tpu.dma_semaphore, #tpu.memory_space<semaphore_mem>>) src(%dma_wait3A_257 : memref<10000x128xf32, #tpu.memory_space<hbm>>) dst(%dma_wait3A_251 : memref<128x128xf32, #tpu.memory_space<vmem>>)
      %run_scoped3A_260 = arith.constant 0 : i32
      %run_scoped3A_261 = arith.constant 2 : i32
      "tpu.region"() ({
        %run_scoped3A_416 = tpu.sem_alloc : memref<!tpu.dma_semaphore, #tpu.memory_space<semaphore_mem>>
        %dma_start3A_417 = arith.constant 0 : i32
        %dma_start3A_418 = arith.constant 0 : i32
        %dma_start3A_419 = tpu.memref_slice %arg8[%run_scoped3A_260, %dma_start3A_417, %dma_start3A_418] : memref<2x128x128xf32, #tpu.memory_space<vmem>> -> memref<1x128x128xf32, #tpu.memory_space<vmem>>
        %dma_start3A_420 = tpu.memref_squeeze %dma_start3A_419 : memref<1x128x128xf32, #tpu.memory_space<vmem>> -> memref<128x128xf32, #tpu.memory_space<vmem>>
        %dma_start3A_421 = arith.constant 0 : i32
        %dma_start3A_422 = tpu.memref_slice %arg7[%rem3A_173, %run_scoped3A_261, %dma_start3A_421] : memref<2x8x128xi32, #tpu.memory_space<vmem>> -> memref<1x1x128xi32, #tpu.memory_space<vmem>>
        %dma_start3A_423 = tpu.memref_squeeze %dma_start3A_422 : memref<1x1x128xi32, #tpu.memory_space<vmem>> -> memref<128xi32, #tpu.memory_space<vmem>>
        %dma_start3A_424 = arith.constant 0 : i32
        %dma_start3A_425 = arith.constant 0 : i32
        %dma_start3A_426 = tpu.memref_slice %arg11[%dma_start3A_424, %dma_start3A_425] : memref<10240x128xf32, #tpu.memory_space<vmem_shared>> -> memref<10240x128xf32, #tpu.memory_space<vmem_shared>>
        tpu.enqueue_indirect_dma source(%dma_start3A_420 : memref<128x128xf32, #tpu.memory_space<vmem>>) target(%dma_start3A_426 : memref<10240x128xf32, #tpu.memory_space<vmem_shared>>) offsets(%dma_start3A_423 : memref<128xi32, #tpu.memory_space<vmem>>) semaphore(%run_scoped3A_416 : memref<!tpu.dma_semaphore, #tpu.memory_space<semaphore_mem>>) {add = true}
        %dma_wait3A_427 = arith.constant 0 : i32
        %dma_wait3A_428 = arith.constant 0 : i32
        %dma_wait3A_429 = tpu.memref_slice %arg8[%run_scoped3A_260, %dma_wait3A_427, %dma_wait3A_428] : memref<2x128x128xf32, #tpu.memory_space<vmem>> -> memref<1x128x128xf32, #tpu.memory_space<vmem>>
        %dma_wait3A_430 = tpu.memref_squeeze %dma_wait3A_429 : memref<1x128x128xf32, #tpu.memory_space<vmem>> -> memref<128x128xf32, #tpu.memory_space<vmem>>
        %dma_wait3A_431 = arith.constant 0 : i32
        %dma_wait3A_432 = tpu.memref_slice %arg7[%rem3A_173, %run_scoped3A_261, %dma_wait3A_431] : memref<2x8x128xi32, #tpu.memory_space<vmem>> -> memref<1x1x128xi32, #tpu.memory_space<vmem>>
        %dma_wait3A_433 = tpu.memref_squeeze %dma_wait3A_432 : memref<1x1x128xi32, #tpu.memory_space<vmem>> -> memref<128xi32, #tpu.memory_space<vmem>>
        %dma_wait3A_434 = arith.constant 0 : i32
        %dma_wait3A_435 = arith.constant 0 : i32
        %dma_wait3A_436 = tpu.memref_slice %arg11[%dma_wait3A_434, %dma_wait3A_435] : memref<10240x128xf32, #tpu.memory_space<vmem_shared>> -> memref<10240x128xf32, #tpu.memory_space<vmem_shared>>
        tpu.wait_indirect_dma semaphore(%run_scoped3A_416 : memref<!tpu.dma_semaphore, #tpu.memory_space<semaphore_mem>>) src(%dma_wait3A_430 : memref<128x128xf32, #tpu.memory_space<vmem>>) dst(%dma_wait3A_436 : memref<10240x128xf32, #tpu.memory_space<vmem_shared>>)
        tpu.yield
      }) : () -> ()
      %dma_start3A_262 = arith.constant 4 : i32
      %dma_start3A_263 = arith.constant 0 : i32
      %dma_start3A_264 = arith.constant 0 : i32
      %dma_start3A_265 = arith.constant 0 : i32
      %dma_start3A_266 = arith.constant 0 : i32
      %dma_start3A_267 = tpu.memref_slice %arg8[%dma_start3A_263, %dma_start3A_265, %dma_start3A_266] : memref<2x128x128xf32, #tpu.memory_space<vmem>> -> memref<1x128x128xf32, #tpu.memory_space<vmem>>
      %dma_start3A_268 = tpu.memref_squeeze %dma_start3A_267 : memref<1x128x128xf32, #tpu.memory_space<vmem>> -> memref<128x128xf32, #tpu.memory_space<vmem>>
      %dma_start3A_269 = arith.constant 0 : i32
      %dma_start3A_270 = tpu.memref_slice %arg6[%rem3A_173, %dma_start3A_262, %dma_start3A_269] : memref<2x8x128xi32, #tpu.memory_space<vmem>> -> memref<1x1x128xi32, #tpu.memory_space<vmem>>
      %dma_start3A_271 = tpu.memref_squeeze %dma_start3A_270 : memref<1x1x128xi32, #tpu.memory_space<vmem>> -> memref<128xi32, #tpu.memory_space<vmem>>
      %dma_start3A_272 = arith.constant 0 : i32
      %dma_start3A_273 = arith.constant 0 : i32
      %dma_start3A_274 = tpu.memref_slice %arg2[%dma_start3A_272, %dma_start3A_273] : memref<10000x128xf32, #tpu.memory_space<hbm>> -> memref<10000x128xf32, #tpu.memory_space<hbm>>
      %dma_start3A_275 = tpu.memref_slice %arg9[%dma_start3A_264] : memref<2x!tpu.dma_semaphore, #tpu.memory_space<semaphore_mem>> -> memref<1x!tpu.dma_semaphore, #tpu.memory_space<semaphore_mem>>
      %dma_start3A_276 = tpu.memref_squeeze %dma_start3A_275 : memref<1x!tpu.dma_semaphore, #tpu.memory_space<semaphore_mem>> -> memref<!tpu.dma_semaphore, #tpu.memory_space<semaphore_mem>>
      tpu.enqueue_indirect_dma source(%dma_start3A_274 : memref<10000x128xf32, #tpu.memory_space<hbm>>) target(%dma_start3A_268 : memref<128x128xf32, #tpu.memory_space<vmem>>) offsets(%dma_start3A_271 : memref<128xi32, #tpu.memory_space<vmem>>) semaphore(%dma_start3A_276 : memref<!tpu.dma_semaphore, #tpu.memory_space<semaphore_mem>>)
      %dma_wait3A_277 = arith.constant 3 : i32
      %dma_wait3A_278 = arith.constant 1 : i32
      %dma_wait3A_279 = arith.constant 1 : i32
      %dma_wait3A_280 = arith.constant 0 : i32
      %dma_wait3A_281 = arith.constant 0 : i32
      %dma_wait3A_282 = tpu.memref_slice %arg8[%dma_wait3A_278, %dma_wait3A_280, %dma_wait3A_281] : memref<2x128x128xf32, #tpu.memory_space<vmem>> -> memref<1x128x128xf32, #tpu.memory_space<vmem>>
      %dma_wait3A_283 = tpu.memref_squeeze %dma_wait3A_282 : memref<1x128x128xf32, #tpu.memory_space<vmem>> -> memref<128x128xf32, #tpu.memory_space<vmem>>
      %dma_wait3A_284 = arith.constant 0 : i32
      %dma_wait3A_285 = tpu.memref_slice %arg6[%rem3A_173, %dma_wait3A_277, %dma_wait3A_284] : memref<2x8x128xi32, #tpu.memory_space<vmem>> -> memref<1x1x128xi32, #tpu.memory_space<vmem>>
      %dma_wait3A_286 = tpu.memref_squeeze %dma_wait3A_285 : memref<1x1x128xi32, #tpu.memory_space<vmem>> -> memref<128xi32, #tpu.memory_space<vmem>>
      %dma_wait3A_287 = arith.constant 0 : i32
      %dma_wait3A_288 = arith.constant 0 : i32
      %dma_wait3A_289 = tpu.memref_slice %arg2[%dma_wait3A_287, %dma_wait3A_288] : memref<10000x128xf32, #tpu.memory_space<hbm>> -> memref<10000x128xf32, #tpu.memory_space<hbm>>
      %dma_wait3A_290 = tpu.memref_slice %arg9[%dma_wait3A_279] : memref<2x!tpu.dma_semaphore, #tpu.memory_space<semaphore_mem>> -> memref<1x!tpu.dma_semaphore, #tpu.memory_space<semaphore_mem>>
      %dma_wait3A_291 = tpu.memref_squeeze %dma_wait3A_290 : memref<1x!tpu.dma_semaphore, #tpu.memory_space<semaphore_mem>> -> memref<!tpu.dma_semaphore, #tpu.memory_space<semaphore_mem>>
      tpu.wait_indirect_dma semaphore(%dma_wait3A_291 : memref<!tpu.dma_semaphore, #tpu.memory_space<semaphore_mem>>) src(%dma_wait3A_289 : memref<10000x128xf32, #tpu.memory_space<hbm>>) dst(%dma_wait3A_283 : memref<128x128xf32, #tpu.memory_space<vmem>>)
      %run_scoped3A_292 = arith.constant 1 : i32
      %run_scoped3A_293 = arith.constant 3 : i32
      "tpu.region"() ({
        %run_scoped3A_416 = tpu.sem_alloc : memref<!tpu.dma_semaphore, #tpu.memory_space<semaphore_mem>>
        %dma_start3A_417 = arith.constant 0 : i32
        %dma_start3A_418 = arith.constant 0 : i32
        %dma_start3A_419 = tpu.memref_slice %arg8[%run_scoped3A_292, %dma_start3A_417, %dma_start3A_418] : memref<2x128x128xf32, #tpu.memory_space<vmem>> -> memref<1x128x128xf32, #tpu.memory_space<vmem>>
        %dma_start3A_420 = tpu.memref_squeeze %dma_start3A_419 : memref<1x128x128xf32, #tpu.memory_space<vmem>> -> memref<128x128xf32, #tpu.memory_space<vmem>>
        %dma_start3A_421 = arith.constant 0 : i32
        %dma_start3A_422 = tpu.memref_slice %arg7[%rem3A_173, %run_scoped3A_293, %dma_start3A_421] : memref<2x8x128xi32, #tpu.memory_space<vmem>> -> memref<1x1x128xi32, #tpu.memory_space<vmem>>
        %dma_start3A_423 = tpu.memref_squeeze %dma_start3A_422 : memref<1x1x128xi32, #tpu.memory_space<vmem>> -> memref<128xi32, #tpu.memory_space<vmem>>
        %dma_start3A_424 = arith.constant 0 : i32
        %dma_start3A_425 = arith.constant 0 : i32
        %dma_start3A_426 = tpu.memref_slice %arg11[%dma_start3A_424, %dma_start3A_425] : memref<10240x128xf32, #tpu.memory_space<vmem_shared>> -> memref<10240x128xf32, #tpu.memory_space<vmem_shared>>
        tpu.enqueue_indirect_dma source(%dma_start3A_420 : memref<128x128xf32, #tpu.memory_space<vmem>>) target(%dma_start3A_426 : memref<10240x128xf32, #tpu.memory_space<vmem_shared>>) offsets(%dma_start3A_423 : memref<128xi32, #tpu.memory_space<vmem>>) semaphore(%run_scoped3A_416 : memref<!tpu.dma_semaphore, #tpu.memory_space<semaphore_mem>>) {add = true}
        %dma_wait3A_427 = arith.constant 0 : i32
        %dma_wait3A_428 = arith.constant 0 : i32
        %dma_wait3A_429 = tpu.memref_slice %arg8[%run_scoped3A_292, %dma_wait3A_427, %dma_wait3A_428] : memref<2x128x128xf32, #tpu.memory_space<vmem>> -> memref<1x128x128xf32, #tpu.memory_space<vmem>>
        %dma_wait3A_430 = tpu.memref_squeeze %dma_wait3A_429 : memref<1x128x128xf32, #tpu.memory_space<vmem>> -> memref<128x128xf32, #tpu.memory_space<vmem>>
        %dma_wait3A_431 = arith.constant 0 : i32
        %dma_wait3A_432 = tpu.memref_slice %arg7[%rem3A_173, %run_scoped3A_293, %dma_wait3A_431] : memref<2x8x128xi32, #tpu.memory_space<vmem>> -> memref<1x1x128xi32, #tpu.memory_space<vmem>>
        %dma_wait3A_433 = tpu.memref_squeeze %dma_wait3A_432 : memref<1x1x128xi32, #tpu.memory_space<vmem>> -> memref<128xi32, #tpu.memory_space<vmem>>
        %dma_wait3A_434 = arith.constant 0 : i32
        %dma_wait3A_435 = arith.constant 0 : i32
        %dma_wait3A_436 = tpu.memref_slice %arg11[%dma_wait3A_434, %dma_wait3A_435] : memref<10240x128xf32, #tpu.memory_space<vmem_shared>> -> memref<10240x128xf32, #tpu.memory_space<vmem_shared>>
        tpu.wait_indirect_dma semaphore(%run_scoped3A_416 : memref<!tpu.dma_semaphore, #tpu.memory_space<semaphore_mem>>) src(%dma_wait3A_430 : memref<128x128xf32, #tpu.memory_space<vmem>>) dst(%dma_wait3A_436 : memref<10240x128xf32, #tpu.memory_space<vmem_shared>>)
        tpu.yield
      }) : () -> ()
      %dma_start3A_294 = arith.constant 5 : i32
      %dma_start3A_295 = arith.constant 1 : i32
      %dma_start3A_296 = arith.constant 1 : i32
      %dma_start3A_297 = arith.constant 0 : i32
      %dma_start3A_298 = arith.constant 0 : i32
      %dma_start3A_299 = tpu.memref_slice %arg8[%dma_start3A_295, %dma_start3A_297, %dma_start3A_298] : memref<2x128x128xf32, #tpu.memory_space<vmem>> -> memref<1x128x128xf32, #tpu.memory_space<vmem>>
      %dma_start3A_300 = tpu.memref_squeeze %dma_start3A_299 : memref<1x128x128xf32, #tpu.memory_space<vmem>> -> memref<128x128xf32, #tpu.memory_space<vmem>>
      %dma_start3A_301 = arith.constant 0 : i32
      %dma_start3A_302 = tpu.memref_slice %arg6[%rem3A_173, %dma_start3A_294, %dma_start3A_301] : memref<2x8x128xi32, #tpu.memory_space<vmem>> -> memref<1x1x128xi32, #tpu.memory_space<vmem>>
      %dma_start3A_303 = tpu.memref_squeeze %dma_start3A_302 : memref<1x1x128xi32, #tpu.memory_space<vmem>> -> memref<128xi32, #tpu.memory_space<vmem>>
      %dma_start3A_304 = arith.constant 0 : i32
      %dma_start3A_305 = arith.constant 0 : i32
      %dma_start3A_306 = tpu.memref_slice %arg2[%dma_start3A_304, %dma_start3A_305] : memref<10000x128xf32, #tpu.memory_space<hbm>> -> memref<10000x128xf32, #tpu.memory_space<hbm>>
      %dma_start3A_307 = tpu.memref_slice %arg9[%dma_start3A_296] : memref<2x!tpu.dma_semaphore, #tpu.memory_space<semaphore_mem>> -> memref<1x!tpu.dma_semaphore, #tpu.memory_space<semaphore_mem>>
      %dma_start3A_308 = tpu.memref_squeeze %dma_start3A_307 : memref<1x!tpu.dma_semaphore, #tpu.memory_space<semaphore_mem>> -> memref<!tpu.dma_semaphore, #tpu.memory_space<semaphore_mem>>
      tpu.enqueue_indirect_dma source(%dma_start3A_306 : memref<10000x128xf32, #tpu.memory_space<hbm>>) target(%dma_start3A_300 : memref<128x128xf32, #tpu.memory_space<vmem>>) offsets(%dma_start3A_303 : memref<128xi32, #tpu.memory_space<vmem>>) semaphore(%dma_start3A_308 : memref<!tpu.dma_semaphore, #tpu.memory_space<semaphore_mem>>)
      %dma_wait3A_309 = arith.constant 4 : i32
      %dma_wait3A_310 = arith.constant 0 : i32
      %dma_wait3A_311 = arith.constant 0 : i32
      %dma_wait3A_312 = arith.constant 0 : i32
      %dma_wait3A_313 = arith.constant 0 : i32
      %dma_wait3A_314 = tpu.memref_slice %arg8[%dma_wait3A_310, %dma_wait3A_312, %dma_wait3A_313] : memref<2x128x128xf32, #tpu.memory_space<vmem>> -> memref<1x128x128xf32, #tpu.memory_space<vmem>>
      %dma_wait3A_315 = tpu.memref_squeeze %dma_wait3A_314 : memref<1x128x128xf32, #tpu.memory_space<vmem>> -> memref<128x128xf32, #tpu.memory_space<vmem>>
      %dma_wait3A_316 = arith.constant 0 : i32
      %dma_wait3A_317 = tpu.memref_slice %arg6[%rem3A_173, %dma_wait3A_309, %dma_wait3A_316] : memref<2x8x128xi32, #tpu.memory_space<vmem>> -> memref<1x1x128xi32, #tpu.memory_space<vmem>>
      %dma_wait3A_318 = tpu.memref_squeeze %dma_wait3A_317 : memref<1x1x128xi32, #tpu.memory_space<vmem>> -> memref<128xi32, #tpu.memory_space<vmem>>
      %dma_wait3A_319 = arith.constant 0 : i32
      %dma_wait3A_320 = arith.constant 0 : i32
      %dma_wait3A_321 = tpu.memref_slice %arg2[%dma_wait3A_319, %dma_wait3A_320] : memref<10000x128xf32, #tpu.memory_space<hbm>> -> memref<10000x128xf32, #tpu.memory_space<hbm>>
      %dma_wait3A_322 = tpu.memref_slice %arg9[%dma_wait3A_311] : memref<2x!tpu.dma_semaphore, #tpu.memory_space<semaphore_mem>> -> memref<1x!tpu.dma_semaphore, #tpu.memory_space<semaphore_mem>>
      %dma_wait3A_323 = tpu.memref_squeeze %dma_wait3A_322 : memref<1x!tpu.dma_semaphore, #tpu.memory_space<semaphore_mem>> -> memref<!tpu.dma_semaphore, #tpu.memory_space<semaphore_mem>>
      tpu.wait_indirect_dma semaphore(%dma_wait3A_323 : memref<!tpu.dma_semaphore, #tpu.memory_space<semaphore_mem>>) src(%dma_wait3A_321 : memref<10000x128xf32, #tpu.memory_space<hbm>>) dst(%dma_wait3A_315 : memref<128x128xf32, #tpu.memory_space<vmem>>)
      %run_scoped3A_324 = arith.constant 0 : i32
      %run_scoped3A_325 = arith.constant 4 : i32
      "tpu.region"() ({
        %run_scoped3A_416 = tpu.sem_alloc : memref<!tpu.dma_semaphore, #tpu.memory_space<semaphore_mem>>
        %dma_start3A_417 = arith.constant 0 : i32
        %dma_start3A_418 = arith.constant 0 : i32
        %dma_start3A_419 = tpu.memref_slice %arg8[%run_scoped3A_324, %dma_start3A_417, %dma_start3A_418] : memref<2x128x128xf32, #tpu.memory_space<vmem>> -> memref<1x128x128xf32, #tpu.memory_space<vmem>>
        %dma_start3A_420 = tpu.memref_squeeze %dma_start3A_419 : memref<1x128x128xf32, #tpu.memory_space<vmem>> -> memref<128x128xf32, #tpu.memory_space<vmem>>
        %dma_start3A_421 = arith.constant 0 : i32
        %dma_start3A_422 = tpu.memref_slice %arg7[%rem3A_173, %run_scoped3A_325, %dma_start3A_421] : memref<2x8x128xi32, #tpu.memory_space<vmem>> -> memref<1x1x128xi32, #tpu.memory_space<vmem>>
        %dma_start3A_423 = tpu.memref_squeeze %dma_start3A_422 : memref<1x1x128xi32, #tpu.memory_space<vmem>> -> memref<128xi32, #tpu.memory_space<vmem>>
        %dma_start3A_424 = arith.constant 0 : i32
        %dma_start3A_425 = arith.constant 0 : i32
        %dma_start3A_426 = tpu.memref_slice %arg11[%dma_start3A_424, %dma_start3A_425] : memref<10240x128xf32, #tpu.memory_space<vmem_shared>> -> memref<10240x128xf32, #tpu.memory_space<vmem_shared>>
        tpu.enqueue_indirect_dma source(%dma_start3A_420 : memref<128x128xf32, #tpu.memory_space<vmem>>) target(%dma_start3A_426 : memref<10240x128xf32, #tpu.memory_space<vmem_shared>>) offsets(%dma_start3A_423 : memref<128xi32, #tpu.memory_space<vmem>>) semaphore(%run_scoped3A_416 : memref<!tpu.dma_semaphore, #tpu.memory_space<semaphore_mem>>) {add = true}
        %dma_wait3A_427 = arith.constant 0 : i32
        %dma_wait3A_428 = arith.constant 0 : i32
        %dma_wait3A_429 = tpu.memref_slice %arg8[%run_scoped3A_324, %dma_wait3A_427, %dma_wait3A_428] : memref<2x128x128xf32, #tpu.memory_space<vmem>> -> memref<1x128x128xf32, #tpu.memory_space<vmem>>
        %dma_wait3A_430 = tpu.memref_squeeze %dma_wait3A_429 : memref<1x128x128xf32, #tpu.memory_space<vmem>> -> memref<128x128xf32, #tpu.memory_space<vmem>>
        %dma_wait3A_431 = arith.constant 0 : i32
        %dma_wait3A_432 = tpu.memref_slice %arg7[%rem3A_173, %run_scoped3A_325, %dma_wait3A_431] : memref<2x8x128xi32, #tpu.memory_space<vmem>> -> memref<1x1x128xi32, #tpu.memory_space<vmem>>
        %dma_wait3A_433 = tpu.memref_squeeze %dma_wait3A_432 : memref<1x1x128xi32, #tpu.memory_space<vmem>> -> memref<128xi32, #tpu.memory_space<vmem>>
        %dma_wait3A_434 = arith.constant 0 : i32
        %dma_wait3A_435 = arith.constant 0 : i32
        %dma_wait3A_436 = tpu.memref_slice %arg11[%dma_wait3A_434, %dma_wait3A_435] : memref<10240x128xf32, #tpu.memory_space<vmem_shared>> -> memref<10240x128xf32, #tpu.memory_space<vmem_shared>>
        tpu.wait_indirect_dma semaphore(%run_scoped3A_416 : memref<!tpu.dma_semaphore, #tpu.memory_space<semaphore_mem>>) src(%dma_wait3A_430 : memref<128x128xf32, #tpu.memory_space<vmem>>) dst(%dma_wait3A_436 : memref<10240x128xf32, #tpu.memory_space<vmem_shared>>)
        tpu.yield
      }) : () -> ()
      %dma_start3A_326 = arith.constant 6 : i32
      %dma_start3A_327 = arith.constant 0 : i32
      %dma_start3A_328 = arith.constant 0 : i32
      %dma_start3A_329 = arith.constant 0 : i32
      %dma_start3A_330 = arith.constant 0 : i32
      %dma_start3A_331 = tpu.memref_slice %arg8[%dma_start3A_327, %dma_start3A_329, %dma_start3A_330] : memref<2x128x128xf32, #tpu.memory_space<vmem>> -> memref<1x128x128xf32, #tpu.memory_space<vmem>>
      %dma_start3A_332 = tpu.memref_squeeze %dma_start3A_331 : memref<1x128x128xf32, #tpu.memory_space<vmem>> -> memref<128x128xf32, #tpu.memory_space<vmem>>
      %dma_start3A_333 = arith.constant 0 : i32
      %dma_start3A_334 = tpu.memref_slice %arg6[%rem3A_173, %dma_start3A_326, %dma_start3A_333] : memref<2x8x128xi32, #tpu.memory_space<vmem>> -> memref<1x1x128xi32, #tpu.memory_space<vmem>>
      %dma_start3A_335 = tpu.memref_squeeze %dma_start3A_334 : memref<1x1x128xi32, #tpu.memory_space<vmem>> -> memref<128xi32, #tpu.memory_space<vmem>>
      %dma_start3A_336 = arith.constant 0 : i32
      %dma_start3A_337 = arith.constant 0 : i32
      %dma_start3A_338 = tpu.memref_slice %arg2[%dma_start3A_336, %dma_start3A_337] : memref<10000x128xf32, #tpu.memory_space<hbm>> -> memref<10000x128xf32, #tpu.memory_space<hbm>>
      %dma_start3A_339 = tpu.memref_slice %arg9[%dma_start3A_328] : memref<2x!tpu.dma_semaphore, #tpu.memory_space<semaphore_mem>> -> memref<1x!tpu.dma_semaphore, #tpu.memory_space<semaphore_mem>>
      %dma_start3A_340 = tpu.memref_squeeze %dma_start3A_339 : memref<1x!tpu.dma_semaphore, #tpu.memory_space<semaphore_mem>> -> memref<!tpu.dma_semaphore, #tpu.memory_space<semaphore_mem>>
      tpu.enqueue_indirect_dma source(%dma_start3A_338 : memref<10000x128xf32, #tpu.memory_space<hbm>>) target(%dma_start3A_332 : memref<128x128xf32, #tpu.memory_space<vmem>>) offsets(%dma_start3A_335 : memref<128xi32, #tpu.memory_space<vmem>>) semaphore(%dma_start3A_340 : memref<!tpu.dma_semaphore, #tpu.memory_space<semaphore_mem>>)
      %dma_wait3A_341 = arith.constant 5 : i32
      %dma_wait3A_342 = arith.constant 1 : i32
      %dma_wait3A_343 = arith.constant 1 : i32
      %dma_wait3A_344 = arith.constant 0 : i32
      %dma_wait3A_345 = arith.constant 0 : i32
      %dma_wait3A_346 = tpu.memref_slice %arg8[%dma_wait3A_342, %dma_wait3A_344, %dma_wait3A_345] : memref<2x128x128xf32, #tpu.memory_space<vmem>> -> memref<1x128x128xf32, #tpu.memory_space<vmem>>
      %dma_wait3A_347 = tpu.memref_squeeze %dma_wait3A_346 : memref<1x128x128xf32, #tpu.memory_space<vmem>> -> memref<128x128xf32, #tpu.memory_space<vmem>>
      %dma_wait3A_348 = arith.constant 0 : i32
      %dma_wait3A_349 = tpu.memref_slice %arg6[%rem3A_173, %dma_wait3A_341, %dma_wait3A_348] : memref<2x8x128xi32, #tpu.memory_space<vmem>> -> memref<1x1x128xi32, #tpu.memory_space<vmem>>
      %dma_wait3A_350 = tpu.memref_squeeze %dma_wait3A_349 : memref<1x1x128xi32, #tpu.memory_space<vmem>> -> memref<128xi32, #tpu.memory_space<vmem>>
      %dma_wait3A_351 = arith.constant 0 : i32
      %dma_wait3A_352 = arith.constant 0 : i32
      %dma_wait3A_353 = tpu.memref_slice %arg2[%dma_wait3A_351, %dma_wait3A_352] : memref<10000x128xf32, #tpu.memory_space<hbm>> -> memref<10000x128xf32, #tpu.memory_space<hbm>>
      %dma_wait3A_354 = tpu.memref_slice %arg9[%dma_wait3A_343] : memref<2x!tpu.dma_semaphore, #tpu.memory_space<semaphore_mem>> -> memref<1x!tpu.dma_semaphore, #tpu.memory_space<semaphore_mem>>
      %dma_wait3A_355 = tpu.memref_squeeze %dma_wait3A_354 : memref<1x!tpu.dma_semaphore, #tpu.memory_space<semaphore_mem>> -> memref<!tpu.dma_semaphore, #tpu.memory_space<semaphore_mem>>
      tpu.wait_indirect_dma semaphore(%dma_wait3A_355 : memref<!tpu.dma_semaphore, #tpu.memory_space<semaphore_mem>>) src(%dma_wait3A_353 : memref<10000x128xf32, #tpu.memory_space<hbm>>) dst(%dma_wait3A_347 : memref<128x128xf32, #tpu.memory_space<vmem>>)
      %run_scoped3A_356 = arith.constant 1 : i32
      %run_scoped3A_357 = arith.constant 5 : i32
      "tpu.region"() ({
        %run_scoped3A_416 = tpu.sem_alloc : memref<!tpu.dma_semaphore, #tpu.memory_space<semaphore_mem>>
        %dma_start3A_417 = arith.constant 0 : i32
        %dma_start3A_418 = arith.constant 0 : i32
        %dma_start3A_419 = tpu.memref_slice %arg8[%run_scoped3A_356, %dma_start3A_417, %dma_start3A_418] : memref<2x128x128xf32, #tpu.memory_space<vmem>> -> memref<1x128x128xf32, #tpu.memory_space<vmem>>
        %dma_start3A_420 = tpu.memref_squeeze %dma_start3A_419 : memref<1x128x128xf32, #tpu.memory_space<vmem>> -> memref<128x128xf32, #tpu.memory_space<vmem>>
        %dma_start3A_421 = arith.constant 0 : i32
        %dma_start3A_422 = tpu.memref_slice %arg7[%rem3A_173, %run_scoped3A_357, %dma_start3A_421] : memref<2x8x128xi32, #tpu.memory_space<vmem>> -> memref<1x1x128xi32, #tpu.memory_space<vmem>>
        %dma_start3A_423 = tpu.memref_squeeze %dma_start3A_422 : memref<1x1x128xi32, #tpu.memory_space<vmem>> -> memref<128xi32, #tpu.memory_space<vmem>>
        %dma_start3A_424 = arith.constant 0 : i32
        %dma_start3A_425 = arith.constant 0 : i32
        %dma_start3A_426 = tpu.memref_slice %arg11[%dma_start3A_424, %dma_start3A_425] : memref<10240x128xf32, #tpu.memory_space<vmem_shared>> -> memref<10240x128xf32, #tpu.memory_space<vmem_shared>>
        tpu.enqueue_indirect_dma source(%dma_start3A_420 : memref<128x128xf32, #tpu.memory_space<vmem>>) target(%dma_start3A_426 : memref<10240x128xf32, #tpu.memory_space<vmem_shared>>) offsets(%dma_start3A_423 : memref<128xi32, #tpu.memory_space<vmem>>) semaphore(%run_scoped3A_416 : memref<!tpu.dma_semaphore, #tpu.memory_space<semaphore_mem>>) {add = true}
        %dma_wait3A_427 = arith.constant 0 : i32
        %dma_wait3A_428 = arith.constant 0 : i32
        %dma_wait3A_429 = tpu.memref_slice %arg8[%run_scoped3A_356, %dma_wait3A_427, %dma_wait3A_428] : memref<2x128x128xf32, #tpu.memory_space<vmem>> -> memref<1x128x128xf32, #tpu.memory_space<vmem>>
        %dma_wait3A_430 = tpu.memref_squeeze %dma_wait3A_429 : memref<1x128x128xf32, #tpu.memory_space<vmem>> -> memref<128x128xf32, #tpu.memory_space<vmem>>
        %dma_wait3A_431 = arith.constant 0 : i32
        %dma_wait3A_432 = tpu.memref_slice %arg7[%rem3A_173, %run_scoped3A_357, %dma_wait3A_431] : memref<2x8x128xi32, #tpu.memory_space<vmem>> -> memref<1x1x128xi32, #tpu.memory_space<vmem>>
        %dma_wait3A_433 = tpu.memref_squeeze %dma_wait3A_432 : memref<1x1x128xi32, #tpu.memory_space<vmem>> -> memref<128xi32, #tpu.memory_space<vmem>>
        %dma_wait3A_434 = arith.constant 0 : i32
        %dma_wait3A_435 = arith.constant 0 : i32
        %dma_wait3A_436 = tpu.memref_slice %arg11[%dma_wait3A_434, %dma_wait3A_435] : memref<10240x128xf32, #tpu.memory_space<vmem_shared>> -> memref<10240x128xf32, #tpu.memory_space<vmem_shared>>
        tpu.wait_indirect_dma semaphore(%run_scoped3A_416 : memref<!tpu.dma_semaphore, #tpu.memory_space<semaphore_mem>>) src(%dma_wait3A_430 : memref<128x128xf32, #tpu.memory_space<vmem>>) dst(%dma_wait3A_436 : memref<10240x128xf32, #tpu.memory_space<vmem_shared>>)
        tpu.yield
      }) : () -> ()
      %dma_start3A_358 = arith.constant 7 : i32
      %dma_start3A_359 = arith.constant 1 : i32
      %dma_start3A_360 = arith.constant 1 : i32
      %dma_start3A_361 = arith.constant 0 : i32
      %dma_start3A_362 = arith.constant 0 : i32
      %dma_start3A_363 = tpu.memref_slice %arg8[%dma_start3A_359, %dma_start3A_361, %dma_start3A_362] : memref<2x128x128xf32, #tpu.memory_space<vmem>> -> memref<1x128x128xf32, #tpu.memory_space<vmem>>
      %dma_start3A_364 = tpu.memref_squeeze %dma_start3A_363 : memref<1x128x128xf32, #tpu.memory_space<vmem>> -> memref<128x128xf32, #tpu.memory_space<vmem>>
      %dma_start3A_365 = arith.constant 0 : i32
      %dma_start3A_366 = tpu.memref_slice %arg6[%rem3A_173, %dma_start3A_358, %dma_start3A_365] : memref<2x8x128xi32, #tpu.memory_space<vmem>> -> memref<1x1x128xi32, #tpu.memory_space<vmem>>
      %dma_start3A_367 = tpu.memref_squeeze %dma_start3A_366 : memref<1x1x128xi32, #tpu.memory_space<vmem>> -> memref<128xi32, #tpu.memory_space<vmem>>
      %dma_start3A_368 = arith.constant 0 : i32
      %dma_start3A_369 = arith.constant 0 : i32
      %dma_start3A_370 = tpu.memref_slice %arg2[%dma_start3A_368, %dma_start3A_369] : memref<10000x128xf32, #tpu.memory_space<hbm>> -> memref<10000x128xf32, #tpu.memory_space<hbm>>
      %dma_start3A_371 = tpu.memref_slice %arg9[%dma_start3A_360] : memref<2x!tpu.dma_semaphore, #tpu.memory_space<semaphore_mem>> -> memref<1x!tpu.dma_semaphore, #tpu.memory_space<semaphore_mem>>
      %dma_start3A_372 = tpu.memref_squeeze %dma_start3A_371 : memref<1x!tpu.dma_semaphore, #tpu.memory_space<semaphore_mem>> -> memref<!tpu.dma_semaphore, #tpu.memory_space<semaphore_mem>>
      tpu.enqueue_indirect_dma source(%dma_start3A_370 : memref<10000x128xf32, #tpu.memory_space<hbm>>) target(%dma_start3A_364 : memref<128x128xf32, #tpu.memory_space<vmem>>) offsets(%dma_start3A_367 : memref<128xi32, #tpu.memory_space<vmem>>) semaphore(%dma_start3A_372 : memref<!tpu.dma_semaphore, #tpu.memory_space<semaphore_mem>>)
      %dma_wait3A_373 = arith.constant 6 : i32
      %dma_wait3A_374 = arith.constant 0 : i32
      %dma_wait3A_375 = arith.constant 0 : i32
      %dma_wait3A_376 = arith.constant 0 : i32
      %dma_wait3A_377 = arith.constant 0 : i32
      %dma_wait3A_378 = tpu.memref_slice %arg8[%dma_wait3A_374, %dma_wait3A_376, %dma_wait3A_377] : memref<2x128x128xf32, #tpu.memory_space<vmem>> -> memref<1x128x128xf32, #tpu.memory_space<vmem>>
      %dma_wait3A_379 = tpu.memref_squeeze %dma_wait3A_378 : memref<1x128x128xf32, #tpu.memory_space<vmem>> -> memref<128x128xf32, #tpu.memory_space<vmem>>
      %dma_wait3A_380 = arith.constant 0 : i32
      %dma_wait3A_381 = tpu.memref_slice %arg6[%rem3A_173, %dma_wait3A_373, %dma_wait3A_380] : memref<2x8x128xi32, #tpu.memory_space<vmem>> -> memref<1x1x128xi32, #tpu.memory_space<vmem>>
      %dma_wait3A_382 = tpu.memref_squeeze %dma_wait3A_381 : memref<1x1x128xi32, #tpu.memory_space<vmem>> -> memref<128xi32, #tpu.memory_space<vmem>>
      %dma_wait3A_383 = arith.constant 0 : i32
      %dma_wait3A_384 = arith.constant 0 : i32
      %dma_wait3A_385 = tpu.memref_slice %arg2[%dma_wait3A_383, %dma_wait3A_384] : memref<10000x128xf32, #tpu.memory_space<hbm>> -> memref<10000x128xf32, #tpu.memory_space<hbm>>
      %dma_wait3A_386 = tpu.memref_slice %arg9[%dma_wait3A_375] : memref<2x!tpu.dma_semaphore, #tpu.memory_space<semaphore_mem>> -> memref<1x!tpu.dma_semaphore, #tpu.memory_space<semaphore_mem>>
      %dma_wait3A_387 = tpu.memref_squeeze %dma_wait3A_386 : memref<1x!tpu.dma_semaphore, #tpu.memory_space<semaphore_mem>> -> memref<!tpu.dma_semaphore, #tpu.memory_space<semaphore_mem>>
      tpu.wait_indirect_dma semaphore(%dma_wait3A_387 : memref<!tpu.dma_semaphore, #tpu.memory_space<semaphore_mem>>) src(%dma_wait3A_385 : memref<10000x128xf32, #tpu.memory_space<hbm>>) dst(%dma_wait3A_379 : memref<128x128xf32, #tpu.memory_space<vmem>>)
      %run_scoped3A_388 = arith.constant 0 : i32
      %run_scoped3A_389 = arith.constant 6 : i32
      "tpu.region"() ({
        %run_scoped3A_416 = tpu.sem_alloc : memref<!tpu.dma_semaphore, #tpu.memory_space<semaphore_mem>>
        %dma_start3A_417 = arith.constant 0 : i32
        %dma_start3A_418 = arith.constant 0 : i32
        %dma_start3A_419 = tpu.memref_slice %arg8[%run_scoped3A_388, %dma_start3A_417, %dma_start3A_418] : memref<2x128x128xf32, #tpu.memory_space<vmem>> -> memref<1x128x128xf32, #tpu.memory_space<vmem>>
        %dma_start3A_420 = tpu.memref_squeeze %dma_start3A_419 : memref<1x128x128xf32, #tpu.memory_space<vmem>> -> memref<128x128xf32, #tpu.memory_space<vmem>>
        %dma_start3A_421 = arith.constant 0 : i32
        %dma_start3A_422 = tpu.memref_slice %arg7[%rem3A_173, %run_scoped3A_389, %dma_start3A_421] : memref<2x8x128xi32, #tpu.memory_space<vmem>> -> memref<1x1x128xi32, #tpu.memory_space<vmem>>
        %dma_start3A_423 = tpu.memref_squeeze %dma_start3A_422 : memref<1x1x128xi32, #tpu.memory_space<vmem>> -> memref<128xi32, #tpu.memory_space<vmem>>
        %dma_start3A_424 = arith.constant 0 : i32
        %dma_start3A_425 = arith.constant 0 : i32
        %dma_start3A_426 = tpu.memref_slice %arg11[%dma_start3A_424, %dma_start3A_425] : memref<10240x128xf32, #tpu.memory_space<vmem_shared>> -> memref<10240x128xf32, #tpu.memory_space<vmem_shared>>
        tpu.enqueue_indirect_dma source(%dma_start3A_420 : memref<128x128xf32, #tpu.memory_space<vmem>>) target(%dma_start3A_426 : memref<10240x128xf32, #tpu.memory_space<vmem_shared>>) offsets(%dma_start3A_423 : memref<128xi32, #tpu.memory_space<vmem>>) semaphore(%run_scoped3A_416 : memref<!tpu.dma_semaphore, #tpu.memory_space<semaphore_mem>>) {add = true}
        %dma_wait3A_427 = arith.constant 0 : i32
        %dma_wait3A_428 = arith.constant 0 : i32
        %dma_wait3A_429 = tpu.memref_slice %arg8[%run_scoped3A_388, %dma_wait3A_427, %dma_wait3A_428] : memref<2x128x128xf32, #tpu.memory_space<vmem>> -> memref<1x128x128xf32, #tpu.memory_space<vmem>>
        %dma_wait3A_430 = tpu.memref_squeeze %dma_wait3A_429 : memref<1x128x128xf32, #tpu.memory_space<vmem>> -> memref<128x128xf32, #tpu.memory_space<vmem>>
        %dma_wait3A_431 = arith.constant 0 : i32
        %dma_wait3A_432 = tpu.memref_slice %arg7[%rem3A_173, %run_scoped3A_389, %dma_wait3A_431] : memref<2x8x128xi32, #tpu.memory_space<vmem>> -> memref<1x1x128xi32, #tpu.memory_space<vmem>>
        %dma_wait3A_433 = tpu.memref_squeeze %dma_wait3A_432 : memref<1x1x128xi32, #tpu.memory_space<vmem>> -> memref<128xi32, #tpu.memory_space<vmem>>
        %dma_wait3A_434 = arith.constant 0 : i32
        %dma_wait3A_435 = arith.constant 0 : i32
        %dma_wait3A_436 = tpu.memref_slice %arg11[%dma_wait3A_434, %dma_wait3A_435] : memref<10240x128xf32, #tpu.memory_space<vmem_shared>> -> memref<10240x128xf32, #tpu.memory_space<vmem_shared>>
        tpu.wait_indirect_dma semaphore(%run_scoped3A_416 : memref<!tpu.dma_semaphore, #tpu.memory_space<semaphore_mem>>) src(%dma_wait3A_430 : memref<128x128xf32, #tpu.memory_space<vmem>>) dst(%dma_wait3A_436 : memref<10240x128xf32, #tpu.memory_space<vmem_shared>>)
        tpu.yield
      }) : () -> ()
      %convert_element_type3A_390 = arith.extui %lt3A : i1 to i32
      %cond3A_391 = arith.constant 0 : i32
      %cond3A_392 = arith.cmpi ne, %convert_element_type3A_390, %cond3A_391 : i32
      scf.if %cond3A_392 {
        %dma_wait3A_416 = arith.constant 0 : i32
        %dma_wait3A_417 = arith.constant 0 : i32
        %dma_wait3A_418 = tpu.memref_slice %arg6[%rem3A_177, %dma_wait3A_416, %dma_wait3A_417] : memref<2x8x128xi32, #tpu.memory_space<vmem>> -> memref<1x8x128xi32, #tpu.memory_space<vmem>>
        %dma_wait3A_419 = tpu.memref_squeeze %dma_wait3A_418 : memref<1x8x128xi32, #tpu.memory_space<vmem>> -> memref<8x128xi32, #tpu.memory_space<vmem>>
        %dma_wait3A_420 = arith.constant 0 : i32
        %dma_wait3A_421 = arith.constant 0 : i32
        %dma_wait3A_422 = tpu.memref_slice %arg3[%add3A, %dma_wait3A_420, %dma_wait3A_421] : memref<32x80x128xi32, #tpu.memory_space<hbm>> -> memref<1x8x128xi32, #tpu.memory_space<hbm>>
        %dma_wait3A_423 = tpu.memref_squeeze %dma_wait3A_422 : memref<1x8x128xi32, #tpu.memory_space<hbm>> -> memref<8x128xi32, #tpu.memory_space<hbm>>
        %dma_wait3A_424 = tpu.memref_slice %arg10[%rem3A_177] : memref<2x!tpu.dma_semaphore, #tpu.memory_space<semaphore_mem>> -> memref<1x!tpu.dma_semaphore, #tpu.memory_space<semaphore_mem>>
        %dma_wait3A_425 = tpu.memref_squeeze %dma_wait3A_424 : memref<1x!tpu.dma_semaphore, #tpu.memory_space<semaphore_mem>> -> memref<!tpu.dma_semaphore, #tpu.memory_space<semaphore_mem>>
        %dma_wait3A_426 = arith.constant 0 : i32
        %dma_wait3A_427 = arith.constant 0 : i32
        %dma_wait3A_428 = tpu.memref_slice %arg6[%rem3A_177, %dma_wait3A_426, %dma_wait3A_427] : memref<2x8x128xi32, #tpu.memory_space<vmem>> -> memref<1x8x128xi32, #tpu.memory_space<vmem>>
        %dma_wait3A_429 = tpu.memref_squeeze %dma_wait3A_428 : memref<1x8x128xi32, #tpu.memory_space<vmem>> -> memref<8x128xi32, #tpu.memory_space<vmem>>
        %dma_wait3A_430 = arith.constant 0 : i32
        %dma_wait3A_431 = arith.constant 0 : i32
        %dma_wait3A_432 = tpu.memref_slice %arg3[%add3A, %dma_wait3A_430, %dma_wait3A_431] : memref<32x80x128xi32, #tpu.memory_space<hbm>> -> memref<1x8x128xi32, #tpu.memory_space<hbm>>
        %dma_wait3A_433 = tpu.memref_squeeze %dma_wait3A_432 : memref<1x8x128xi32, #tpu.memory_space<hbm>> -> memref<8x128xi32, #tpu.memory_space<hbm>>
        tpu.wait_dma2 semaphore(%dma_wait3A_425 : memref<!tpu.dma_semaphore, #tpu.memory_space<semaphore_mem>>) src(%dma_wait3A_433 : memref<8x128xi32, #tpu.memory_space<hbm>>) dst(%dma_wait3A_429 : memref<8x128xi32, #tpu.memory_space<vmem>>)
        %dma_wait3A_434 = arith.constant 0 : i32
        %dma_wait3A_435 = arith.constant 0 : i32
        %dma_wait3A_436 = tpu.memref_slice %arg7[%rem3A_177, %dma_wait3A_434, %dma_wait3A_435] : memref<2x8x128xi32, #tpu.memory_space<vmem>> -> memref<1x8x128xi32, #tpu.memory_space<vmem>>
        %dma_wait3A_437 = tpu.memref_squeeze %dma_wait3A_436 : memref<1x8x128xi32, #tpu.memory_space<vmem>> -> memref<8x128xi32, #tpu.memory_space<vmem>>
        %dma_wait3A_438 = arith.constant 0 : i32
        %dma_wait3A_439 = arith.constant 0 : i32
        %dma_wait3A_440 = tpu.memref_slice %arg4[%add3A, %dma_wait3A_438, %dma_wait3A_439] : memref<32x80x128xi32, #tpu.memory_space<hbm>> -> memref<1x8x128xi32, #tpu.memory_space<hbm>>
        %dma_wait3A_441 = tpu.memref_squeeze %dma_wait3A_440 : memref<1x8x128xi32, #tpu.memory_space<hbm>> -> memref<8x128xi32, #tpu.memory_space<hbm>>
        %dma_wait3A_442 = tpu.memref_slice %arg10[%rem3A_177] : memref<2x!tpu.dma_semaphore, #tpu.memory_space<semaphore_mem>> -> memref<1x!tpu.dma_semaphore, #tpu.memory_space<semaphore_mem>>
        %dma_wait3A_443 = tpu.memref_squeeze %dma_wait3A_442 : memref<1x!tpu.dma_semaphore, #tpu.memory_space<semaphore_mem>> -> memref<!tpu.dma_semaphore, #tpu.memory_space<semaphore_mem>>
        %dma_wait3A_444 = arith.constant 0 : i32
        %dma_wait3A_445 = arith.constant 0 : i32
        %dma_wait3A_446 = tpu.memref_slice %arg7[%rem3A_177, %dma_wait3A_444, %dma_wait3A_445] : memref<2x8x128xi32, #tpu.memory_space<vmem>> -> memref<1x8x128xi32, #tpu.memory_space<vmem>>
        %dma_wait3A_447 = tpu.memref_squeeze %dma_wait3A_446 : memref<1x8x128xi32, #tpu.memory_space<vmem>> -> memref<8x128xi32, #tpu.memory_space<vmem>>
        %dma_wait3A_448 = arith.constant 0 : i32
        %dma_wait3A_449 = arith.constant 0 : i32
        %dma_wait3A_450 = tpu.memref_slice %arg4[%add3A, %dma_wait3A_448, %dma_wait3A_449] : memref<32x80x128xi32, #tpu.memory_space<hbm>> -> memref<1x8x128xi32, #tpu.memory_space<hbm>>
        %dma_wait3A_451 = tpu.memref_squeeze %dma_wait3A_450 : memref<1x8x128xi32, #tpu.memory_space<hbm>> -> memref<8x128xi32, #tpu.memory_space<hbm>>
        tpu.wait_dma2 semaphore(%dma_wait3A_443 : memref<!tpu.dma_semaphore, #tpu.memory_space<semaphore_mem>>) src(%dma_wait3A_451 : memref<8x128xi32, #tpu.memory_space<hbm>>) dst(%dma_wait3A_447 : memref<8x128xi32, #tpu.memory_space<vmem>>)
      } else {
      }
      %convert_element_type3A_393 = arith.extui %lt3A : i1 to i32
      %cond3A_394 = arith.constant 0 : i32
      %cond3A_395 = arith.cmpi ne, %convert_element_type3A_393, %cond3A_394 : i32
      scf.if %cond3A_395 {
        %dma_start3A_416 = arith.constant 0 : i32
        %dma_start3A_417 = arith.constant 0 : i32
        %dma_start3A_418 = arith.constant 0 : i32
        %dma_start3A_419 = arith.constant 0 : i32
        %dma_start3A_420 = arith.constant 0 : i32
        %dma_start3A_421 = tpu.memref_slice %arg8[%dma_start3A_417, %dma_start3A_419, %dma_start3A_420] : memref<2x128x128xf32, #tpu.memory_space<vmem>> -> memref<1x128x128xf32, #tpu.memory_space<vmem>>
        %dma_start3A_422 = tpu.memref_squeeze %dma_start3A_421 : memref<1x128x128xf32, #tpu.memory_space<vmem>> -> memref<128x128xf32, #tpu.memory_space<vmem>>
        %dma_start3A_423 = arith.constant 0 : i32
        %dma_start3A_424 = tpu.memref_slice %arg6[%rem3A_177, %dma_start3A_416, %dma_start3A_423] : memref<2x8x128xi32, #tpu.memory_space<vmem>> -> memref<1x1x128xi32, #tpu.memory_space<vmem>>
        %dma_start3A_425 = tpu.memref_squeeze %dma_start3A_424 : memref<1x1x128xi32, #tpu.memory_space<vmem>> -> memref<128xi32, #tpu.memory_space<vmem>>
        %dma_start3A_426 = arith.constant 0 : i32
        %dma_start3A_427 = arith.constant 0 : i32
        %dma_start3A_428 = tpu.memref_slice %arg2[%dma_start3A_426, %dma_start3A_427] : memref<10000x128xf32, #tpu.memory_space<hbm>> -> memref<10000x128xf32, #tpu.memory_space<hbm>>
        %dma_start3A_429 = tpu.memref_slice %arg9[%dma_start3A_418] : memref<2x!tpu.dma_semaphore, #tpu.memory_space<semaphore_mem>> -> memref<1x!tpu.dma_semaphore, #tpu.memory_space<semaphore_mem>>
        %dma_start3A_430 = tpu.memref_squeeze %dma_start3A_429 : memref<1x!tpu.dma_semaphore, #tpu.memory_space<semaphore_mem>> -> memref<!tpu.dma_semaphore, #tpu.memory_space<semaphore_mem>>
        tpu.enqueue_indirect_dma source(%dma_start3A_428 : memref<10000x128xf32, #tpu.memory_space<hbm>>) target(%dma_start3A_422 : memref<128x128xf32, #tpu.memory_space<vmem>>) offsets(%dma_start3A_425 : memref<128xi32, #tpu.memory_space<vmem>>) semaphore(%dma_start3A_430 : memref<!tpu.dma_semaphore, #tpu.memory_space<semaphore_mem>>)
      } else {
      }
      %dma_wait3A_396 = arith.constant 7 : i32
      %dma_wait3A_397 = arith.constant 1 : i32
      %dma_wait3A_398 = arith.constant 1 : i32
      %dma_wait3A_399 = arith.constant 0 : i32
      %dma_wait3A_400 = arith.constant 0 : i32
      %dma_wait3A_401 = tpu.memref_slice %arg8[%dma_wait3A_397, %dma_wait3A_399, %dma_wait3A_400] : memref<2x128x128xf32, #tpu.memory_space<vmem>> -> memref<1x128x128xf32, #tpu.memory_space<vmem>>
      %dma_wait3A_402 = tpu.memref_squeeze %dma_wait3A_401 : memref<1x128x128xf32, #tpu.memory_space<vmem>> -> memref<128x128xf32, #tpu.memory_space<vmem>>
      %dma_wait3A_403 = arith.constant 0 : i32
      %dma_wait3A_404 = tpu.memref_slice %arg6[%rem3A_173, %dma_wait3A_396, %dma_wait3A_403] : memref<2x8x128xi32, #tpu.memory_space<vmem>> -> memref<1x1x128xi32, #tpu.memory_space<vmem>>
      %dma_wait3A_405 = tpu.memref_squeeze %dma_wait3A_404 : memref<1x1x128xi32, #tpu.memory_space<vmem>> -> memref<128xi32, #tpu.memory_space<vmem>>
      %dma_wait3A_406 = arith.constant 0 : i32
      %dma_wait3A_407 = arith.constant 0 : i32
      %dma_wait3A_408 = tpu.memref_slice %arg2[%dma_wait3A_406, %dma_wait3A_407] : memref<10000x128xf32, #tpu.memory_space<hbm>> -> memref<10000x128xf32, #tpu.memory_space<hbm>>
      %dma_wait3A_409 = tpu.memref_slice %arg9[%dma_wait3A_398] : memref<2x!tpu.dma_semaphore, #tpu.memory_space<semaphore_mem>> -> memref<1x!tpu.dma_semaphore, #tpu.memory_space<semaphore_mem>>
      %dma_wait3A_410 = tpu.memref_squeeze %dma_wait3A_409 : memref<1x!tpu.dma_semaphore, #tpu.memory_space<semaphore_mem>> -> memref<!tpu.dma_semaphore, #tpu.memory_space<semaphore_mem>>
      tpu.wait_indirect_dma semaphore(%dma_wait3A_410 : memref<!tpu.dma_semaphore, #tpu.memory_space<semaphore_mem>>) src(%dma_wait3A_408 : memref<10000x128xf32, #tpu.memory_space<hbm>>) dst(%dma_wait3A_402 : memref<128x128xf32, #tpu.memory_space<vmem>>)
      %run_scoped3A_411 = arith.constant 1 : i32
      %run_scoped3A_412 = arith.constant 7 : i32
      "tpu.region"() ({
        %run_scoped3A_416 = tpu.sem_alloc : memref<!tpu.dma_semaphore, #tpu.memory_space<semaphore_mem>>
        %dma_start3A_417 = arith.constant 0 : i32
        %dma_start3A_418 = arith.constant 0 : i32
        %dma_start3A_419 = tpu.memref_slice %arg8[%run_scoped3A_411, %dma_start3A_417, %dma_start3A_418] : memref<2x128x128xf32, #tpu.memory_space<vmem>> -> memref<1x128x128xf32, #tpu.memory_space<vmem>>
        %dma_start3A_420 = tpu.memref_squeeze %dma_start3A_419 : memref<1x128x128xf32, #tpu.memory_space<vmem>> -> memref<128x128xf32, #tpu.memory_space<vmem>>
        %dma_start3A_421 = arith.constant 0 : i32
        %dma_start3A_422 = tpu.memref_slice %arg7[%rem3A_173, %run_scoped3A_412, %dma_start3A_421] : memref<2x8x128xi32, #tpu.memory_space<vmem>> -> memref<1x1x128xi32, #tpu.memory_space<vmem>>
        %dma_start3A_423 = tpu.memref_squeeze %dma_start3A_422 : memref<1x1x128xi32, #tpu.memory_space<vmem>> -> memref<128xi32, #tpu.memory_space<vmem>>
        %dma_start3A_424 = arith.constant 0 : i32
        %dma_start3A_425 = arith.constant 0 : i32
        %dma_start3A_426 = tpu.memref_slice %arg11[%dma_start3A_424, %dma_start3A_425] : memref<10240x128xf32, #tpu.memory_space<vmem_shared>> -> memref<10240x128xf32, #tpu.memory_space<vmem_shared>>
        tpu.enqueue_indirect_dma source(%dma_start3A_420 : memref<128x128xf32, #tpu.memory_space<vmem>>) target(%dma_start3A_426 : memref<10240x128xf32, #tpu.memory_space<vmem_shared>>) offsets(%dma_start3A_423 : memref<128xi32, #tpu.memory_space<vmem>>) semaphore(%run_scoped3A_416 : memref<!tpu.dma_semaphore, #tpu.memory_space<semaphore_mem>>) {add = true}
        %dma_wait3A_427 = arith.constant 0 : i32
        %dma_wait3A_428 = arith.constant 0 : i32
        %dma_wait3A_429 = tpu.memref_slice %arg8[%run_scoped3A_411, %dma_wait3A_427, %dma_wait3A_428] : memref<2x128x128xf32, #tpu.memory_space<vmem>> -> memref<1x128x128xf32, #tpu.memory_space<vmem>>
        %dma_wait3A_430 = tpu.memref_squeeze %dma_wait3A_429 : memref<1x128x128xf32, #tpu.memory_space<vmem>> -> memref<128x128xf32, #tpu.memory_space<vmem>>
        %dma_wait3A_431 = arith.constant 0 : i32
        %dma_wait3A_432 = tpu.memref_slice %arg7[%rem3A_173, %run_scoped3A_412, %dma_wait3A_431] : memref<2x8x128xi32, #tpu.memory_space<vmem>> -> memref<1x1x128xi32, #tpu.memory_space<vmem>>
        %dma_wait3A_433 = tpu.memref_squeeze %dma_wait3A_432 : memref<1x1x128xi32, #tpu.memory_space<vmem>> -> memref<128xi32, #tpu.memory_space<vmem>>
        %dma_wait3A_434 = arith.constant 0 : i32
        %dma_wait3A_435 = arith.constant 0 : i32
        %dma_wait3A_436 = tpu.memref_slice %arg11[%dma_wait3A_434, %dma_wait3A_435] : memref<10240x128xf32, #tpu.memory_space<vmem_shared>> -> memref<10240x128xf32, #tpu.memory_space<vmem_shared>>
        tpu.wait_indirect_dma semaphore(%run_scoped3A_416 : memref<!tpu.dma_semaphore, #tpu.memory_space<semaphore_mem>>) src(%dma_wait3A_430 : memref<128x128xf32, #tpu.memory_space<vmem>>) dst(%dma_wait3A_436 : memref<10240x128xf32, #tpu.memory_space<vmem_shared>>)
        tpu.yield
      }) : () -> ()
      %convert_element_type3A_413 = arith.extui %lt3A : i1 to i32
      %cond3A_414 = arith.constant 0 : i32
      %cond3A_415 = arith.cmpi ne, %convert_element_type3A_413, %cond3A_414 : i32
      scf.if %cond3A_415 {
        %dma_start3A_416 = arith.constant 1 : i32
        %dma_start3A_417 = arith.constant 1 : i32
        %dma_start3A_418 = arith.constant 1 : i32
        %dma_start3A_419 = arith.constant 0 : i32
        %dma_start3A_420 = arith.constant 0 : i32
        %dma_start3A_421 = tpu.memref_slice %arg8[%dma_start3A_417, %dma_start3A_419, %dma_start3A_420] : memref<2x128x128xf32, #tpu.memory_space<vmem>> -> memref<1x128x128xf32, #tpu.memory_space<vmem>>
        %dma_start3A_422 = tpu.memref_squeeze %dma_start3A_421 : memref<1x128x128xf32, #tpu.memory_space<vmem>> -> memref<128x128xf32, #tpu.memory_space<vmem>>
        %dma_start3A_423 = arith.constant 0 : i32
        %dma_start3A_424 = tpu.memref_slice %arg6[%rem3A_177, %dma_start3A_416, %dma_start3A_423] : memref<2x8x128xi32, #tpu.memory_space<vmem>> -> memref<1x1x128xi32, #tpu.memory_space<vmem>>
        %dma_start3A_425 = tpu.memref_squeeze %dma_start3A_424 : memref<1x1x128xi32, #tpu.memory_space<vmem>> -> memref<128xi32, #tpu.memory_space<vmem>>
        %dma_start3A_426 = arith.constant 0 : i32
        %dma_start3A_427 = arith.constant 0 : i32
        %dma_start3A_428 = tpu.memref_slice %arg2[%dma_start3A_426, %dma_start3A_427] : memref<10000x128xf32, #tpu.memory_space<hbm>> -> memref<10000x128xf32, #tpu.memory_space<hbm>>
        %dma_start3A_429 = tpu.memref_slice %arg9[%dma_start3A_418] : memref<2x!tpu.dma_semaphore, #tpu.memory_space<semaphore_mem>> -> memref<1x!tpu.dma_semaphore, #tpu.memory_space<semaphore_mem>>
        %dma_start3A_430 = tpu.memref_squeeze %dma_start3A_429 : memref<1x!tpu.dma_semaphore, #tpu.memory_space<semaphore_mem>> -> memref<!tpu.dma_semaphore, #tpu.memory_space<semaphore_mem>>
        tpu.enqueue_indirect_dma source(%dma_start3A_428 : memref<10000x128xf32, #tpu.memory_space<hbm>>) target(%dma_start3A_422 : memref<128x128xf32, #tpu.memory_space<vmem>>) offsets(%dma_start3A_425 : memref<128xi32, #tpu.memory_space<vmem>>) semaphore(%dma_start3A_430 : memref<!tpu.dma_semaphore, #tpu.memory_space<semaphore_mem>>)
      } else {
      }
    }
    %barrier3A_165 = arith.constant 0 : index
    tpu.barrier barrier_id(%barrier3A_165)
    %mul3A_166 = arith.constant 640 : i32
    %mul3A_167 = arith.muli %arg1, %mul3A_166 : i32
    %mul3A_168 = arith.constant 640 : i32
    %mul3A_169 = arith.muli %arg1, %mul3A_168 : i32
    "tpu.region"() ({
      %run_scoped3A_170 = tpu.sem_alloc : memref<!tpu.dma_semaphore, #tpu.memory_space<semaphore_mem>>
      %dma_start3A_171 = arith.constant 0 : i32
      %dma_start3A_172 = tpu.memref_slice %arg5[%arg0, %mul3A_169, %dma_start3A_171] : memref<2x10240x128xf32, #tpu.memory_space<hbm>> -> memref<1x640x128xf32, #tpu.memory_space<hbm>>
      %dma_start3A_173 = tpu.memref_squeeze %dma_start3A_172 : memref<1x640x128xf32, #tpu.memory_space<hbm>> -> memref<640x128xf32, #tpu.memory_space<hbm>>
      %dma_start3A_174 = arith.constant 0 : i32
      %dma_start3A_175 = tpu.memref_slice %arg11[%mul3A_167, %dma_start3A_174] : memref<10240x128xf32, #tpu.memory_space<vmem_shared>> -> memref<640x128xf32, #tpu.memory_space<vmem_shared>>
      tpu.enqueue_dma source(%dma_start3A_175 : memref<640x128xf32, #tpu.memory_space<vmem_shared>>) target(%dma_start3A_173 : memref<640x128xf32, #tpu.memory_space<hbm>>) target_semaphore(%run_scoped3A_170 : memref<!tpu.dma_semaphore, #tpu.memory_space<semaphore_mem>>)
      %dma_wait3A = arith.constant 0 : i32
      %dma_wait3A_176 = tpu.memref_slice %arg5[%arg0, %mul3A_169, %dma_wait3A] : memref<2x10240x128xf32, #tpu.memory_space<hbm>> -> memref<1x640x128xf32, #tpu.memory_space<hbm>>
      %dma_wait3A_177 = tpu.memref_squeeze %dma_wait3A_176 : memref<1x640x128xf32, #tpu.memory_space<hbm>> -> memref<640x128xf32, #tpu.memory_space<hbm>>
      %dma_wait3A_178 = arith.constant 0 : i32
      %dma_wait3A_179 = tpu.memref_slice %arg11[%mul3A_167, %dma_wait3A_178] : memref<10240x128xf32, #tpu.memory_space<vmem_shared>> -> memref<640x128xf32, #tpu.memory_space<vmem_shared>>
      tpu.wait_dma2 semaphore(%run_scoped3A_170 : memref<!tpu.dma_semaphore, #tpu.memory_space<semaphore_mem>>) src(%dma_wait3A_179 : memref<640x128xf32, #tpu.memory_space<vmem_shared>>) dst(%dma_wait3A_177 : memref<640x128xf32, #tpu.memory_space<hbm>>)
      tpu.yield
    }) : () -> ()
    return
  }
}

module attributes {stable_mosaic.version = 14 : i64} {
  func.func @body(%arg0: i32, %arg1: memref<1000x128xf32, #tpu.memory_space<vmem>>, %arg2: memref<128x128xf32, #tpu.memory_space<vmem>>, %arg3: memref<1000x128xf32, #tpu.memory_space<vmem>>) attributes {dimension_semantics = [#tpu.dimension_semantics<arbitrary>], iteration_bounds = array<i64: 10>, scalar_prefetch = 0 : i64, scratch_operands = 0 : i64, tpu.core_type = #tpu.core_type<tc>, window_params = [{transform_indices = @transform_0, window_bounds = array<i64: 1000, 128>}, {pipeline_mode = #tpu.pipeline_mode<synchronous>, transform_indices = @transform_1, window_bounds = array<i64: 128, 128>}, {transform_indices = @transform_2, window_bounds = array<i64: 1000, 128>}]} {
    %get3A = arith.constant 0 : index
    %get3A_0 = arith.constant 0 : index
    %get3A_1 = vector.load %arg1[%get3A, %get3A_0] : memref<1000x128xf32, #tpu.memory_space<vmem>>, vector<1000x128xf32>
    %get3A_2 = arith.constant 0 : index
    %get3A_3 = arith.constant 0 : index
    %get3A_4 = vector.load %arg2[%get3A_2, %get3A_3] : memref<128x128xf32, #tpu.memory_space<vmem>>, vector<128x128xf32>
    %dot_general3A = arith.constant dense<0.000000e+00> : vector<1000x128xf32>
    %dot_general3A_5 = tpu.matmul %get3A_1, %get3A_4, %dot_general3A {dimension_numbers = #tpu.dot_dimension_numbers<[1], [0], [0], [1], [0, 0, 1, 1], [], []>, transpose_lhs_hint = false} : vector<1000x128xf32>, vector<128x128xf32>, vector<1000x128xf32> -> vector<1000x128xf32>
    %swap3A = arith.constant 0 : index
    %swap3A_6 = arith.constant 0 : index
    %swap3A_7 = vector.load %arg3[%swap3A, %swap3A_6] : memref<1000x128xf32, #tpu.memory_space<vmem>>, vector<1000x128xf32>
    tpu.vector_store %arg3[%swap3A, %swap3A_6], %dot_general3A_5 {strides = array<i32>} : memref<1000x128xf32, #tpu.memory_space<vmem>>, vector<1000x128xf32>,
    return
  }
  func.func @transform_0(%arg0: i32) -> (i32, i32) {
    %c0_i32 = arith.constant 0 : i32
    %c0_i32_0 = arith.constant 0 : i32
    return %arg0, %c0_i32 : i32, i32
  }
  func.func @transform_1(%arg0: i32) -> (i32, i32) {
    %c0_i32 = arith.constant 0 : i32
    %c0_i32_0 = arith.constant 0 : i32
    %c0_i32_1 = arith.constant 0 : i32
    return %c0_i32, %c0_i32_0 : i32, i32
  }
  func.func @transform_2(%arg0: i32) -> (i32, i32) {
    %c0_i32 = arith.constant 0 : i32
    %c0_i32_0 = arith.constant 0 : i32
    return %arg0, %c0_i32 : i32, i32
  }
}

module attributes {stable_mosaic.version = 14 : i64} {
  func.func @body(%arg0: i32, %arg1: memref<1000x128xf32, #tpu.memory_space<vmem>>, %arg2: memref<1x1x1000xf32, #tpu.memory_space<vmem>>, %arg3: memref<1x1x1000xf32, #tpu.memory_space<vmem>>, %arg4: memref<1000x128xf32, #tpu.memory_space<vmem>>, %arg5: memref<1x1x1000xf32, #tpu.memory_space<vmem>>) attributes {dimension_semantics = [#tpu.dimension_semantics<arbitrary>], iteration_bounds = array<i64: 10>, scalar_prefetch = 0 : i64, scratch_operands = 0 : i64, tpu.core_type = #tpu.core_type<tc>, window_params = [{transform_indices = @transform_0, window_bounds = array<i64: 1000, 128>}, {transform_indices = @transform_1, window_bounds = array<i64: 1, 1, 1000>}, {transform_indices = @transform_2, window_bounds = array<i64: 1, 1, 1000>}, {transform_indices = @transform_3, window_bounds = array<i64: 1000, 128>}, {transform_indices = @transform_4, window_bounds = array<i64: 1, 1, 1000>}]} {
    %get3A = arith.constant 0 : index
    %get3A_0 = arith.constant 0 : index
    %get3A_1 = arith.constant 0 : index
    %get3A_2 = vector.load %arg2[%get3A, %get3A_0, %get3A_1] : memref<1x1x1000xf32, #tpu.memory_space<vmem>>, vector<1x1x1000xf32>
    %get3A_3 = vector.shape_cast %get3A_2 : vector<1x1x1000xf32> to vector<1000xf32>
    %get3A_4 = arith.constant 0 : index
    %get3A_5 = arith.constant 0 : index
    %get3A_6 = arith.constant 0 : index
    %get3A_7 = vector.load %arg3[%get3A_4, %get3A_5, %get3A_6] : memref<1x1x1000xf32, #tpu.memory_space<vmem>>, vector<1x1x1000xf32>
    %get3A_8 = vector.shape_cast %get3A_7 : vector<1x1x1000xf32> to vector<1000xf32>
    %add3A = arith.addf %get3A_3, %get3A_8 : vector<1000xf32>
    %add3A_9 = arith.constant 1.000000e+00 : f32
    %add3A_10 = vector.broadcast %add3A_9 : f32 to vector<1000xf32>
    %add3A_11 = arith.addf %add3A, %add3A_10 : vector<1000xf32>
    %rsqrt3A = math.rsqrt %add3A_11 : vector<1000xf32>
    %get3A_12 = arith.constant 0 : index
    %get3A_13 = arith.constant 0 : index
    %get3A_14 = vector.load %arg1[%get3A_12, %get3A_13] : memref<1000x128xf32, #tpu.memory_space<vmem>>, vector<1000x128xf32>
    %broadcast_in_dim3A = vector.shape_cast %rsqrt3A : vector<1000xf32> to vector<1000x1xf32>
    %mul3A = vector.broadcast %broadcast_in_dim3A : vector<1000x1xf32> to vector<1000x128xf32>
    %mul3A_15 = arith.mulf %get3A_14, %mul3A : vector<1000x128xf32>
    %swap3A = arith.constant 0 : index
    %swap3A_16 = arith.constant 0 : index
    %swap3A_17 = vector.load %arg4[%swap3A, %swap3A_16] : memref<1000x128xf32, #tpu.memory_space<vmem>>, vector<1000x128xf32>
    tpu.vector_store %arg4[%swap3A, %swap3A_16], %mul3A_15 {strides = array<i32>} : memref<1000x128xf32, #tpu.memory_space<vmem>>, vector<1000x128xf32>,
    %swap3A_18 = arith.constant 0 : index
    %swap3A_19 = arith.constant 0 : index
    %swap3A_20 = arith.constant 0 : index
    %swap3A_21 = vector.load %arg5[%swap3A_18, %swap3A_19, %swap3A_20] : memref<1x1x1000xf32, #tpu.memory_space<vmem>>, vector<1x1x1000xf32>
    %swap3A_22 = vector.shape_cast %swap3A_21 : vector<1x1x1000xf32> to vector<1000xf32>
    %swap3A_23 = vector.shape_cast %rsqrt3A : vector<1000xf32> to vector<1x1x1000xf32>
    tpu.vector_store %arg5[%swap3A_18, %swap3A_19, %swap3A_20], %swap3A_23 {strides = array<i32>} : memref<1x1x1000xf32, #tpu.memory_space<vmem>>, vector<1x1x1000xf32>,
    return
  }
  func.func @transform_0(%arg0: i32) -> (i32, i32) {
    %c0_i32 = arith.constant 0 : i32
    %c0_i32_0 = arith.constant 0 : i32
    return %arg0, %c0_i32 : i32, i32
  }
  func.func @transform_1(%arg0: i32) -> (i32, i32, i32) {
    %c0_i32 = arith.constant 0 : i32
    %c0_i32_0 = arith.constant 0 : i32
    %c0_i32_1 = arith.constant 0 : i32
    return %arg0, %c0_i32, %c0_i32_0 : i32, i32, i32
  }
  func.func @transform_2(%arg0: i32) -> (i32, i32, i32) {
    %c0_i32 = arith.constant 0 : i32
    %c0_i32_0 = arith.constant 0 : i32
    %c0_i32_1 = arith.constant 0 : i32
    return %arg0, %c0_i32, %c0_i32_0 : i32, i32, i32
  }
  func.func @transform_3(%arg0: i32) -> (i32, i32) {
    %c0_i32 = arith.constant 0 : i32
    %c0_i32_0 = arith.constant 0 : i32
    return %arg0, %c0_i32 : i32, i32
  }
  func.func @transform_4(%arg0: i32) -> (i32, i32, i32) {
    %c0_i32 = arith.constant 0 : i32
    %c0_i32_0 = arith.constant 0 : i32
    %c0_i32_1 = arith.constant 0 : i32
    return %arg0, %c0_i32, %c0_i32_0 : i32, i32, i32
  }
}

module attributes {stable_mosaic.version = 14 : i64} {
  func.func @body(%arg0: i32, %arg1: memref<2x1000x128xf32, #tpu.memory_space<vmem>>, %arg2: memref<1000x128xf32, #tpu.memory_space<vmem>>, %arg3: memref<1x1x1000xf32, #tpu.memory_space<vmem>>, %arg4: memref<1x128xf32, #tpu.memory_space<vmem>>, %arg5: memref<1x128xf32, #tpu.memory_space<vmem>>, %arg6: memref<1000x128xf32, #tpu.memory_space<vmem>>) attributes {dimension_semantics = [#tpu.dimension_semantics<arbitrary>], iteration_bounds = array<i64: 10>, scalar_prefetch = 0 : i64, scratch_operands = 0 : i64, tpu.core_type = #tpu.core_type<tc>, window_params = [{transform_indices = @transform_0, window_bounds = array<i64: 2, 1000, 128>}, {transform_indices = @transform_1, window_bounds = array<i64: 1000, 128>}, {transform_indices = @transform_2, window_bounds = array<i64: 1, 1, 1000>}, {pipeline_mode = #tpu.pipeline_mode<synchronous>, transform_indices = @transform_3, window_bounds = array<i64: 1, 128>}, {pipeline_mode = #tpu.pipeline_mode<synchronous>, transform_indices = @transform_4, window_bounds = array<i64: 1, 128>}, {transform_indices = @transform_5, window_bounds = array<i64: 1000, 128>}]} {
    %get3A = arith.constant 0 : index
    %get3A_0 = arith.constant 0 : index
    %get3A_1 = arith.constant 0 : index
    %get3A_2 = vector.load %arg1[%get3A, %get3A_0, %get3A_1] : memref<2x1000x128xf32, #tpu.memory_space<vmem>>, vector<1x1000x128xf32>
    %get3A_3 = vector.shape_cast %get3A_2 : vector<1x1000x128xf32> to vector<1000x128xf32>
    %get3A_4 = arith.constant 1 : index
    %get3A_5 = arith.constant 0 : index
    %get3A_6 = arith.constant 0 : index
    %get3A_7 = vector.load %arg1[%get3A_4, %get3A_5, %get3A_6] : memref<2x1000x128xf32, #tpu.memory_space<vmem>>, vector<1x1000x128xf32>
    %get3A_8 = vector.shape_cast %get3A_7 : vector<1x1000x128xf32> to vector<1000x128xf32>
    %add3A = arith.addf %get3A_3, %get3A_8 : vector<1000x128xf32>
    %get3A_9 = arith.constant 0 : index
    %get3A_10 = arith.constant 0 : index
    %get3A_11 = vector.load %arg2[%get3A_9, %get3A_10] : memref<1000x128xf32, #tpu.memory_space<vmem>>, vector<1000x128xf32>
    %add3A_12 = arith.addf %add3A, %get3A_11 : vector<1000x128xf32>
    %get3A_13 = arith.constant 0 : index
    %get3A_14 = arith.constant 0 : index
    %get3A_15 = arith.constant 0 : index
    %get3A_16 = vector.load %arg3[%get3A_13, %get3A_14, %get3A_15] : memref<1x1x1000xf32, #tpu.memory_space<vmem>>, vector<1x1x1000xf32>
    %get3A_17 = vector.shape_cast %get3A_16 : vector<1x1x1000xf32> to vector<1000xf32>
    %broadcast_in_dim3A = vector.shape_cast %get3A_17 : vector<1000xf32> to vector<1000x1xf32>
    %mul3A = vector.broadcast %broadcast_in_dim3A : vector<1000x1xf32> to vector<1000x128xf32>
    %mul3A_18 = arith.mulf %add3A_12, %mul3A : vector<1000x128xf32>
    %get3A_19 = arith.constant 0 : index
    %get3A_20 = arith.constant 0 : index
    %get3A_21 = vector.load %arg4[%get3A_19, %get3A_20] : memref<1x128xf32, #tpu.memory_space<vmem>>, vector<1x128xf32>
    %get3A_22 = vector.shape_cast %get3A_21 : vector<1x128xf32> to vector<128xf32>
    %broadcast_in_dim3A_23 = vector.shape_cast %get3A_22 : vector<128xf32> to vector<1x128xf32>
    %add3A_24 = vector.broadcast %broadcast_in_dim3A_23 : vector<1x128xf32> to vector<1000x128xf32>
    %add3A_25 = arith.addf %mul3A_18, %add3A_24 : vector<1000x128xf32>
    %ge3A = arith.constant 0.000000e+00 : f32
    %ge3A_26 = vector.broadcast %ge3A : f32 to vector<1000x128xf32>
    %ge3A_27 = arith.cmpf oge, %add3A_25, %ge3A_26 : vector<1000x128xf32>
    %get3A_28 = arith.constant 0 : index
    %get3A_29 = arith.constant 0 : index
    %get3A_30 = vector.load %arg5[%get3A_28, %get3A_29] : memref<1x128xf32, #tpu.memory_space<vmem>>, vector<1x128xf32>
    %get3A_31 = vector.shape_cast %get3A_30 : vector<1x128xf32> to vector<128xf32>
    %broadcast_in_dim3A_32 = vector.shape_cast %get3A_31 : vector<128xf32> to vector<1x128xf32>
    %mul3A_33 = vector.broadcast %broadcast_in_dim3A_32 : vector<1x128xf32> to vector<1000x128xf32>
    %mul3A_34 = arith.mulf %mul3A_33, %add3A_25 : vector<1000x128xf32>
    %select_n3A = arith.select %ge3A_27, %add3A_25, %mul3A_34 : vector<1000x128xi1>, vector<1000x128xf32>
    %swap3A = arith.constant 0 : index
    %swap3A_35 = arith.constant 0 : index
    %swap3A_36 = vector.load %arg6[%swap3A, %swap3A_35] : memref<1000x128xf32, #tpu.memory_space<vmem>>, vector<1000x128xf32>
    tpu.vector_store %arg6[%swap3A, %swap3A_35], %select_n3A {strides = array<i32>} : memref<1000x128xf32, #tpu.memory_space<vmem>>, vector<1000x128xf32>,
    return
  }
  func.func @transform_0(%arg0: i32) -> (i32, i32, i32) {
    %c0_i32 = arith.constant 0 : i32
    %c0_i32_0 = arith.constant 0 : i32
    %c0_i32_1 = arith.constant 0 : i32
    return %c0_i32, %arg0, %c0_i32_0 : i32, i32, i32
  }
  func.func @transform_1(%arg0: i32) -> (i32, i32) {
    %c0_i32 = arith.constant 0 : i32
    %c0_i32_0 = arith.constant 0 : i32
    return %arg0, %c0_i32 : i32, i32
  }
  func.func @transform_2(%arg0: i32) -> (i32, i32, i32) {
    %c0_i32 = arith.constant 0 : i32
    %c0_i32_0 = arith.constant 0 : i32
    %c0_i32_1 = arith.constant 0 : i32
    return %arg0, %c0_i32, %c0_i32_0 : i32, i32, i32
  }
  func.func @transform_3(%arg0: i32) -> (i32, i32) {
    %c0_i32 = arith.constant 0 : i32
    %c0_i32_0 = arith.constant 0 : i32
    %c0_i32_1 = arith.constant 0 : i32
    return %c0_i32, %c0_i32_0 : i32, i32
  }
  func.func @transform_4(%arg0: i32) -> (i32, i32) {
    %c0_i32 = arith.constant 0 : i32
    %c0_i32_0 = arith.constant 0 : i32
    %c0_i32_1 = arith.constant 0 : i32
    return %c0_i32, %c0_i32_0 : i32, i32
  }
  func.func @transform_5(%arg0: i32) -> (i32, i32) {
    %c0_i32 = arith.constant 0 : i32
    %c0_i32_0 = arith.constant 0 : i32
    return %arg0, %c0_i32 : i32, i32
  }
}

</mosaic_0001>

<sc_bundles>
// kernel: kernel.10.cloned.1.call-start
scs
__scs_entry_jumppad:
0x0: {  	(pc) =	sbr.rel $0x88, $3  }
0x1: {  	(tag) =	ssettag $0x0;
	lr =	simm.s32 $0x1  }
0x2: {  	[smem:$0x3F9C] =	sst lr;
	_ =	strace $0xD0000000  }
0x3: {  	_ = 	snop  }
0x4: {  	_ = 	snop  }
0x5: {  	_ = 	snop  }
0x6: {  	_ = 	snop  }
0x7: {  	_ = 	snop  }
__scs_overlays_trampoline_lowered:
0x8: {  	[smem:$0x3FAB] =	sst s0  }
0x9: {  	[smem:$0x3FAC] =	sst s1  }
0xa: {  	[smem:$0x3FAD] =	sst s2  }
0xb: {  	[smem:$0x3FAE] =	sst s3  }
0xc: {  	[smem:$0x3FAF] =	sst s4  }
0xd: {  	[smem:$0x3FB0] =	sst s5  }
0xe: {  	[smem:$0x3FB1] =	sst s6  }
0xf: {  	[smem:$0x3FB2] =	sst s7  }
0x10: {  	[smem:$0x3FB3] =	sst s8  }
0x11: {  	[smem:$0x3FB4] =	sst s9;
	s0 =	simm.s32 @!p0 $0x0  }
0x12: {  	s1 =	sld [smem:$0x3F9A];
	s0 =	simm.s32 @p0 $0x1  }
0x13: {  	[smem:$0x3FB5] =	sst s0;
	s0 =	simm.s32 @!p1 $0x0  }
0x14: {  	s2 =	sld [smem:$0x3F99];
	s0 =	simm.s32 @p1 $0x1  }
0x15: {  	[smem:$0x3FB6] =	sst s0;
	s0 =	simm.s32 @!p2 $0x0  }
0x16: {  	s3 =	sld [smem:$0x3FDB];
	s0 =	simm.s32 @p2 $0x1  }
0x17: {  	s4 =	simm.s32 $0x1BF5;
	[smem:$0x3FB8] =	sst s0  }
0x18: {  	s0 =	sld [smem:$0x3F9B];
	_ =	swait.ge [sflag:s4], $0x0  }
0x19: {  	s7 =	sld [smem:$0x3F9C]  }
0x1a: {  	s8 =	sadd.s32 $0xFFFFE003, lr  }
0x1b: {  	s9 =	sadd.s32 $0xFFFFFEF7, lr;
	s5 =	simm.s32 $0xFFFFFFFF;
	p2 =	slt.u32 s8, $0xFFFFF086  }
0x1c: {  	p1 =	slt.u32 s9, $0xF7A;
	s5 =	simm.s32 @!p2 $0x0  }
0x1d: {  	s5 =	simm.s32 @p1 $0x1;
	p0 =	seq.s32 s7, s2  }
0x1e: {  	s7 =	smul.u32 @!p0 $0xF7A, s2;
	p2 =	seq.s32 @!p0 s5, $0x0  }
0x1f: {  	s9 =	smul.u32 $0xF7A, s1;
	s8 =	simm.s32 @!p0 $0x1BF5;
	p2 =	por !p2, p0  }
0x20: {  	[sflag:s8] =	ssyncset.s32 @!p0 $0xFFFFF086;
	s6 =	sadd.s32 @!p0 s3, s7;
	s7 =	simm.s32 @!p0 $0x108  }
0x21: {  	s3 =	sadd.s32 s3, s9;
	s6 =	sadd.s32 @!p0 $0x88, s6;
	s7 =	simm.s32 @p2 $0x1082  }
0x22: {  	[simem:s7], [sflag:s8] =	dma.local @!p0 [hbm:s6], $0xF7A  }
0x23: {  	s9 =	sor.u32 $0xD0000000, s2;
	s6 =	simm.s32 $0x108;
	_ =	swait.ge @!p0 [sflag:s8], $0x0  }
0x24: {  	s3 =	sadd.s32 $0x88, s3;
	s6 =	simm.s32 @!p1 $0x1082;
	[sflag:s4] =	ssyncset.s32 $0xFFFFF086  }
0x25: {  	[simem:s6], [sflag:s4] =	dma.local [hbm:s3], $0xF7A  }
0x26: {  	[smem:$0x3F9C] =	sst s1;
	(tag) =	ssettag s2;
	_ =	strace s9  }
0x27: {  	s1 =	sld [smem:$0x3FAC]  }
0x28: {  	s2 =	sld [smem:$0x3FAD]  }
0x29: {  	s4 =	sld [smem:$0x3FAF]  }
0x2a: {  	p0 =	seq.s32 s5, $0x0;
	s5 =	sld [smem:$0x3FB0]  }
0x2b: {  	s6 =	sld [smem:$0x3FB1]  }
0x2c: {  	s7 =	sld [smem:$0x3FB2]  }
0x2d: {  	s3 =	simm.s32 $0x108;
	s8 =	sld [smem:$0x3FB3]  }
0x2e: {  	s3 =	simm.s32 @!p0 $0x1082;
	s9 =	sld [smem:$0x3FB4]  }
0x2f: {  	lr =	sadd.s32 s0, s3;
	s0 =	sld [smem:$0x3FAB]  }
0x30: {  	s3 =	sld [smem:$0x3FAE]  }
0x31: {  	[smem:$0x3FB7] =	sst s10  }
0x32: {  	s10 =	sld [smem:$0x3FB5];
	_ =	sdelay $0x3  }
0x33: {  	p0 =	seq.s32 s10, $0x1;
	s10 =	sld [smem:$0x3FB7];
	_ =	sdelay $0x3  }
0x34: {  	[smem:$0x3FB7] =	sst s10  }
0x35: {  	s10 =	sld [smem:$0x3FB6];
	_ =	sdelay $0x3  }
0x36: {  	p1 =	seq.s32 s10, $0x1;
	s10 =	sld [smem:$0x3FB7];
	_ =	sdelay $0x3  }
0x37: {  	[smem:$0x3FB7] =	sst s10  }
0x38: {  	s10 =	sld [smem:$0x3FB8]  }
0x39: {  	_ = 	snop;
	(pc) =	sbr.ind lr, $3  }
0x3a: {  	_ = 	snop  }
0x3b: {  	_ = 	snop  }
0x3c: {  	p2 =	seq.s32 s10, $0x1;
	s10 =	sld [smem:$0x3FB7]  }
0x3d: {  	_ =	shalt  }
0x3e: {  	_ =	shalt  }
0x3f: {  	_ =	shalt  }
0x40: {  	_ =	shalt  }
0x41: {  	_ =	shalt  }
0x42: {  	_ =	shalt  }
0x43: {  	_ =	shalt  }
0x44: {  	_ =	shalt  }
0x45: {  	_ =	shalt  }
0x46: {  	_ =	shalt  }
0x47: {  	_ =	shalt  }
0x48: {  	_ =	shalt  }
0x49: {  	_ =	shalt  }
0x4a: {  	_ =	shalt  }
0x4b: {  	_ =	shalt  }
0x4c: {  	_ =	shalt  }
0x4d: {  	_ =	shalt  }
0x4e: {  	_ =	shalt  }
0x4f: {  	_ =	shalt  }
0x50: {  	_ =	shalt  }
0x51: {  	_ =	shalt  }
0x52: {  	_ =	shalt  }
0x53: {  	_ =	shalt  }
0x54: {  	_ =	shalt  }
0x55: {  	_ =	shalt  }
0x56: {  	_ =	shalt  }
0x57: {  	_ =	shalt  }
0x58: {  	_ =	shalt  }
0x59: {  	_ =	shalt  }
0x5a: {  	_ =	shalt  }
0x5b: {  	_ =	shalt  }
0x5c: {  	_ =	shalt  }
0x5d: {  	_ =	shalt  }
0x5e: {  	_ =	shalt  }
0x5f: {  	_ =	shalt  }
0x60: {  	_ =	shalt  }
0x61: {  	_ =	shalt  }
0x62: {  	_ =	shalt  }
0x63: {  	_ =	shalt  }
0x64: {  	_ =	shalt  }
0x65: {  	_ =	shalt  }
0x66: {  	_ =	shalt  }
0x67: {  	_ =	shalt  }
0x68: {  	_ =	shalt  }
0x69: {  	_ =	shalt  }
0x6a: {  	_ =	shalt  }
0x6b: {  	_ =	shalt  }
0x6c: {  	_ =	shalt  }
0x6d: {  	_ =	shalt  }
0x6e: {  	_ =	shalt  }
0x6f: {  	_ =	shalt  }
0x70: {  	_ =	shalt  }
0x71: {  	_ =	shalt  }
0x72: {  	_ =	shalt  }
0x73: {  	_ =	shalt  }
0x74: {  	_ =	shalt  }
0x75: {  	_ =	shalt  }
0x76: {  	_ =	shalt  }
0x77: {  	_ =	shalt  }
0x78: {  	_ =	shalt  }
0x79: {  	_ =	shalt  }
0x7a: {  	_ =	shalt  }
0x7b: {  	_ =	shalt  }
0x7c: {  	_ =	shalt  }
0x7d: {  	_ =	shalt  }
0x7e: {  	_ =	shalt  }
0x7f: {  	_ =	shalt  }
0x80: {  	_ =	shalt  }
0x81: {  	_ =	shalt  }
0x82: {  	_ =	shalt  }
0x83: {  	_ =	shalt  }
0x84: {  	_ =	shalt  }
0x85: {  	_ =	shalt  }
0x86: {  	_ =	shalt  }
0x87: {  	_ =	shalt  }
.Lfunc_end0:
.L_simem_size_0:
called_computation.1_lowered:
.L_overlay_start_0:
0x88: {  	s2 =	sld [smem:$0x3FD9]  }
0x89: {  	s3 =	sld [smem:$0x3FFE];
	_ =	sdelay $0x1  }
0x8a: {  	s1 =	srdreg.scid  }
0x8b: {  	s0 =	sand.u32 $0x1, s1  }
0x8c: {  	s17 =	sshll.u32 s0, $0xA;
	s2 =	sadd.s32 s3, s2  }
0x8d: {  	s2 =	sadd.s32 s2, s17  }
0x8e: {  	[smem:$0x3FC3] =	sst s2  }
0x8f: {  	_ = 	snop  }
0x90: {  	s2 =	sld [smem:$0x3FD0];
	(tm) =	ssettm $0x1  }
0x91: {  	s18 =	sld [smem:$0x3FFB];
	_ =	sdelay $0x3  }
0x92: {  	_ =	strace s18  }
0x93: {  	s3 =	sld [smem:$0x3FFC];
	_ =	sdelay $0x3  }
0x94: {  	_ =	strace s3  }
0x95: {  	s3 =	sld [smem:$0x3FFD];
	_ =	sdelay $0x3  }
0x96: {  	_ =	strace s3  }
0x97: {  	_ =	strace $0x8FFFFFFF  }
0x98: {  	s19 =	sld [smem:$0x3FDB];
	_ =	sdelay $0x1  }
0x99: {  	s4 =	simm.s32 $_scs_section_size  }
0x9a: {  	s5 =	simm.s32 $_size__tile_overlayer_lowered;
	s6 =	simm.s32 $_tile_overlayer_lowered  }
0x9b: {  	s22 =	simm.s32 $0x1BFF;
	s21 =	sshll.u32 s6, $0x1;
	s3 =	sadd.s32 s4, s19  }
0x9c: {  	s7 =	simm.s32 $0x0;
	s20 =	sshll.u32 s5, $0x1;
	s5 =	sadd.s32 s21, s3  }
0x9d: {  	[timem:s7], [sflag:s22] =	dma.local [hbm:s5], s20  }
0x9e: {  	_ =	swait.ge [sflag:s22], s20  }
0x9f: {  	s4 =	ssub.s32 $0x0, s20;
	[sflag:s22] =	ssyncset.done $0x0  }
0xa0: {  	[sflag:s22] =	ssyncadd.s32 s4;
	_ =	sdelay $0x1  }
0xa1: {  	s23 =	simm.s32 $0x1B8B  }
0xa2: {  	_ =	swait.ge [sflag:s23], $0x1  }
0xa3: {  	[sflag:s23] =	ssyncset.done $0x0  }
0xa4: {  	s25 =	simm.s32 $0x1B8E;
	s24 =	sld [smem:$0x3FFE];
	[sflag:s23] =	ssyncadd.s32 $0xFFFFFFFF  }
0xa5: {  	s26 =	simm.s32 $execute0_lowered;
	[smem:$0x3FD2] =	sst s25  }
0xa6: {  	s5 =	sshll.u32 s26, $0x1;
	_ =	strace $0x80000049;
	[dreg:$0x1] =	wrdreg $0xFFFFFFFF  }
0xa7: {  	s28 =	simm.s32 $_size_execute0_lowered;
	s3 =	sadd.s32 s3, s5;
	[dreg:$0x0] =	wrdreg $0x0  }
0xa8: {  	s5 =	sshll.u32 s28, $0x1;
	[dreg:$0x2] =	wrdreg s3  }
0xa9: {  	[dreg:$0x3] =	wrdreg s5  }
0xaa: {  	[dreg:$0x4] =	wrdreg $0xC0  }
0xab: {  	_ =	task [dreg:s7], $0x5FFFF  }
0xac: {  	[dreg:$0x1] =	wrdreg $0xFFFFFFFF  }
0xad: {  	[dreg:$0x0] =	wrdreg $0x60  }
0xae: {  	[dreg:$0x2] =	wrdreg s2  }
0xaf: {  	[dreg:$0x3] =	wrdreg s24  }
0xb0: {  	[dreg:$0x4] =	wrdreg $0x90000  }
0xb1: {  	[dreg:$0x5] =	wrdreg $0x9  }
0xb2: {  	_ =	task.clear_ibuf [dreg:s7], $0x6FFFF;
	_ =	strace $0x90000049  }
0xb3: {  	s29 =	simm.s32 $0x9;
	_ =	strace $0x8000004B  }
0xb4: {  	_ =	swait.ge [sflag:s29], $0x1  }
0xb5: {  	[sflag:s29] =	ssyncadd.s32 $0xFFFFFFFF  }
0xb6: {  	_ =	strace $0x9000004B  }
0xb7: {  	_ =	sfence  }
0xb8: {  	s30 =	sld [smem:$0x0];
	_ =	sdelay $0x2  }
0xb9: {  	s31 =	sshll.u32 s1, $0xD;
	s1 =	sshrl.u32 s1, $0x2  }
0xba: {  	s3 =	sand.u32 $0x4000, s31;
	s1 =	sadd.s32 s1, s30  }
0xbb: {  	s0 =	sor.u32 s3, s0;
	s1 =	sshll.u32 s1, $0x11  }
0xbc: {  	s0 =	sor.u32 s1, s0  }
0xbd: {  	s0 =	sadd.s32 $0x8F2B, s0  }
0xbe: {  	[sflag:s0] =	ssyncadd.remote.s32 $0x1  }
0xbf: {  	_ =	sfence.sel $0xFFFF  }
0xc0: {  	[dreg:$0x0] =	wrdreg $0xFFFFFFFF;
	(pc) =	sbr.abs _section_cstart, $3  }
0xc1: {  	[dreg:$0x1] =	wrdreg $0xFFFFFFFF  }
0xc2: {  	_ =	task.clear_ibuf [dreg:s7], $0x2FFFF;
	_ =	strace $0x9FFFFFFF  }
0xc3: {  	(tm) =	ssettm $0x7FFFFFFF  }
tec
execute0_lowered:
.L_overlay_start_1:
0x0: {  	(tag) =	ssettag $0x1  }
0x1: {  	s0 =	rddreg [dreg:$0x0]  }
0x2: {  	s1 =	rddreg [dreg:$0x1]  }
0x3: {  	s2 =	srdreg.scid;
	s13 =	stileid.u32  }
0x4: {  	s3 =	rddreg [dreg:$0x2];
	s4 =	simm.s32 $0x0;
	s6 =	smul.u32 $0x14000, s13  }
0x5: {  	s28 =	simm.s32 $0x5000;
	s31 =	simm.s32 $0x1;
	s17 =	smul.u32 $0x50000, s13  }
0x6: {  	s2 =	sand.u32 $0x1, s2;
	[smem:$0x7FF] =	sst s4;
	s16 =	smul.u32 $0x2800, s13  }
0x7: {  	s7 =	sadd.s32 $0xBA00, s1;
	s8 =	sadd.s32 $0x1A00, s1;
	s5 =	smul.u32 $0x140000, s2  }
0x8: {  	_ =	strace $0x8000004A;
	s9 =	ssub.s32 $0x2, s2;
	s10 =	sshll.u32 s2, $0x4  }
0x9: {  	s2 =	smul.u32 $0x28000, s2;
	s18 =	sshrl.u32 s17, $0x2;
	s19 =	sshrl.u32 s9, $0x1  }
0xa: {  	s20 =	sor.u32 s13, s10;
	s5 =	sadd.s32 s6, s5;
	s6 =	ssub.s32 s9, s19  }
0xb: {  	s15 =	smul.u32 $0x2800, s20;
	s2 =	sadd.s32 s16, s2;
	s5 =	sshrl.u32 s5, $0x3  }
0xc: {  	s2 =	sor.u32 $0x400, s2;
	s20 =	smax.u32 s6, $0x1;
	s1 =	sadd.s32 s5, s1  }
0xd: {  	s5 =	sadd.s32 s18, s3;
	s17 =	sshrl.u32 s15, $0x3;
	s26 =	sshrl.u32 s2, $0x3  }
0xe: {  	s21 =	sadd.s32 $0x2000, s5;
	s22 =	sadd.s32 $0x4000, s5;
	s23 =	sadd.s32 $0x6000, s5  }
0xf: {  	s24 =	sadd.s32 $0x8000, s5;
	s25 =	sadd.s32 $0xA000, s5;
	s11 =	sadd.s32 $0xC000, s5  }
0x10: {  	s12 =	sadd.s32 $0xE000, s5;
	s13 =	sadd.s32 $0x10000, s5;
	s14 =	sadd.s32 $0x12000, s5  }
0x11: {  	s15 =	sadd.s32 s7, s17;
	s18 =	sor.u32 $0x80, s17;
	[dreg:$0x4] =	wrdreg s21  }
.Ltmp0:
0x12: {  	s16 =	sadd.s32 s8, s17;
	[dreg:$0x5] =	wrdreg s22;
	(pc) =	sbr.rel .LBB2_1-.Ltmp0, $4  }
0x13: {  	s19 =	sadd.s32 $0x15A00, s1;
	s30 =	sadd.s32 s26, s8;
	[dreg:$0x6] =	wrdreg s23  }
0x14: {  	s29 =	sadd.s32 s26, s7;
	s26 =	simm.s32 $0x80;
	[dreg:$0x7] =	wrdreg s24  }
0x15: {  	s1 =	simm.s32 $0x2;
	[dreg:$0x8] =	wrdreg s25;
	s17 =	sadd.s32 s7, s18  }
0x16: {  	v0 =	vimm.f32 $0.0e+00;
	s18 =	sadd.s32 s8, s18;
	s23 =	simm.s32 $0x1000;
	s24 =	simm.s32 $0x5  }
.LBB2_5:
0x17: {  	_ =	swait.ge [sflag:s1], $0x4000  }
0x18: {  	[sflag:s1] =	ssyncset.done $0x0  }
0x19: {  	s2 =	sor.u32 $0x800, s8;
	[sflag:s1] =	ssyncadd.s32 $0xFFFFC000  }
0x1a: {  	[spmem:s3] =	stream.indirect.scatter.add.f32 [tilespmem:s28], [sflag:$0x5], $0x80, s2, s26, $0xb8;
	[tilespmem:$0x1D000] =	vst v63  }
0x1b: {  	_ =	swait.ge [sflag:s24], $0x4000  }
0x1c: {  	[sflag:s24] =	ssyncset.done $0x0  }
0x1d: {  	[sflag:s24] =	ssyncadd.s32 $0xFFFFC000  }
.LBB2_7:
0x1e: {  	s2 =	stileid.u32;
	s4 =	sadd.s32 $0x1, s4  }
0x1f: {  	[bflag:$0x0] =	sbarrier.arrive $0xFFFF;
	s2 =	sshll.u32 s2, $0x6;
	p0 =	sne.s32 s4, s20  }
.Ltmp1:
0x20: {  	s6 =	sshrl.u32 s5, $0x3;
	s2 =	sor.u32 $0x1C05, s2;
	(pc) =	sbr.rel @!p0 .LBB2_8-.Ltmp1, $4  }
0x21: {  	[hbm:s19], [sflag:s2] =	dma.local [spmem:s6], $0x2800  }
0x22: {  	_ =	swait.ge [sflag:s24], $0x2800  }
0x23: {  	[sflag:s24] =	ssyncset.done $0x0  }
0x24: {  	[sflag:s24] =	ssyncadd.s32 $0xFFFFD800  }
.LBB2_1:
0x25: {  	s2 =	simm.s32 $0x0;
	s6 =	simm.s32 $0x200  }
.LBB2_2:
0x26: {  	p0 =	sne.s32 s6, $0x7E00;
	[tilespmem:s2+$0x1070] =	vst v0  }
0x27: {  	[tilespmem:s2+$0x1000] =	vst v0  }
0x28: {  	[tilespmem:s2+$0x1010] =	vst v0  }
.Ltmp2:
0x29: {  	[tilespmem:s2+$0x1020] =	vst v0;
	(pc) =	sbr.rel @p0 .LBB2_2-.Ltmp2, $4  }
0x2a: {  	[tilespmem:s2+$0x1030] =	vst v0  }
0x2b: {  	[tilespmem:s2+$0x1040] =	vst v0  }
0x2c: {  	[tilespmem:s2+$0x1050] =	vst v0  }
0x2d: {  	[tilespmem:s2+$0x1060] =	vst v0;
	s2 =	sshra.s32 s6, $0x2;
	s6 =	sadd.s32 $0x200, s6  }
0x2e: {  	[tilespmem:s2+$0x1070] =	vst v0  }
0x2f: {  	[tilespmem:s2+$0x1000] =	vst v0  }
0x30: {  	[tilespmem:s2+$0x1010] =	vst v0  }
0x31: {  	[tilespmem:s2+$0x1020] =	vst v0  }
0x32: {  	[tilespmem:s2+$0x1030] =	vst v0  }
0x33: {  	[tilespmem:s2+$0x1040] =	vst v0  }
0x34: {  	[tilespmem:s2+$0x1050] =	vst v0  }
0x35: {  	[tilespmem:s2+$0x1060] =	vst v0  }
0x36: {  	[spmem:s5] =	stream.linear.scatter [tilespmem:s23], [sflag:$0x5], $0x2000, $0x38;
	[tilespmem:$0x1D000] =	vst v63  }
0x37: {  	_ =	swait.ge [sflag:s24], $0x2000  }
0x38: {  	[sflag:s24] =	ssyncset.done $0x0  }
0x39: {  	s6 =	rddreg [dreg:$0x4];
	[sflag:s24] =	ssyncadd.s32 $0xFFFFE000  }
0x3a: {  	[spmem:s6] =	stream.linear.scatter [tilespmem:s23], [sflag:$0x5], $0x2000, $0x38;
	[tilespmem:$0x1D000] =	vst v63  }
0x3b: {  	_ =	swait.ge [sflag:s24], $0x2000  }
0x3c: {  	[sflag:s24] =	ssyncset.done $0x0  }
0x3d: {  	s7 =	rddreg [dreg:$0x5];
	[sflag:s24] =	ssyncadd.s32 $0xFFFFE000  }
0x3e: {  	[spmem:s7] =	stream.linear.scatter [tilespmem:s23], [sflag:$0x5], $0x2000, $0x38;
	[tilespmem:$0x1D000] =	vst v63  }
0x3f: {  	_ =	swait.ge [sflag:s24], $0x2000  }
0x40: {  	[sflag:s24] =	ssyncset.done $0x0  }
0x41: {  	s8 =	rddreg [dreg:$0x6];
	[sflag:s24] =	ssyncadd.s32 $0xFFFFE000  }
0x42: {  	[spmem:s8] =	stream.linear.scatter [tilespmem:s23], [sflag:$0x5], $0x2000, $0x38;
	[tilespmem:$0x1D000] =	vst v63  }
0x43: {  	_ =	swait.ge [sflag:s24], $0x2000  }
0x44: {  	[sflag:s24] =	ssyncset.done $0x0  }
0x45: {  	s9 =	rddreg [dreg:$0x7];
	[sflag:s24] =	ssyncadd.s32 $0xFFFFE000  }
0x46: {  	[spmem:s9] =	stream.linear.scatter [tilespmem:s23], [sflag:$0x5], $0x2000, $0x38;
	[tilespmem:$0x1D000] =	vst v63  }
0x47: {  	_ =	swait.ge [sflag:s24], $0x2000  }
0x48: {  	[sflag:s24] =	ssyncset.done $0x0  }
0x49: {  	s10 =	rddreg [dreg:$0x8];
	[sflag:s24] =	ssyncadd.s32 $0xFFFFE000  }
0x4a: {  	[spmem:s10] =	stream.linear.scatter [tilespmem:s23], [sflag:$0x5], $0x2000, $0x38;
	[tilespmem:$0x1D000] =	vst v63  }
0x4b: {  	_ =	swait.ge [sflag:s24], $0x2000  }
0x4c: {  	[sflag:s24] =	ssyncset.done $0x0  }
0x4d: {  	[sflag:s24] =	ssyncadd.s32 $0xFFFFE000  }
0x4e: {  	[spmem:s11] =	stream.linear.scatter [tilespmem:s23], [sflag:$0x5], $0x2000, $0x38;
	[tilespmem:$0x1D000] =	vst v63  }
0x4f: {  	_ =	swait.ge [sflag:s24], $0x2000  }
0x50: {  	[sflag:s24] =	ssyncset.done $0x0  }
0x51: {  	[sflag:s24] =	ssyncadd.s32 $0xFFFFE000  }
0x52: {  	[spmem:s12] =	stream.linear.scatter [tilespmem:s23], [sflag:$0x5], $0x2000, $0x38;
	[tilespmem:$0x1D000] =	vst v63  }
0x53: {  	_ =	swait.ge [sflag:s24], $0x2000  }
0x54: {  	[sflag:s24] =	ssyncset.done $0x0  }
0x55: {  	[sflag:s24] =	ssyncadd.s32 $0xFFFFE000  }
0x56: {  	[spmem:s13] =	stream.linear.scatter [tilespmem:s23], [sflag:$0x5], $0x2000, $0x38;
	[tilespmem:$0x1D000] =	vst v63  }
0x57: {  	_ =	swait.ge [sflag:s24], $0x2000  }
0x58: {  	[sflag:s24] =	ssyncset.done $0x0  }
0x59: {  	[sflag:s24] =	ssyncadd.s32 $0xFFFFE000  }
0x5a: {  	[spmem:s14] =	stream.linear.scatter [tilespmem:s23], [sflag:$0x5], $0x2000, $0x38;
	[tilespmem:$0x1D000] =	vst v63  }
0x5b: {  	_ =	swait.ge [sflag:s24], $0x2000  }
0x5c: {  	[sflag:s24] =	ssyncset.done $0x0  }
0x5d: {  	[sflag:s24] =	ssyncadd.s32 $0xFFFFE000  }
0x5e: {  	s7 =	simm.s32 $0x0;
	[bflag:$0x0] =	sbarrier.arrive $0xFFFF  }
0x5f: {  	[tilespmem:s7], [sflag:$0x5] =	stream.linear.gather [hbm4b:s15+s7], $0x400, $0x38;
	[tilespmem:$0x1D000] =	vst v63  }
0x60: {  	_ =	swait.ge [sflag:s24], $0x400  }
0x61: {  	[sflag:s24] =	ssyncset.done $0x0  }
0x62: {  	s21 =	simm.s32 $0x800;
	[sflag:s24] =	ssyncadd.s32 $0xFFFFFC00  }
0x63: {  	[tilespmem:s21], [sflag:$0x5] =	stream.linear.gather [hbm4b:s16+s7], $0x400, $0x38;
	[tilespmem:$0x1D000] =	vst v63  }
0x64: {  	_ =	swait.ge [sflag:s24], $0x400  }
0x65: {  	[sflag:s24] =	ssyncset.done $0x0  }
0x66: {  	[sflag:s24] =	ssyncadd.s32 $0xFFFFFC00  }
0x67: {  	[tilespmem:s23], [sflag:$0x1] =	stream.indirect.gather [hbm4b:s0+s26], $0x80, s7, s26, $0xb8;
	[tilespmem:$0x1D000] =	vst v63  }
0x68: {  	_ = 	snop  }
0x69: {  	[tilespmem:s28], [sflag:$0x2] =	stream.indirect.gather [hbm4b:s0+s26], $0x80, s26, s26, $0xb8;
	[tilespmem:$0x1D000] =	vst v63  }
0x6a: {  	s22 =	simm.s32 $0x400  }
0x6b: {  	[tilespmem:s22], [sflag:$0x4] =	stream.linear.gather [hbm4b:s17+s7], $0x400, $0x38;
	[tilespmem:$0x1D000] =	vst v63  }
0x6c: {  	s25 =	simm.s32 $0xC00  }
0x6d: {  	[tilespmem:s25], [sflag:$0x4] =	stream.linear.gather [hbm4b:s18+s7], $0x400, $0x38;
	[tilespmem:$0x1D000] =	vst v63  }
0x6e: {  	s21 =	smov.u32 s30;
	s22 =	smov.u32 s29;
	s25 =	simm.s32 $0x0  }
.LBB2_4:
0x6f: {  	s2 =	smov.u32 s7;
	p0 =	seq.s32 s7, $0x0  }
0x70: {  	s7 =	sadd.s32 $0x1, s7;
	p1 =	seq.s32 @!p0 s2, $0x9  }
0x71: {  	s6 =	sand.u32 $0x1, s7;
	p0 =	por p1, p0  }
0x72: {  	s8 =	sadd.s32 @!p0 $0x3, s6;
	s9 =	sshll.u32 @!p0 s6, $0xA;
	s10 =	simm.s32 @!p0 $0x0  }
0x73: {  	[tilespmem:s9], [sflag:s8] =	stream.linear.gather @!p0 [hbm4b:s22+s10], $0x400, $0x38;
	[tilespmem:$0x1D000] =	vst v63  }
0x74: {  	s9 =	sor.u32 @!p0 $0x800, s9  }
0x75: {  	[tilespmem:s9], [sflag:s8] =	stream.linear.gather @!p0 [hbm4b:s21+s10], $0x400, $0x38;
	[tilespmem:$0x1D000] =	vst v63  }
0x76: {  	_ =	swait.ge [sflag:s31], $0x4000  }
0x77: {  	s9 =	sand.u32 $0x400, s25;
	[sflag:s31] =	ssyncset.done $0x0  }
0x78: {  	s10 =	sor.u32 $0x800, s9;
	[sflag:s31] =	ssyncadd.s32 $0xFFFFC000  }
0x79: {  	[spmem:s3] =	stream.indirect.scatter.add.f32 [tilespmem:s23], [sflag:$0x5], $0x80, s10, s26, $0xb8;
	[tilespmem:$0x1D000] =	vst v63  }
0x7a: {  	_ =	swait.ge [sflag:s24], $0x4000  }
0x7b: {  	[sflag:s24] =	ssyncset.done $0x0  }
0x7c: {  	s10 =	sor.u32 $0x100, s9;
	[sflag:s24] =	ssyncadd.s32 $0xFFFFC000  }
0x7d: {  	[tilespmem:s23], [sflag:$0x1] =	stream.indirect.gather [hbm4b:s0+s26], $0x80, s10, s26, $0xb8;
	[tilespmem:$0x1D000] =	vst v63  }
0x7e: {  	_ =	swait.ge [sflag:s1], $0x4000  }
0x7f: {  	[sflag:s1] =	ssyncset.done $0x0  }
0x80: {  	s10 =	sor.u32 $0x880, s9;
	[sflag:s1] =	ssyncadd.s32 $0xFFFFC000  }
0x81: {  	[spmem:s3] =	stream.indirect.scatter.add.f32 [tilespmem:s28], [sflag:$0x5], $0x80, s10, s26, $0xb8;
	[tilespmem:$0x1D000] =	vst v63  }
0x82: {  	_ =	swait.ge [sflag:s24], $0x4000  }
0x83: {  	[sflag:s24] =	ssyncset.done $0x0  }
0x84: {  	s10 =	sor.u32 $0x180, s9;
	[sflag:s24] =	ssyncadd.s32 $0xFFFFC000  }
0x85: {  	[tilespmem:s28], [sflag:$0x2] =	stream.indirect.gather [hbm4b:s0+s26], $0x80, s10, s26, $0xb8;
	[tilespmem:$0x1D000] =	vst v63  }
0x86: {  	_ =	swait.ge [sflag:s31], $0x4000  }
0x87: {  	[sflag:s31] =	ssyncset.done $0x0  }
0x88: {  	s10 =	sor.u32 $0x900, s9;
	[sflag:s31] =	ssyncadd.s32 $0xFFFFC000  }
0x89: {  	[spmem:s3] =	stream.indirect.scatter.add.f32 [tilespmem:s23], [sflag:$0x5], $0x80, s10, s26, $0xb8;
	[tilespmem:$0x1D000] =	vst v63  }
0x8a: {  	_ =	swait.ge [sflag:s24], $0x4000  }
0x8b: {  	[sflag:s24] =	ssyncset.done $0x0  }
0x8c: {  	s10 =	sor.u32 $0x200, s9;
	[sflag:s24] =	ssyncadd.s32 $0xFFFFC000  }
0x8d: {  	[tilespmem:s23], [sflag:$0x1] =	stream.indirect.gather [hbm4b:s0+s26], $0x80, s10, s26, $0xb8;
	[tilespmem:$0x1D000] =	vst v63  }
0x8e: {  	_ =	swait.ge [sflag:s1], $0x4000  }
0x8f: {  	[sflag:s1] =	ssyncset.done $0x0  }
0x90: {  	s10 =	sor.u32 $0x980, s9;
	[sflag:s1] =	ssyncadd.s32 $0xFFFFC000  }
0x91: {  	[spmem:s3] =	stream.indirect.scatter.add.f32 [tilespmem:s28], [sflag:$0x5], $0x80, s10, s26, $0xb8;
	[tilespmem:$0x1D000] =	vst v63  }
0x92: {  	_ =	swait.ge [sflag:s24], $0x4000  }
0x93: {  	[sflag:s24] =	ssyncset.done $0x0  }
0x94: {  	s10 =	sor.u32 $0x280, s9;
	[sflag:s24] =	ssyncadd.s32 $0xFFFFC000  }
0x95: {  	[tilespmem:s28], [sflag:$0x2] =	stream.indirect.gather [hbm4b:s0+s26], $0x80, s10, s26, $0xb8;
	[tilespmem:$0x1D000] =	vst v63  }
0x96: {  	_ =	swait.ge [sflag:s31], $0x4000  }
0x97: {  	[sflag:s31] =	ssyncset.done $0x0  }
0x98: {  	s10 =	sor.u32 $0xA00, s9;
	[sflag:s31] =	ssyncadd.s32 $0xFFFFC000  }
0x99: {  	[spmem:s3] =	stream.indirect.scatter.add.f32 [tilespmem:s23], [sflag:$0x5], $0x80, s10, s26, $0xb8;
	[tilespmem:$0x1D000] =	vst v63  }
0x9a: {  	_ =	swait.ge [sflag:s24], $0x4000  }
0x9b: {  	[sflag:s24] =	ssyncset.done $0x0  }
0x9c: {  	s10 =	sor.u32 $0x300, s9;
	[sflag:s24] =	ssyncadd.s32 $0xFFFFC000  }
0x9d: {  	[tilespmem:s23], [sflag:$0x1] =	stream.indirect.gather [hbm4b:s0+s26], $0x80, s10, s26, $0xb8;
	[tilespmem:$0x1D000] =	vst v63  }
0x9e: {  	_ =	swait.ge [sflag:s1], $0x4000  }
0x9f: {  	[sflag:s1] =	ssyncset.done $0x0  }
0xa0: {  	s10 =	sor.u32 $0xA80, s9;
	[sflag:s1] =	ssyncadd.s32 $0xFFFFC000  }
0xa1: {  	[spmem:s3] =	stream.indirect.scatter.add.f32 [tilespmem:s28], [sflag:$0x5], $0x80, s10, s26, $0xb8;
	[tilespmem:$0x1D000] =	vst v63  }
0xa2: {  	_ =	swait.ge [sflag:s24], $0x4000  }
0xa3: {  	[sflag:s24] =	ssyncset.done $0x0  }
0xa4: {  	s8 =	sor.u32 $0x380, s9;
	[sflag:s24] =	ssyncadd.s32 $0xFFFFC000  }
0xa5: {  	[tilespmem:s28], [sflag:$0x2] =	stream.indirect.gather [hbm4b:s0+s26], $0x80, s8, s26, $0xb8;
	[tilespmem:$0x1D000] =	vst v63  }
0xa6: {  	_ =	swait.ge [sflag:s31], $0x4000  }
0xa7: {  	p0 =	sne.s32 s2, $0x9;
	[sflag:s31] =	ssyncset.done $0x0  }
.Ltmp3:
0xa8: {  	s9 =	sor.u32 $0xB00, s9;
	[sflag:s31] =	ssyncadd.s32 $0xFFFFC000;
	(pc) =	sbr.rel @!p0 .LBB2_5-.Ltmp3, $4  }
0xa9: {  	[spmem:s3] =	stream.indirect.scatter.add.f32 [tilespmem:s23], [sflag:$0x5], $0x80, s9, s26, $0xb8;
	[tilespmem:$0x1D000] =	vst v63  }
0xaa: {  	_ =	swait.ge [sflag:s24], $0x4000  }
0xab: {  	[sflag:s24] =	ssyncset.done $0x0  }
0xac: {  	[sflag:s24] =	ssyncadd.s32 $0xFFFFC000  }
0xad: {  	s2 =	sadd.s32 $0x3, s6  }
0xae: {  	_ =	swait.ge [sflag:s2], $0x400  }
0xaf: {  	[sflag:s2] =	ssyncset.done $0x0  }
0xb0: {  	[sflag:s2] =	ssyncadd.s32 $0xFFFFFC00  }
0xb1: {  	_ =	swait.ge [sflag:s2], $0x400  }
0xb2: {  	[sflag:s2] =	ssyncset.done $0x0  }
0xb3: {  	s9 =	sshll.u32 s6, $0xA;
	[sflag:s2] =	ssyncadd.s32 $0xFFFFFC00  }
0xb4: {  	[tilespmem:s23], [sflag:$0x1] =	stream.indirect.gather [hbm4b:s0+s26], $0x80, s9, s26, $0xb8;
	[tilespmem:$0x1D000] =	vst v63  }
0xb5: {  	_ =	swait.ge [sflag:s1], $0x4000  }
0xb6: {  	[sflag:s1] =	ssyncset.done $0x0  }
0xb7: {  	s10 =	sor.u32 $0x800, s8;
	p0 =	sne.s32 s7, $0xA;
	[sflag:s1] =	ssyncadd.s32 $0xFFFFC000  }
0xb8: {  	[spmem:s3] =	stream.indirect.scatter.add.f32 [tilespmem:s28], [sflag:$0x5], $0x80, s10, s26, $0xb8;
	[tilespmem:$0x1D000] =	vst v63  }
.Ltmp4:
0xb9: {  	_ = 	snop;
	(pc) =	sbr.rel @p0 .LBB2_4-.Ltmp4, $4  }
.Ltmp5:
0xba: {  	_ =	swait.ge [sflag:s24], $0x4000;
	(pc) =	sbr.rel @!p0 .LBB2_7-.Ltmp5, $4  }
0xbb: {  	s21 =	sadd.s32 $0x80, s21;
	s22 =	sadd.s32 $0x80, s22;
	[sflag:s24] =	ssyncset.done $0x0  }
0xbc: {  	s25 =	sadd.s32 $0x400, s25;
	s2 =	sor.u32 $0x80, s9;
	[sflag:s24] =	ssyncadd.s32 $0xFFFFC000  }
0xbd: {  	[tilespmem:s28], [sflag:$0x2] =	stream.indirect.gather [hbm4b:s0+s26], $0x80, s2, s26, $0xb8;
	[tilespmem:$0x1D000] =	vst v63  }
0xbe: {  	_ = 	snop  }
.LBB2_8:
0xbf: {  	_ =	sfence.sel $0x180000  }
0xc0: {  	[bflag:$0x0] =	sbarrier.arrive $0xFFFF  }
0xc1: {  	_ =	strace $0x9000004A  }
0xc2: {  	s0 =	stileid.u32;
	[bflag:$0x2] =	sbarrier.arrive $0xFFFF  }
0xc3: {  	p0 =	sne.s32 s0, $0x0;
	s0 =	rddreg [dreg:$0x3]  }
0xc4: {  	s0 =	sadd.s32 @!p0 $0x100000, s0  }
0xc5: {  	[sflag:s0] =	ssyncadd.tile.s32 @!p0 $0x1;
	_ =	shalt  }
.Lfunc_end2:
_tile_overlayer_lowered:
.L_overlay_start_2:
0xc6: {  	(tag) =	ssettag $0x2  }
0xc7: {  	s0 =	rddreg [dreg:$0x0];
	s2 =	stileid.u32  }
0xc8: {  	s1 =	rddreg [dreg:$0x1];
	p0 =	sne.s32 s2, $0x0  }
0xc9: {  	s3 =	rddreg [dreg:$0x2];
	[bflag:$0x3] =	sbarrier.arrive $0xFFFF;
	s2 =	simm.s32 @!p0 $0x1C05  }
0xca: {  	[timem:s3], [sflag:s2] =	dma.local @!p0 [hbm:s0], s1  }
0xcb: {  	s0 =	simm.s32 @!p0 $0x5  }
0xcc: {  	_ =	swait.ge @!p0 [sflag:s0], s1  }
0xcd: {  	s1 =	ssub.s32 @!p0 $0x0, s1;
	[sflag:s0] =	ssyncset.done @!p0 $0x0  }
0xce: {  	[sflag:s0] =	ssyncadd.s32 @!p0 s1  }
0xcf: {  	[bflag:$0x3] =	sbarrier.arrive $0xFFFF  }
0xd0: {  	_ =	shalt  }

// kernel: kernel.7.cloned.1.call-start
scs
__scs_entry_jumppad:
0x0: {  	(pc) =	sbr.rel $0x88, $3  }
0x1: {  	(tag) =	ssettag $0x0;
	lr =	simm.s32 $0x1  }
0x2: {  	[smem:$0x3F9C] =	sst lr;
	_ =	strace $0xD0000000  }
0x3: {  	_ = 	snop  }
0x4: {  	_ = 	snop  }
0x5: {  	_ = 	snop  }
0x6: {  	_ = 	snop  }
0x7: {  	_ = 	snop  }
__scs_overlays_trampoline_lowered:
0x8: {  	[smem:$0x3FAB] =	sst s0  }
0x9: {  	[smem:$0x3FAC] =	sst s1  }
0xa: {  	[smem:$0x3FAD] =	sst s2  }
0xb: {  	[smem:$0x3FAE] =	sst s3  }
0xc: {  	[smem:$0x3FAF] =	sst s4  }
0xd: {  	[smem:$0x3FB0] =	sst s5  }
0xe: {  	[smem:$0x3FB1] =	sst s6  }
0xf: {  	[smem:$0x3FB2] =	sst s7  }
0x10: {  	[smem:$0x3FB3] =	sst s8  }
0x11: {  	[smem:$0x3FB4] =	sst s9;
	s0 =	simm.s32 @!p0 $0x0  }
0x12: {  	s1 =	sld [smem:$0x3F9A];
	s0 =	simm.s32 @p0 $0x1  }
0x13: {  	[smem:$0x3FB5] =	sst s0;
	s0 =	simm.s32 @!p1 $0x0  }
0x14: {  	s2 =	sld [smem:$0x3F99];
	s0 =	simm.s32 @p1 $0x1  }
0x15: {  	[smem:$0x3FB6] =	sst s0;
	s0 =	simm.s32 @!p2 $0x0  }
0x16: {  	s3 =	sld [smem:$0x3FDB];
	s0 =	simm.s32 @p2 $0x1  }
0x17: {  	s4 =	simm.s32 $0x1BF5;
	[smem:$0x3FB8] =	sst s0  }
0x18: {  	s0 =	sld [smem:$0x3F9B];
	_ =	swait.ge [sflag:s4], $0x0  }
0x19: {  	s7 =	sld [smem:$0x3F9C]  }
0x1a: {  	s8 =	sadd.s32 $0xFFFFE003, lr  }
0x1b: {  	s9 =	sadd.s32 $0xFFFFFEF7, lr;
	s5 =	simm.s32 $0xFFFFFFFF;
	p2 =	slt.u32 s8, $0xFFFFF086  }
0x1c: {  	p1 =	slt.u32 s9, $0xF7A;
	s5 =	simm.s32 @!p2 $0x0  }
0x1d: {  	s5 =	simm.s32 @p1 $0x1;
	p0 =	seq.s32 s7, s2  }
0x1e: {  	s7 =	smul.u32 @!p0 $0xF7A, s2;
	p2 =	seq.s32 @!p0 s5, $0x0  }
0x1f: {  	s9 =	smul.u32 $0xF7A, s1;
	s8 =	simm.s32 @!p0 $0x1BF5;
	p2 =	por !p2, p0  }
0x20: {  	[sflag:s8] =	ssyncset.s32 @!p0 $0xFFFFF086;
	s6 =	sadd.s32 @!p0 s3, s7;
	s7 =	simm.s32 @!p0 $0x108  }
0x21: {  	s3 =	sadd.s32 s3, s9;
	s6 =	sadd.s32 @!p0 $0x88, s6;
	s7 =	simm.s32 @p2 $0x1082  }
0x22: {  	[simem:s7], [sflag:s8] =	dma.local @!p0 [hbm:s6], $0xF7A  }
0x23: {  	s9 =	sor.u32 $0xD0000000, s2;
	s6 =	simm.s32 $0x108;
	_ =	swait.ge @!p0 [sflag:s8], $0x0  }
0x24: {  	s3 =	sadd.s32 $0x88, s3;
	s6 =	simm.s32 @!p1 $0x1082;
	[sflag:s4] =	ssyncset.s32 $0xFFFFF086  }
0x25: {  	[simem:s6], [sflag:s4] =	dma.local [hbm:s3], $0xF7A  }
0x26: {  	[smem:$0x3F9C] =	sst s1;
	(tag) =	ssettag s2;
	_ =	strace s9  }
0x27: {  	s1 =	sld [smem:$0x3FAC]  }
0x28: {  	s2 =	sld [smem:$0x3FAD]  }
0x29: {  	s4 =	sld [smem:$0x3FAF]  }
0x2a: {  	p0 =	seq.s32 s5, $0x0;
	s5 =	sld [smem:$0x3FB0]  }
0x2b: {  	s6 =	sld [smem:$0x3FB1]  }
0x2c: {  	s7 =	sld [smem:$0x3FB2]  }
0x2d: {  	s3 =	simm.s32 $0x108;
	s8 =	sld [smem:$0x3FB3]  }
0x2e: {  	s3 =	simm.s32 @!p0 $0x1082;
	s9 =	sld [smem:$0x3FB4]  }
0x2f: {  	lr =	sadd.s32 s0, s3;
	s0 =	sld [smem:$0x3FAB]  }
0x30: {  	s3 =	sld [smem:$0x3FAE]  }
0x31: {  	[smem:$0x3FB7] =	sst s10  }
0x32: {  	s10 =	sld [smem:$0x3FB5];
	_ =	sdelay $0x3  }
0x33: {  	p0 =	seq.s32 s10, $0x1;
	s10 =	sld [smem:$0x3FB7];
	_ =	sdelay $0x3  }
0x34: {  	[smem:$0x3FB7] =	sst s10  }
0x35: {  	s10 =	sld [smem:$0x3FB6];
	_ =	sdelay $0x3  }
0x36: {  	p1 =	seq.s32 s10, $0x1;
	s10 =	sld [smem:$0x3FB7];
	_ =	sdelay $0x3  }
0x37: {  	[smem:$0x3FB7] =	sst s10  }
0x38: {  	s10 =	sld [smem:$0x3FB8]  }
0x39: {  	_ = 	snop;
	(pc) =	sbr.ind lr, $3  }
0x3a: {  	_ = 	snop  }
0x3b: {  	_ = 	snop  }
0x3c: {  	p2 =	seq.s32 s10, $0x1;
	s10 =	sld [smem:$0x3FB7]  }
0x3d: {  	_ =	shalt  }
0x3e: {  	_ =	shalt  }
0x3f: {  	_ =	shalt  }
0x40: {  	_ =	shalt  }
0x41: {  	_ =	shalt  }
0x42: {  	_ =	shalt  }
0x43: {  	_ =	shalt  }
0x44: {  	_ =	shalt  }
0x45: {  	_ =	shalt  }
0x46: {  	_ =	shalt  }
0x47: {  	_ =	shalt  }
0x48: {  	_ =	shalt  }
0x49: {  	_ =	shalt  }
0x4a: {  	_ =	shalt  }
0x4b: {  	_ =	shalt  }
0x4c: {  	_ =	shalt  }
0x4d: {  	_ =	shalt  }
0x4e: {  	_ =	shalt  }
0x4f: {  	_ =	shalt  }
0x50: {  	_ =	shalt  }
0x51: {  	_ =	shalt  }
0x52: {  	_ =	shalt  }
0x53: {  	_ =	shalt  }
0x54: {  	_ =	shalt  }
0x55: {  	_ =	shalt  }
0x56: {  	_ =	shalt  }
0x57: {  	_ =	shalt  }
0x58: {  	_ =	shalt  }
0x59: {  	_ =	shalt  }
0x5a: {  	_ =	shalt  }
0x5b: {  	_ =	shalt  }
0x5c: {  	_ =	shalt  }
0x5d: {  	_ =	shalt  }
0x5e: {  	_ =	shalt  }
0x5f: {  	_ =	shalt  }
0x60: {  	_ =	shalt  }
0x61: {  	_ =	shalt  }
0x62: {  	_ =	shalt  }
0x63: {  	_ =	shalt  }
0x64: {  	_ =	shalt  }
0x65: {  	_ =	shalt  }
0x66: {  	_ =	shalt  }
0x67: {  	_ =	shalt  }
0x68: {  	_ =	shalt  }
0x69: {  	_ =	shalt  }
0x6a: {  	_ =	shalt  }
0x6b: {  	_ =	shalt  }
0x6c: {  	_ =	shalt  }
0x6d: {  	_ =	shalt  }
0x6e: {  	_ =	shalt  }
0x6f: {  	_ =	shalt  }
0x70: {  	_ =	shalt  }
0x71: {  	_ =	shalt  }
0x72: {  	_ =	shalt  }
0x73: {  	_ =	shalt  }
0x74: {  	_ =	shalt  }
0x75: {  	_ =	shalt  }
0x76: {  	_ =	shalt  }
0x77: {  	_ =	shalt  }
0x78: {  	_ =	shalt  }
0x79: {  	_ =	shalt  }
0x7a: {  	_ =	shalt  }
0x7b: {  	_ =	shalt  }
0x7c: {  	_ =	shalt  }
0x7d: {  	_ =	shalt  }
0x7e: {  	_ =	shalt  }
0x7f: {  	_ =	shalt  }
0x80: {  	_ =	shalt  }
0x81: {  	_ =	shalt  }
0x82: {  	_ =	shalt  }
0x83: {  	_ =	shalt  }
0x84: {  	_ =	shalt  }
0x85: {  	_ =	shalt  }
0x86: {  	_ =	shalt  }
0x87: {  	_ =	shalt  }
.Lfunc_end0:
.L_simem_size_0:
called_computation_lowered:
.L_overlay_start_0:
0x88: {  	s2 =	sld [smem:$0x3FD9]  }
0x89: {  	s3 =	sld [smem:$0x3FFE];
	_ =	sdelay $0x1  }
0x8a: {  	s1 =	srdreg.scid  }
0x8b: {  	s0 =	sand.u32 $0x1, s1  }
0x8c: {  	s17 =	sshll.u32 s0, $0xA;
	s2 =	sadd.s32 s3, s2  }
0x8d: {  	s2 =	sadd.s32 s2, s17  }
0x8e: {  	[smem:$0x3FC3] =	sst s2  }
0x8f: {  	_ = 	snop  }
0x90: {  	s2 =	sld [smem:$0x3FD0];
	(tm) =	ssettm $0x1  }
0x91: {  	s18 =	sld [smem:$0x3FFB];
	_ =	sdelay $0x3  }
0x92: {  	_ =	strace s18  }
0x93: {  	s3 =	sld [smem:$0x3FFC];
	_ =	sdelay $0x3  }
0x94: {  	_ =	strace s3  }
0x95: {  	s3 =	sld [smem:$0x3FFD];
	_ =	sdelay $0x3  }
0x96: {  	_ =	strace s3  }
0x97: {  	_ =	strace $0x8FFFFFFF  }
0x98: {  	s19 =	sld [smem:$0x3FDB];
	_ =	sdelay $0x1  }
0x99: {  	s4 =	simm.s32 $_scs_section_size  }
0x9a: {  	s5 =	simm.s32 $_size__tile_overlayer_lowered;
	s6 =	simm.s32 $_tile_overlayer_lowered  }
0x9b: {  	s22 =	simm.s32 $0x1BFF;
	s21 =	sshll.u32 s6, $0x1;
	s3 =	sadd.s32 s4, s19  }
0x9c: {  	s7 =	simm.s32 $0x0;
	s20 =	sshll.u32 s5, $0x1;
	s5 =	sadd.s32 s21, s3  }
0x9d: {  	[timem:s7], [sflag:s22] =	dma.local [hbm:s5], s20  }
0x9e: {  	_ =	swait.ge [sflag:s22], s20  }
0x9f: {  	s4 =	ssub.s32 $0x0, s20;
	[sflag:s22] =	ssyncset.done $0x0  }
0xa0: {  	[sflag:s22] =	ssyncadd.s32 s4;
	_ =	sdelay $0x1  }
0xa1: {  	s23 =	simm.s32 $0x1B8B  }
0xa2: {  	_ =	swait.ge [sflag:s23], $0x1  }
0xa3: {  	[sflag:s23] =	ssyncset.done $0x0  }
0xa4: {  	s25 =	simm.s32 $0x1B8E;
	s24 =	sld [smem:$0x3FFE];
	[sflag:s23] =	ssyncadd.s32 $0xFFFFFFFF  }
0xa5: {  	s26 =	simm.s32 $execute0_lowered;
	[smem:$0x3FD2] =	sst s25  }
0xa6: {  	s5 =	sshll.u32 s26, $0x1;
	_ =	strace $0x80000046;
	[dreg:$0x1] =	wrdreg $0xFFFFFFFF  }
0xa7: {  	s28 =	simm.s32 $_size_execute0_lowered;
	s3 =	sadd.s32 s3, s5;
	[dreg:$0x0] =	wrdreg $0x0  }
0xa8: {  	s5 =	sshll.u32 s28, $0x1;
	[dreg:$0x2] =	wrdreg s3  }
0xa9: {  	[dreg:$0x3] =	wrdreg s5  }
0xaa: {  	[dreg:$0x4] =	wrdreg $0xC0  }
0xab: {  	_ =	task [dreg:s7], $0x5FFFF  }
0xac: {  	[dreg:$0x1] =	wrdreg $0xFFFFFFFF  }
0xad: {  	[dreg:$0x0] =	wrdreg $0x60  }
0xae: {  	[dreg:$0x2] =	wrdreg s24  }
0xaf: {  	[dreg:$0x3] =	wrdreg s2  }
0xb0: {  	[dreg:$0x4] =	wrdreg $0x2B000  }
0xb1: {  	[dreg:$0x5] =	wrdreg $0x9  }
0xb2: {  	_ =	task.clear_ibuf [dreg:s7], $0x6FFFF;
	_ =	strace $0x90000046  }
0xb3: {  	s29 =	simm.s32 $0x9;
	_ =	strace $0x80000048  }
0xb4: {  	_ =	swait.ge [sflag:s29], $0x1  }
0xb5: {  	[sflag:s29] =	ssyncadd.s32 $0xFFFFFFFF  }
0xb6: {  	_ =	strace $0x90000048  }
0xb7: {  	_ =	sfence  }
0xb8: {  	s30 =	sld [smem:$0x0];
	_ =	sdelay $0x2  }
0xb9: {  	s31 =	sshll.u32 s1, $0xD;
	s1 =	sshrl.u32 s1, $0x2  }
0xba: {  	s3 =	sand.u32 $0x4000, s31;
	s1 =	sadd.s32 s1, s30  }
0xbb: {  	s0 =	sor.u32 s3, s0;
	s1 =	sshll.u32 s1, $0x11  }
0xbc: {  	s0 =	sor.u32 s1, s0  }
0xbd: {  	s0 =	sadd.s32 $0x8F2B, s0  }
0xbe: {  	[sflag:s0] =	ssyncadd.remote.s32 $0x1  }
0xbf: {  	_ =	sfence.sel $0xFFFF  }
0xc0: {  	[dreg:$0x0] =	wrdreg $0xFFFFFFFF;
	(pc) =	sbr.abs _section_cstart, $3  }
0xc1: {  	[dreg:$0x1] =	wrdreg $0xFFFFFFFF  }
0xc2: {  	_ =	task.clear_ibuf [dreg:s7], $0x2FFFF;
	_ =	strace $0x9FFFFFFF  }
0xc3: {  	(tm) =	ssettm $0x7FFFFFFF  }
tec
execute0_lowered:
.L_overlay_start_1:
0x0: {  	(tag) =	ssettag $0x1  }
0x1: {  	s4 =	rddreg [dreg:$0x0]  }
0x2: {  	s6 =	rddreg [dreg:$0x1]  }
0x3: {  	s0 =	srdreg.scid;
	s2 =	rddreg [dreg:$0x2]  }
0x4: {  	s3 =	simm.s32 $0x0;
	s11 =	simm.s32 $0x2800;
	s14 =	simm.s32 $0x20  }
0x5: {  	s15 =	simm.s32 $0x10;
	s5 =	sand.u32 $0x1, s0;
	s0 =	stileid.u32  }
0x6: {  	s16 =	simm.s32 $0x0;
	[smem:$0x7FF] =	sst s3;
	s8 =	smul.u32 $0xA00, s0  }
0x7: {  	s1 =	sshll.u32 s5, $0x4;
	s9 =	ssub.s32 $0x2, s5;
	s10 =	smul.u32 $0x500, s0  }
0x8: {  	s5 =	sshll.u32 s5, $0x7;
	s12 =	sshll.u32 s0, $0x6;
	s7 =	sor.u32 s0, s1  }
0x9: {  	s1 =	rddreg [dreg:$0x3];
	_ =	strace $0x80000047;
	s28 =	sshrl.u32 s9, $0x1  }
0xa: {  	s12 =	sor.u32 $0x1C01, s12;
	s7 =	smul.u32 $0x500, s7;
	s9 =	ssub.s32 s9, s28  }
0xb: {  	s29 =	sshrl.u32 s8, $0x2;
	s30 =	sor.u32 s5, s10;
	s8 =	simm.s32 $0x2880  }
0xc: {  	s10 =	simm.s32 $0x80;
	s31 =	sshrl.u32 s30, $0x3;
	s7 =	sadd.s32 s7, s4  }
0xd: {  	s4 =	sadd.s32 s29, s2;
	s6 =	sadd.s32 s6, s31;
	s5 =	sadd.s32 $0x1A00, s7  }
0xe: {  	v0 =	vimm.f32 $1.000000000e+00;
	v1 =	vimm.f32 $0.0e+00;
	s7 =	smax.u32 s9, $0x1;
	s9 =	simm.s32 $0x1;
	s13 =	sshrl.u32 s4, $0x3  }
.LBB2_1:
0xf: {  	[tilespmem:$0x2800] =	vst v0  }
0x10: {  	[tilespmem:$0x2810] =	vst v0  }
0x11: {  	[tilespmem:$0x2820] =	vst v0  }
0x12: {  	[tilespmem:$0x2830] =	vst v0  }
0x13: {  	[tilespmem:$0x2840] =	vst v0  }
0x14: {  	[tilespmem:$0x2850] =	vst v0  }
0x15: {  	[tilespmem:$0x2860] =	vst v0  }
0x16: {  	[tilespmem:$0x2870] =	vst v0  }
0x17: {  	[tilespmem:$0x2880] =	vst v1  }
0x18: {  	[tilespmem:$0x2890] =	vst v1  }
0x19: {  	[tilespmem:$0x28A0] =	vst v1  }
0x1a: {  	[tilespmem:$0x28B0] =	vst v1  }
0x1b: {  	[tilespmem:$0x28C0] =	vst v1  }
0x1c: {  	[tilespmem:$0x28D0] =	vst v1  }
0x1d: {  	[tilespmem:$0x28E0] =	vst v1  }
0x1e: {  	[tilespmem:$0x28F0] =	vst v1  }
0x1f: {  	[tilespmem:$0x2900] =	vst v1  }
0x20: {  	[tilespmem:$0x2910] =	vst v1  }
0x21: {  	[tilespmem:$0x2920] =	vst v1  }
0x22: {  	[tilespmem:$0x2930] =	vst v1  }
0x23: {  	[tilespmem:$0x2940] =	vst v1  }
0x24: {  	[tilespmem:$0x2950] =	vst v1  }
0x25: {  	[tilespmem:$0x2960] =	vst v1  }
0x26: {  	[tilespmem:$0x2970] =	vst v1  }
0x27: {  	[tilespmem:$0x2980] =	vst v1  }
0x28: {  	[tilespmem:$0x2990] =	vst v1  }
0x29: {  	[tilespmem:$0x29A0] =	vst v1  }
0x2a: {  	[tilespmem:$0x29B0] =	vst v1  }
0x2b: {  	[tilespmem:$0x29C0] =	vst v1  }
0x2c: {  	[tilespmem:$0x29D0] =	vst v1  }
0x2d: {  	[tilespmem:$0x29E0] =	vst v1  }
0x2e: {  	[tilespmem:$0x29F0] =	vst v1  }
0x2f: {  	[tilespmem:$0x2A00] =	vst v1  }
0x30: {  	[tilespmem:$0x2A10] =	vst v1  }
0x31: {  	[tilespmem:$0x2A20] =	vst v1  }
0x32: {  	[tilespmem:$0x2A30] =	vst v1  }
0x33: {  	[tilespmem:$0x2A40] =	vst v1  }
0x34: {  	[tilespmem:$0x2A50] =	vst v1  }
0x35: {  	[tilespmem:$0x2A60] =	vst v1  }
0x36: {  	[tilespmem:$0x2A70] =	vst v1  }
0x37: {  	[tilespmem:$0x2A80] =	vst v1  }
0x38: {  	[tilespmem:$0x2A90] =	vst v1  }
0x39: {  	[tilespmem:$0x2AA0] =	vst v1  }
0x3a: {  	[tilespmem:$0x2AB0] =	vst v1  }
0x3b: {  	[tilespmem:$0x2AC0] =	vst v1  }
0x3c: {  	[tilespmem:$0x2AD0] =	vst v1  }
0x3d: {  	[tilespmem:$0x2AE0] =	vst v1  }
0x3e: {  	[tilespmem:$0x2AF0] =	vst v1  }
0x3f: {  	[spmem:s4] =	stream.linear.scatter [tilespmem:s8], [sflag:$0x1], $0x280, $0x38;
	[tilespmem:$0x2D80] =	vst v63  }
0x40: {  	_ =	swait.ge [sflag:s9], $0x280  }
0x41: {  	[sflag:s9] =	ssyncset.done $0x0  }
0x42: {  	[sflag:s9] =	ssyncadd.s32 $0xFFFFFD80  }
0x43: {  	[bflag:$0x0] =	sbarrier.arrive $0xFFFF  }
0x44: {  	[tilespmem:s3], [sflag:$0x1] =	stream.linear.gather [hbm4b:s5+s3], $0x2800, $0x38;
	[tilespmem:$0x2D80] =	vst v63  }
0x45: {  	_ =	swait.ge [sflag:s9], $0x2800  }
0x46: {  	[sflag:s9] =	ssyncset.done $0x0  }
0x47: {  	s17 =	simm.s32 $0x0;
	[sflag:s9] =	ssyncadd.s32 $0xFFFFD800  }
0x48: {  	[spmem:s2] =	stream.indirect.scatter.add.f32 [tilespmem:s11], [sflag:$0x1], $0x1, s17, s10, $0xb8;
	[tilespmem:$0x2D80] =	vst v63  }
0x49: {  	_ =	swait.ge [sflag:s9], $0x80  }
0x4a: {  	s17 =	simm.s32 $0x200;
	[sflag:s9] =	ssyncset.done $0x0  }
.LBB2_2:
0x4b: {  	s18 =	sshra.s32 s17, $0x2;
	[sflag:s9] =	ssyncadd.s32 $0xFFFFFF80;
	p0 =	sne.s32 s17, $0x9E00  }
0x4c: {  	[spmem:s2] =	stream.indirect.scatter.add.f32 [tilespmem:s11], [sflag:$0x1], $0x1, s18, s10, $0xb8;
	[tilespmem:$0x2D80] =	vst v63  }
.Ltmp0:
0x4d: {  	_ = 	snop;
	(pc) =	sbr.rel @p0 .LBB2_2-.Ltmp0, $4  }
0x4e: {  	_ = 	snop  }
0x4f: {  	s17 =	sadd.s32 $0x200, s17  }
0x50: {  	_ =	swait.ge [sflag:s9], $0x80  }
0x51: {  	[sflag:s9] =	ssyncset.done $0x0  }
0x52: {  	s16 =	sadd.s32 $0x1, s16  }
0x53: {  	[sflag:s9] =	ssyncadd.s32 $0xFFFFFF80;
	p0 =	sne.s32 s16, s7  }
.Ltmp1:
0x54: {  	[bflag:$0x0] =	sbarrier.arrive $0xFFFF;
	(pc) =	sbr.rel @p0 .LBB2_1-.Ltmp1, $4  }
0x55: {  	[hbm:s6@s14], [sflag:s12] =	dma.strided [spmem:s13@s15], $0x50, s9, $0x10   }
0x56: {  	_ =	swait.ge [sflag:s9], $0x50  }
0x57: {  	[sflag:s9] =	ssyncset.done $0x0  }
0x58: {  	[sflag:s9] =	ssyncadd.s32 $0xFFFFFFB0  }
0x59: {  	_ =	sfence.sel $0x180000  }
0x5a: {  	[bflag:$0x0] =	sbarrier.arrive $0xFFFF  }
0x5b: {  	p0 =	sne.s32 s0, $0x0;
	_ =	strace $0x90000047  }
0x5c: {  	s0 =	sadd.s32 @!p0 $0x100000, s1;
	[bflag:$0x2] =	sbarrier.arrive $0xFFFF  }
0x5d: {  	[sflag:s0] =	ssyncadd.tile.s32 @!p0 $0x1;
	_ =	shalt  }
.Lfunc_end2:
_tile_overlayer_lowered:
.L_overlay_start_2:
0x5e: {  	(tag) =	ssettag $0x2  }
0x5f: {  	s0 =	rddreg [dreg:$0x0];
	s2 =	stileid.u32  }
0x60: {  	s1 =	rddreg [dreg:$0x1];
	p0 =	sne.s32 s2, $0x0  }
0x61: {  	s3 =	rddreg [dreg:$0x2];
	[bflag:$0x3] =	sbarrier.arrive $0xFFFF;
	s2 =	simm.s32 @!p0 $0x1C01  }
0x62: {  	[timem:s3], [sflag:s2] =	dma.local @!p0 [hbm:s0], s1  }
0x63: {  	s0 =	simm.s32 @!p0 $0x1  }
0x64: {  	_ =	swait.ge @!p0 [sflag:s0], s1  }
0x65: {  	s1 =	ssub.s32 @!p0 $0x0, s1;
	[sflag:s0] =	ssyncset.done @!p0 $0x0  }
0x66: {  	[sflag:s0] =	ssyncadd.s32 @!p0 s1  }
0x67: {  	[bflag:$0x3] =	sbarrier.arrive $0xFFFF  }
0x68: {  	_ =	shalt  }

</sc_bundles>
